<compile_context>
chip_gen: v7x
topology: tpu7x:2x2x1
jax: 0.10.2.dev20260603
libtpu: 0.0.44.dev20260713+nightly
codegen_flags: <defaults>
</compile_context>

<pallas_src>
import functools

import jax
import jax.numpy as jnp
from jax import lax
from jax.experimental import pallas as pl
from jax.experimental.pallas import tpu as pltpu
from jax.experimental.pallas import tpu_sc as plsc

B, K, N, E = 10000, 20, 100000, 320000
D, DT, DI, H = 128, 100, 100, 2
DH = (D + DT) // H

NW = 32
CH = 160
NBUF = 4

NSPLIT = 2
BH = B // NSPLIT
BKH = BH * K
BKHP = 102400
BCHP = 5120

BB = 40
R = BB * K
GRID = BH // BB


@functools.cache
def _sc_gather_kernel():
    mesh = plsc.VectorSubcoreMesh(core_axis_name="c", subcore_axis_name="s")

    @functools.partial(
        pl.kernel,
        mesh=mesh,
        out_type=[
            jax.ShapeDtypeStruct((BKHP, D), jnp.float32),
            jax.ShapeDtypeStruct((BKHP, D), jnp.float32),
            jax.ShapeDtypeStruct((BCHP, D), jnp.float32),
        ],
        scratch_types=(
            [pltpu.VMEM((CH,), jnp.int32) for _ in range(NBUF)]
            + [pltpu.VMEM((CH, D), jnp.float32) for _ in range(NBUF)]
            + [pltpu.SemaphoreType.DMA for _ in range(2 * NBUF)]
        ),
    )
    def _sc_gather(node_hbm, edge_hbm, nidx_hbm, eidx_hbm, cidx_hbm,
                   neigh_out, edge_out, cent_out, *scr):
        wid = lax.axis_index("s") * 2 + lax.axis_index("c")
        cpw = BKHP // CH // NW
        my_count = cpw
        my_start = wid * cpw
        idx_b = scr[:NBUF]
        rows_b = scr[NBUF:2 * NBUF]
        gsem = scr[2 * NBUF:3 * NBUF]
        wsem = scr[3 * NBUF:4 * NBUF]

        def pipe_span(table, idx_hbm, out_hbm, base0, nchunks):

            def load_and_gather(c, b):
                base = pl.multiple_of(base0 + c * CH, CH)
                pltpu.sync_copy(idx_hbm.at[pl.ds(base, CH)], idx_b[b])
                pltpu.async_copy(table.at[idx_b[b]], rows_b[b], gsem[b])

            def wait_gather(b):
                pltpu.make_async_copy(table.at[idx_b[b]], rows_b[b],
                                      gsem[b]).wait()

            def start_wb(c, b):
                base = pl.multiple_of(base0 + c * CH, CH)
                pltpu.async_copy(rows_b[b], out_hbm.at[pl.ds(base, CH)],
                                 wsem[b])

            def wait_wb(b):
                pltpu.make_async_copy(
                    rows_b[b], out_hbm.at[pl.ds(base0, CH)],
                    wsem[b]).wait()

            for b in range(NBUF):
                load_and_gather(b, b)

            def body(i, carry):
                for b in range(NBUF):
                    wait_gather(b)
                    start_wb(NBUF * i + b, b)
                for b in range(NBUF):
                    nxt = NBUF * i + b + NBUF

                    @pl.when(nxt < nchunks)
                    def _():
                        wait_wb(b)
                        load_and_gather(nxt, b)
                return carry

            lax.fori_loop(0, nchunks // NBUF, body, 0)
            for b in range(NBUF):
                wait_wb(b)

        pipe_span(node_hbm, nidx_hbm, neigh_out, my_start * CH, my_count)
        pipe_span(edge_hbm, eidx_hbm, edge_out, my_start * CH, my_count)

        @pl.when(wid < BCHP // CH)
        def _():
            cbase = pl.multiple_of(wid * CH, CH)
            pltpu.sync_copy(cidx_hbm.at[pl.ds(cbase, CH)], idx_b[0])
            pltpu.async_copy(node_hbm.at[idx_b[0]], rows_b[0], gsem[0]).wait()
            pltpu.sync_copy(rows_b[0], cent_out.at[pl.ds(cbase, CH)])

    return _sc_gather


_INV2PI = 0.15915494309189535
_COS_C = (1.0, -19.739208802178716, 64.93939402266828, -85.45681720669371,
          60.24464137187664, -26.426256783374388, 7.903536371318465,
          -1.7143907110886711, 0.282005968455791)


def _cos(x):
    y = x * _INV2PI
    r = y - lax.round(y)
    u = r * r
    p = jnp.full_like(u, _COS_C[8])
    for c in _COS_C[7::-1]:
        p = p * u + c
    return p


def _tc_body(*refs):
    (nx_ref, ex_ref, cx_ref, dl_ref, re_ref, dg_ref, nid_ref,
     msel_ref, psel_ref, ptsel_ref,
     tw_ref, tb_ref, w1_ref, b1_ref, w2_ref, b2_ref) = refs[:16]
    wq = refs[16:20]
    wk = refs[20:28]
    wv = refs[28:36]
    wo = refs[36:38]
    out_ref = refs[38]

    f32 = jnp.float32
    bf16 = jnp.bfloat16
    dot = lambda a, b: lax.dot_general(
        a, b, (((1,), (0,)), ((), ())), preferred_element_type=f32)
    dot_nt = lambda a, b: lax.dot_general(
        a, b, (((1,), (1,)), ((), ())), preferred_element_type=f32)

    nx = nx_ref[...].astype(bf16)
    ex = ex_ref[...].astype(bf16)
    cx = cx_ref[...]
    dt = _cos(dl_ref[...] * tw_ref[...] + tb_ref[...]).astype(bf16)
    re = re_ref[...]
    dg = dg_ref[...]
    safe = jnp.where(re == 0.0, 1.0, re)
    imp = jnp.where(re == 0.0, 0.0, dg / safe)
    h1 = jnp.maximum(imp * w1_ref[...] + b1_ref[...], 0.0)
    impf = dot(h1, w2_ref[...]) + b2_ref[...]
    t0 = _cos(tb_ref[...])

    msel = msel_ref[...]
    psel = psel_ref[...]
    ptsel = ptsel_ref[...]
    pad_mask = nid_ref[...] == 0
    inv_sqrt = 1.0 / (float(DH) ** 0.5)

    aggs = []
    for h in range(H):
        q = dot(cx, wq[2 * h][...]) + dot(t0, wq[2 * h + 1][...])
        kh = (dot(nx, wk[4 * h][...]) + dot(ex, wk[4 * h + 1][...])
              + dot(dt, wk[4 * h + 2][...]) + dot(impf, wk[4 * h + 3][...]))
        vh = (dot(nx, wv[4 * h][...]) + dot(ex, wv[4 * h + 1][...])
              + dot(dt, wv[4 * h + 2][...]) + dot(impf, wv[4 * h + 3][...]))
        s_full = dot_nt(q, kh) * msel
        scores = dot(s_full, psel) * inv_sqrt
        scores = jnp.where(pad_mask, -1e9, scores)
        m = jnp.max(scores, axis=-1, keepdims=True)
        e = jnp.exp(scores - m)
        attn = e / jnp.sum(e, axis=-1, keepdims=True)
        ae = dot(attn, ptsel) * msel
        aggs.append(dot(ae, vh))

    out_ref[...] = dot(aggs[0], wo[0][...]) + dot(aggs[1], wo[1][...]) + cx


def _tc_specs():
    full = lambda shape: pl.BlockSpec(shape, lambda i: (0, 0))
    in_specs = [
        pl.BlockSpec((R, D), lambda i: (i, 0)),
        pl.BlockSpec((R, D), lambda i: (i, 0)),
        pl.BlockSpec((BB, D), lambda i: (i, 0)),
        pl.BlockSpec((R, 1), lambda i: (i, 0)),
        pl.BlockSpec((R, 1), lambda i: (i, 0)),
        pl.BlockSpec((R, 1), lambda i: (i, 0)),
        pl.BlockSpec((BB, K), lambda i: (i, 0)),
        full((BB, R)), full((R, K)), full((K, R)),
        full((1, DT)), full((1, DT)),
        full((1, DI)), full((1, DI)),
        full((DI, DI)), full((1, DI)),
        full((D, DH)), full((DT, DH)),
        full((D, DH)), full((DT, DH)),
    ]
    for _ in range(2):
        for _h in range(H):
            in_specs += [full((D, DH)), full((D, DH)),
                         full((DT, DH)), full((DI, DH))]
    in_specs += [full((DH, D)), full((DH, D))]
    out_specs = pl.BlockSpec((BB, D), lambda i: (i, 0))
    out_shape = jax.ShapeDtypeStruct((BH, D), jnp.float32)
    return dict(grid=(GRID,), in_specs=in_specs, out_specs=out_specs,
                out_shape=out_shape,
                compiler_params=pltpu.CompilerParams(
                    dimension_semantics=("parallel",)))


def kernel(center_nids, neigh_nids, neigh_eids, ts, neigh_ts, neigh_re,
           neigh_degree, node_table, edge_table, time_w, time_b,
           W1, b1, W2, b2, Wq, Wk, Wv, Wo):
    i32 = jnp.int32
    sc = _sc_gather_kernel()
    tc = pl.pallas_call(_tc_body, **_tc_specs())

    wargs = [
        time_w.reshape(1, DT), time_b.reshape(1, DT),
        W1.reshape(1, DI), b1.reshape(1, DI), W2, b2.reshape(1, DI),
        Wq[:D, :DH], Wq[D:, :DH], Wq[:D, DH:], Wq[D:, DH:],
    ]
    bf16 = jnp.bfloat16
    for wmat in (Wk, Wv):
        for h in range(H):
            cs = slice(h * DH, (h + 1) * DH)
            wargs += [wmat[:D, cs].astype(bf16), wmat[D:2 * D, cs].astype(bf16),
                      wmat[2 * D:2 * D + DT, cs].astype(bf16),
                      wmat[2 * D + DT:, cs]]
    wargs += [Wo[:DH, :], Wo[DH:, :]]

    ar = jnp.arange(R, dtype=i32)
    msel = (ar[None, :] // K ==
            jnp.arange(BB, dtype=i32)[:, None]).astype(jnp.float32)
    psel = (ar[:, None] % K ==
            jnp.arange(K, dtype=i32)[None, :]).astype(jnp.float32)
    ptsel = psel.T

    outs = []
    for p in range(NSPLIT):
        sl = slice(p * BH, (p + 1) * BH)
        nid = neigh_nids[sl].astype(i32)
        nidx = jnp.concatenate([nid.reshape(-1),
                                jnp.zeros((BKHP - BKH,), i32)])
        eidx = jnp.concatenate([neigh_eids[sl].reshape(-1).astype(i32),
                                jnp.zeros((BKHP - BKH,), i32)])
        cidx = jnp.concatenate([center_nids[sl].astype(i32),
                                jnp.zeros((BCHP - BH,), i32)])
        neigh_rows, edge_rows, cent_rows = sc(
            node_table, edge_table, nidx, eidx, cidx)

        dl = (ts[sl][:, None] - neigh_ts[sl]).reshape(BKH, 1)
        re = neigh_re[sl].reshape(BKH, 1)
        dg = neigh_degree[sl].reshape(BKH, 1)

        outs.append(tc(neigh_rows, edge_rows, cent_rows, dl, re, dg, nid,
                       msel, psel, ptsel, *wargs))

    return jnp.concatenate(outs, axis=0)

# --- scband reference (transcript-rebuilt; emitter-appended) ---
"""Pipeline reference for scband-graph-attn-embedding-54400055771688 (READ-ONLY COPY).

The authoritative reference and input builder live on the scoring server;
editing this copy changes nothing except your own understanding.
"""

import jax, jax.numpy as jnp
import numpy as np

B, K, N, E = 10000, 20, 100000, 320000
D, DT, DI, H = 128, 100, 100, 2
DH = (D + DT) // H


def setup_inputs(seed: int = 0) -> dict:
    key = jax.random.key(seed)
    ks = jax.random.split(key, 24)
    inp = {}
    inp["center_nids"] = jax.random.randint(ks[0], (B,), 0, N)
    inp["neigh_nids"] = jax.random.randint(ks[1], (B, K), 0, N)
    inp["neigh_eids"] = jax.random.randint(ks[2], (B, K), 0, E)
    inp["ts"] = jax.random.uniform(ks[3], (B,), dtype=jnp.float32)
    inp["neigh_ts"] = jax.random.uniform(ks[4], (B, K), dtype=jnp.float32)
    inp["neigh_re"] = jax.random.uniform(ks[5], (B, K), dtype=jnp.float32)
    inp["neigh_degree"] = jax.random.uniform(ks[6], (B, K), dtype=jnp.float32)
    inp["node_table"] = jax.random.normal(ks[7], (N, D), dtype=jnp.float32) * 0.1
    inp["edge_table"] = jax.random.normal(ks[8], (E, D), dtype=jnp.float32) * 0.1
    inp["time_w"] = jax.random.normal(ks[9], (DT,), dtype=jnp.float32)
    inp["time_b"] = jax.random.normal(ks[10], (DT,), dtype=jnp.float32)
    inp["W1"] = jax.random.normal(ks[11], (1, DI), dtype=jnp.float32) * 0.1
    inp["b1"] = jnp.zeros((DI,), dtype=jnp.float32)
    inp["W2"] = jax.random.normal(ks[12], (DI, DI), dtype=jnp.float32) * 0.1
    inp["b2"] = jnp.zeros((DI,), dtype=jnp.float32)
    inp["Wq"] = jax.random.normal(ks[13], (D + DT, H * DH), dtype=jnp.float32) * 0.05
    inp["Wk"] = jax.random.normal(ks[14], (2 * D + DT + DI, H * DH), dtype=jnp.float32) * 0.05
    inp["Wv"] = jax.random.normal(ks[15], (2 * D + DT + DI, H * DH), dtype=jnp.float32) * 0.05
    inp["Wo"] = jax.random.normal(ks[16], (H * DH, D), dtype=jnp.float32) * 0.05
    return inp


def reference(center_nids, neigh_nids, neigh_eids, ts, neigh_ts, neigh_re, neigh_degree,
              node_table, edge_table, time_w, time_b, W1, b1, W2, b2, Wq, Wk, Wv, Wo):
    # gather raw node / edge embeddings (SparseCore gathers)
    center_x = jnp.take(node_table, center_nids, axis=0)          # [B, D]
    neigh_x = jnp.take(node_table, neigh_nids, axis=0)            # [B, K, D]
    edge_x = jnp.take(edge_table, neigh_eids, axis=0)             # [B, K, D]
    # time encoding: cos(t * w + b)
    delta_ts = ts[:, None] - neigh_ts                             # [B, K]
    dt_repr = jnp.cos(delta_ts[..., None] * time_w + time_b)      # [B, K, DT]
    t0_repr = jnp.cos(jnp.zeros((ts.shape[0], 1), dtype=ts.dtype) * time_w + time_b)  # [B, DT]
    # importance score = degree / re, masked where re == 0
    safe_re = jnp.where(neigh_re == 0.0, 1.0, neigh_re)
    imp = jnp.where(neigh_re == 0.0, 0.0, neigh_degree / safe_re)  # [B, K]
    h1 = jax.nn.relu(jnp.matmul(imp[..., None], W1) + b1)          # [B, K, DI]
    imp_feat = jnp.matmul(h1, W2) + b2                             # [B, K, DI]
    # temporal multi-head attention aggregation
    q_in = jnp.concatenate([center_x, t0_repr], axis=-1)           # [B, D+DT]
    kv_in = jnp.concatenate([neigh_x, edge_x, dt_repr, imp_feat], axis=-1)  # [B, K, 2D+DT+DI]
    q = (q_in @ Wq).reshape(-1, H, DH)
    k = (kv_in @ Wk).reshape(kv_in.shape[0], kv_in.shape[1], H, DH)
    v = (kv_in @ Wv).reshape(kv_in.shape[0], kv_in.shape[1], H, DH)
    scores = jnp.einsum('bhd,bkhd->bhk', q, k) / jnp.sqrt(jnp.float32(DH))
    mask = (neigh_nids == 0)                                       # padding neighbors
    scores = jnp.where(mask[:, None, :], -1e9, scores)
    attn = jax.nn.softmax(scores, axis=-1)
    agg = jnp.einsum('bhk,bkhd->bhd', attn, v).reshape(-1, H * DH)
    out = agg @ Wo + center_x                                      # residual with center repr
    return out

if __name__ == "__main__":
    import jax
    _d = setup_inputs()
    print(jax.jit(kernel)(*tuple(_d.values())))

</pallas_src>

<mosaic_0001>
#map = affine_map<(d0, d1) -> (0, 0)>
#map1 = affine_map<(d0, d1) -> (0)>
module attributes {stable_mosaic.version = 14 : i64} {
  func.func @_sc_gather(%arg0: i32, %arg1: i32, %arg2: memref<100000x128xf32, #tpu.memory_space<hbm>>, %arg3: memref<320000x128xf32, #tpu.memory_space<hbm>>, %arg4: memref<102400xi32, #tpu.memory_space<hbm>>, %arg5: memref<102400xi32, #tpu.memory_space<hbm>>, %arg6: memref<5120xi32, #tpu.memory_space<hbm>>, %arg7: memref<102400x128xf32, #tpu.memory_space<hbm>>, %arg8: memref<102400x128xf32, #tpu.memory_space<hbm>>, %arg9: memref<5120x128xf32, #tpu.memory_space<hbm>>, %arg10: memref<160xi32, #tpu.memory_space<vmem>>, %arg11: memref<160xi32, #tpu.memory_space<vmem>>, %arg12: memref<160xi32, #tpu.memory_space<vmem>>, %arg13: memref<160xi32, #tpu.memory_space<vmem>>, %arg14: memref<160x128xf32, #tpu.memory_space<vmem>>, %arg15: memref<160x128xf32, #tpu.memory_space<vmem>>, %arg16: memref<160x128xf32, #tpu.memory_space<vmem>>, %arg17: memref<160x128xf32, #tpu.memory_space<vmem>>, %arg18: memref<!tpu.dma_semaphore, #tpu.memory_space<semaphore_mem>>, %arg19: memref<!tpu.dma_semaphore, #tpu.memory_space<semaphore_mem>>, %arg20: memref<!tpu.dma_semaphore, #tpu.memory_space<semaphore_mem>>, %arg21: memref<!tpu.dma_semaphore, #tpu.memory_space<semaphore_mem>>, %arg22: memref<!tpu.dma_semaphore, #tpu.memory_space<semaphore_mem>>, %arg23: memref<!tpu.dma_semaphore, #tpu.memory_space<semaphore_mem>>, %arg24: memref<!tpu.dma_semaphore, #tpu.memory_space<semaphore_mem>>, %arg25: memref<!tpu.dma_semaphore, #tpu.memory_space<semaphore_mem>>) attributes {dimension_semantics = [#tpu.dimension_semantics<core_parallel>, #tpu.dimension_semantics<subcore_parallel>], iteration_bounds = array<i64: 2, 16>, scalar_prefetch = 0 : i64, scratch_operands = 16 : i64, tpu.core_type = #tpu.core_type<sc_vector_subcore>, window_params = [{transform_indices = #map}, {transform_indices = #map}, {transform_indices = #map1}, {transform_indices = #map1}, {transform_indices = #map1}, {transform_indices = #map}, {transform_indices = #map}, {transform_indices = #map}]} {
    %mul3A = arith.constant 2 : i32
    %mul3A_0 = arith.muli %arg1, %mul3A : i32
    %add3A = arith.addi %mul3A_0, %arg0 : i32
    %mul3A_1 = arith.constant 20 : i32
    %mul3A_2 = arith.muli %add3A, %mul3A_1 : i32
    %mul3A_3 = arith.constant 160 : i32
    %mul3A_4 = arith.muli %mul3A_2, %mul3A_3 : i32
    %add3A_5 = arith.constant 0 : i32
    %add3A_6 = arith.addi %mul3A_4, %add3A_5 : i32
    %multiple_of3A = tpu.assume_multiple %add3A_6, 160 : i32
    "tpu.region"() ({
      %run_scoped3A = tpu.sem_alloc : memref<!tpu.dma_semaphore, #tpu.memory_space<semaphore_mem>>
      %dma_start3A_97 = tpu.memref_slice %arg4[%multiple_of3A] : memref<102400xi32, #tpu.memory_space<hbm>> -> memref<160xi32, #tpu.memory_space<hbm>>
      %dma_start3A_98 = tpu.memref_slice %arg4[%multiple_of3A] : memref<102400xi32, #tpu.memory_space<hbm>> -> memref<160xi32, #tpu.memory_space<hbm>>
      tpu.enqueue_dma source(%dma_start3A_98 : memref<160xi32, #tpu.memory_space<hbm>>) target(%arg10 : memref<160xi32, #tpu.memory_space<vmem>>) target_semaphore(%run_scoped3A : memref<!tpu.dma_semaphore, #tpu.memory_space<semaphore_mem>>)
      %dma_wait3A_99 = tpu.memref_slice %arg4[%multiple_of3A] : memref<102400xi32, #tpu.memory_space<hbm>> -> memref<160xi32, #tpu.memory_space<hbm>>
      %dma_wait3A_100 = tpu.memref_slice %arg4[%multiple_of3A] : memref<102400xi32, #tpu.memory_space<hbm>> -> memref<160xi32, #tpu.memory_space<hbm>>
      tpu.wait_dma2 semaphore(%run_scoped3A : memref<!tpu.dma_semaphore, #tpu.memory_space<semaphore_mem>>) src(%dma_wait3A_100 : memref<160xi32, #tpu.memory_space<hbm>>) dst(%arg10 : memref<160xi32, #tpu.memory_space<vmem>>)
      tpu.yield
    }) : () -> ()
    %dma_start3A = arith.constant 0 : i32
    %dma_start3A_7 = arith.constant 0 : i32
    %dma_start3A_8 = tpu.memref_slice %arg2[%dma_start3A, %dma_start3A_7] : memref<100000x128xf32, #tpu.memory_space<hbm>> -> memref<100000x128xf32, #tpu.memory_space<hbm>>
    tpu.enqueue_indirect_dma source(%dma_start3A_8 : memref<100000x128xf32, #tpu.memory_space<hbm>>) target(%arg14 : memref<160x128xf32, #tpu.memory_space<vmem>>) offsets(%arg10 : memref<160xi32, #tpu.memory_space<vmem>>) semaphore(%arg18 : memref<!tpu.dma_semaphore, #tpu.memory_space<semaphore_mem>>)
    %add3A_9 = arith.constant 160 : i32
    %add3A_10 = arith.addi %mul3A_4, %add3A_9 : i32
    %multiple_of3A_11 = tpu.assume_multiple %add3A_10, 160 : i32
    "tpu.region"() ({
      %run_scoped3A = tpu.sem_alloc : memref<!tpu.dma_semaphore, #tpu.memory_space<semaphore_mem>>
      %dma_start3A_97 = tpu.memref_slice %arg4[%multiple_of3A_11] : memref<102400xi32, #tpu.memory_space<hbm>> -> memref<160xi32, #tpu.memory_space<hbm>>
      %dma_start3A_98 = tpu.memref_slice %arg4[%multiple_of3A_11] : memref<102400xi32, #tpu.memory_space<hbm>> -> memref<160xi32, #tpu.memory_space<hbm>>
      tpu.enqueue_dma source(%dma_start3A_98 : memref<160xi32, #tpu.memory_space<hbm>>) target(%arg11 : memref<160xi32, #tpu.memory_space<vmem>>) target_semaphore(%run_scoped3A : memref<!tpu.dma_semaphore, #tpu.memory_space<semaphore_mem>>)
      %dma_wait3A_99 = tpu.memref_slice %arg4[%multiple_of3A_11] : memref<102400xi32, #tpu.memory_space<hbm>> -> memref<160xi32, #tpu.memory_space<hbm>>
      %dma_wait3A_100 = tpu.memref_slice %arg4[%multiple_of3A_11] : memref<102400xi32, #tpu.memory_space<hbm>> -> memref<160xi32, #tpu.memory_space<hbm>>
      tpu.wait_dma2 semaphore(%run_scoped3A : memref<!tpu.dma_semaphore, #tpu.memory_space<semaphore_mem>>) src(%dma_wait3A_100 : memref<160xi32, #tpu.memory_space<hbm>>) dst(%arg11 : memref<160xi32, #tpu.memory_space<vmem>>)
      tpu.yield
    }) : () -> ()
    %dma_start3A_12 = arith.constant 0 : i32
    %dma_start3A_13 = arith.constant 0 : i32
    %dma_start3A_14 = tpu.memref_slice %arg2[%dma_start3A_12, %dma_start3A_13] : memref<100000x128xf32, #tpu.memory_space<hbm>> -> memref<100000x128xf32, #tpu.memory_space<hbm>>
    tpu.enqueue_indirect_dma source(%dma_start3A_14 : memref<100000x128xf32, #tpu.memory_space<hbm>>) target(%arg15 : memref<160x128xf32, #tpu.memory_space<vmem>>) offsets(%arg11 : memref<160xi32, #tpu.memory_space<vmem>>) semaphore(%arg19 : memref<!tpu.dma_semaphore, #tpu.memory_space<semaphore_mem>>)
    %add3A_15 = arith.constant 320 : i32
    %add3A_16 = arith.addi %mul3A_4, %add3A_15 : i32
    %multiple_of3A_17 = tpu.assume_multiple %add3A_16, 160 : i32
    "tpu.region"() ({
      %run_scoped3A = tpu.sem_alloc : memref<!tpu.dma_semaphore, #tpu.memory_space<semaphore_mem>>
      %dma_start3A_97 = tpu.memref_slice %arg4[%multiple_of3A_17] : memref<102400xi32, #tpu.memory_space<hbm>> -> memref<160xi32, #tpu.memory_space<hbm>>
      %dma_start3A_98 = tpu.memref_slice %arg4[%multiple_of3A_17] : memref<102400xi32, #tpu.memory_space<hbm>> -> memref<160xi32, #tpu.memory_space<hbm>>
      tpu.enqueue_dma source(%dma_start3A_98 : memref<160xi32, #tpu.memory_space<hbm>>) target(%arg12 : memref<160xi32, #tpu.memory_space<vmem>>) target_semaphore(%run_scoped3A : memref<!tpu.dma_semaphore, #tpu.memory_space<semaphore_mem>>)
      %dma_wait3A_99 = tpu.memref_slice %arg4[%multiple_of3A_17] : memref<102400xi32, #tpu.memory_space<hbm>> -> memref<160xi32, #tpu.memory_space<hbm>>
      %dma_wait3A_100 = tpu.memref_slice %arg4[%multiple_of3A_17] : memref<102400xi32, #tpu.memory_space<hbm>> -> memref<160xi32, #tpu.memory_space<hbm>>
      tpu.wait_dma2 semaphore(%run_scoped3A : memref<!tpu.dma_semaphore, #tpu.memory_space<semaphore_mem>>) src(%dma_wait3A_100 : memref<160xi32, #tpu.memory_space<hbm>>) dst(%arg12 : memref<160xi32, #tpu.memory_space<vmem>>)
      tpu.yield
    }) : () -> ()
    %dma_start3A_18 = arith.constant 0 : i32
    %dma_start3A_19 = arith.constant 0 : i32
    %dma_start3A_20 = tpu.memref_slice %arg2[%dma_start3A_18, %dma_start3A_19] : memref<100000x128xf32, #tpu.memory_space<hbm>> -> memref<100000x128xf32, #tpu.memory_space<hbm>>
    tpu.enqueue_indirect_dma source(%dma_start3A_20 : memref<100000x128xf32, #tpu.memory_space<hbm>>) target(%arg16 : memref<160x128xf32, #tpu.memory_space<vmem>>) offsets(%arg12 : memref<160xi32, #tpu.memory_space<vmem>>) semaphore(%arg20 : memref<!tpu.dma_semaphore, #tpu.memory_space<semaphore_mem>>)
    %add3A_21 = arith.constant 480 : i32
    %add3A_22 = arith.addi %mul3A_4, %add3A_21 : i32
    %multiple_of3A_23 = tpu.assume_multiple %add3A_22, 160 : i32
    "tpu.region"() ({
      %run_scoped3A = tpu.sem_alloc : memref<!tpu.dma_semaphore, #tpu.memory_space<semaphore_mem>>
      %dma_start3A_97 = tpu.memref_slice %arg4[%multiple_of3A_23] : memref<102400xi32, #tpu.memory_space<hbm>> -> memref<160xi32, #tpu.memory_space<hbm>>
      %dma_start3A_98 = tpu.memref_slice %arg4[%multiple_of3A_23] : memref<102400xi32, #tpu.memory_space<hbm>> -> memref<160xi32, #tpu.memory_space<hbm>>
      tpu.enqueue_dma source(%dma_start3A_98 : memref<160xi32, #tpu.memory_space<hbm>>) target(%arg13 : memref<160xi32, #tpu.memory_space<vmem>>) target_semaphore(%run_scoped3A : memref<!tpu.dma_semaphore, #tpu.memory_space<semaphore_mem>>)
      %dma_wait3A_99 = tpu.memref_slice %arg4[%multiple_of3A_23] : memref<102400xi32, #tpu.memory_space<hbm>> -> memref<160xi32, #tpu.memory_space<hbm>>
      %dma_wait3A_100 = tpu.memref_slice %arg4[%multiple_of3A_23] : memref<102400xi32, #tpu.memory_space<hbm>> -> memref<160xi32, #tpu.memory_space<hbm>>
      tpu.wait_dma2 semaphore(%run_scoped3A : memref<!tpu.dma_semaphore, #tpu.memory_space<semaphore_mem>>) src(%dma_wait3A_100 : memref<160xi32, #tpu.memory_space<hbm>>) dst(%arg13 : memref<160xi32, #tpu.memory_space<vmem>>)
      tpu.yield
    }) : () -> ()
    %dma_start3A_24 = arith.constant 0 : i32
    %dma_start3A_25 = arith.constant 0 : i32
    %dma_start3A_26 = tpu.memref_slice %arg2[%dma_start3A_24, %dma_start3A_25] : memref<100000x128xf32, #tpu.memory_space<hbm>> -> memref<100000x128xf32, #tpu.memory_space<hbm>>
    tpu.enqueue_indirect_dma source(%dma_start3A_26 : memref<100000x128xf32, #tpu.memory_space<hbm>>) target(%arg17 : memref<160x128xf32, #tpu.memory_space<vmem>>) offsets(%arg13 : memref<160xi32, #tpu.memory_space<vmem>>) semaphore(%arg21 : memref<!tpu.dma_semaphore, #tpu.memory_space<semaphore_mem>>)
    %scan3A = arith.constant 0 : i32
    %scan3A_27 = arith.constant 0 : i32
    %scan3A_28 = arith.constant 5 : i32
    %scan3A_29 = arith.addi %scan3A_27, %scan3A_28 : i32
    %scan3A_30 = arith.constant 1 : i32
    scf.for %scan3A_97 = %scan3A_27 to %scan3A_29 step %scan3A_30  : i32 {
      %dma_wait3A_98 = arith.constant 0 : i32
      %dma_wait3A_99 = arith.constant 0 : i32
      %dma_wait3A_100 = tpu.memref_slice %arg2[%dma_wait3A_98, %dma_wait3A_99] : memref<100000x128xf32, #tpu.memory_space<hbm>> -> memref<100000x128xf32, #tpu.memory_space<hbm>>
      tpu.wait_indirect_dma semaphore(%arg18 : memref<!tpu.dma_semaphore, #tpu.memory_space<semaphore_mem>>) src(%dma_wait3A_100 : memref<100000x128xf32, #tpu.memory_space<hbm>>) dst(%arg14 : memref<160x128xf32, #tpu.memory_space<vmem>>)
      %mul3A_101 = arith.constant 4 : i32
      %mul3A_102 = arith.muli %mul3A_101, %scan3A_97 : i32
      %add3A_103 = arith.constant 0 : i32
      %add3A_104 = arith.addi %mul3A_102, %add3A_103 : i32
      %mul3A_105 = arith.constant 160 : i32
      %mul3A_106 = arith.muli %add3A_104, %mul3A_105 : i32
      %add3A_107 = arith.addi %mul3A_4, %mul3A_106 : i32
      %multiple_of3A_108 = tpu.assume_multiple %add3A_107, 160 : i32
      %dma_start3A_109 = arith.constant 0 : i32
      %dma_start3A_110 = tpu.memref_slice %arg7[%multiple_of3A_108, %dma_start3A_109] : memref<102400x128xf32, #tpu.memory_space<hbm>> -> memref<160x128xf32, #tpu.memory_space<hbm>>
      %dma_start3A_111 = arith.constant 0 : i32
      %dma_start3A_112 = tpu.memref_slice %arg7[%multiple_of3A_108, %dma_start3A_111] : memref<102400x128xf32, #tpu.memory_space<hbm>> -> memref<160x128xf32, #tpu.memory_space<hbm>>
      tpu.enqueue_dma source(%arg14 : memref<160x128xf32, #tpu.memory_space<vmem>>) target(%dma_start3A_112 : memref<160x128xf32, #tpu.memory_space<hbm>>) target_semaphore(%arg22 : memref<!tpu.dma_semaphore, #tpu.memory_space<semaphore_mem>>)
      %dma_wait3A_113 = arith.constant 0 : i32
      %dma_wait3A_114 = arith.constant 0 : i32
      %dma_wait3A_115 = tpu.memref_slice %arg2[%dma_wait3A_113, %dma_wait3A_114] : memref<100000x128xf32, #tpu.memory_space<hbm>> -> memref<100000x128xf32, #tpu.memory_space<hbm>>
      tpu.wait_indirect_dma semaphore(%arg19 : memref<!tpu.dma_semaphore, #tpu.memory_space<semaphore_mem>>) src(%dma_wait3A_115 : memref<100000x128xf32, #tpu.memory_space<hbm>>) dst(%arg15 : memref<160x128xf32, #tpu.memory_space<vmem>>)
      %mul3A_116 = arith.constant 4 : i32
      %mul3A_117 = arith.muli %mul3A_116, %scan3A_97 : i32
      %add3A_118 = arith.constant 1 : i32
      %add3A_119 = arith.addi %mul3A_117, %add3A_118 : i32
      %mul3A_120 = arith.constant 160 : i32
      %mul3A_121 = arith.muli %add3A_119, %mul3A_120 : i32
      %add3A_122 = arith.addi %mul3A_4, %mul3A_121 : i32
      %multiple_of3A_123 = tpu.assume_multiple %add3A_122, 160 : i32
      %dma_start3A_124 = arith.constant 0 : i32
      %dma_start3A_125 = tpu.memref_slice %arg7[%multiple_of3A_123, %dma_start3A_124] : memref<102400x128xf32, #tpu.memory_space<hbm>> -> memref<160x128xf32, #tpu.memory_space<hbm>>
      %dma_start3A_126 = arith.constant 0 : i32
      %dma_start3A_127 = tpu.memref_slice %arg7[%multiple_of3A_123, %dma_start3A_126] : memref<102400x128xf32, #tpu.memory_space<hbm>> -> memref<160x128xf32, #tpu.memory_space<hbm>>
      tpu.enqueue_dma source(%arg15 : memref<160x128xf32, #tpu.memory_space<vmem>>) target(%dma_start3A_127 : memref<160x128xf32, #tpu.memory_space<hbm>>) target_semaphore(%arg23 : memref<!tpu.dma_semaphore, #tpu.memory_space<semaphore_mem>>)
      %dma_wait3A_128 = arith.constant 0 : i32
      %dma_wait3A_129 = arith.constant 0 : i32
      %dma_wait3A_130 = tpu.memref_slice %arg2[%dma_wait3A_128, %dma_wait3A_129] : memref<100000x128xf32, #tpu.memory_space<hbm>> -> memref<100000x128xf32, #tpu.memory_space<hbm>>
      tpu.wait_indirect_dma semaphore(%arg20 : memref<!tpu.dma_semaphore, #tpu.memory_space<semaphore_mem>>) src(%dma_wait3A_130 : memref<100000x128xf32, #tpu.memory_space<hbm>>) dst(%arg16 : memref<160x128xf32, #tpu.memory_space<vmem>>)
      %mul3A_131 = arith.constant 4 : i32
      %mul3A_132 = arith.muli %mul3A_131, %scan3A_97 : i32
      %add3A_133 = arith.constant 2 : i32
      %add3A_134 = arith.addi %mul3A_132, %add3A_133 : i32
      %mul3A_135 = arith.constant 160 : i32
      %mul3A_136 = arith.muli %add3A_134, %mul3A_135 : i32
      %add3A_137 = arith.addi %mul3A_4, %mul3A_136 : i32
      %multiple_of3A_138 = tpu.assume_multiple %add3A_137, 160 : i32
      %dma_start3A_139 = arith.constant 0 : i32
      %dma_start3A_140 = tpu.memref_slice %arg7[%multiple_of3A_138, %dma_start3A_139] : memref<102400x128xf32, #tpu.memory_space<hbm>> -> memref<160x128xf32, #tpu.memory_space<hbm>>
      %dma_start3A_141 = arith.constant 0 : i32
      %dma_start3A_142 = tpu.memref_slice %arg7[%multiple_of3A_138, %dma_start3A_141] : memref<102400x128xf32, #tpu.memory_space<hbm>> -> memref<160x128xf32, #tpu.memory_space<hbm>>
      tpu.enqueue_dma source(%arg16 : memref<160x128xf32, #tpu.memory_space<vmem>>) target(%dma_start3A_142 : memref<160x128xf32, #tpu.memory_space<hbm>>) target_semaphore(%arg24 : memref<!tpu.dma_semaphore, #tpu.memory_space<semaphore_mem>>)
      %dma_wait3A_143 = arith.constant 0 : i32
      %dma_wait3A_144 = arith.constant 0 : i32
      %dma_wait3A_145 = tpu.memref_slice %arg2[%dma_wait3A_143, %dma_wait3A_144] : memref<100000x128xf32, #tpu.memory_space<hbm>> -> memref<100000x128xf32, #tpu.memory_space<hbm>>
      tpu.wait_indirect_dma semaphore(%arg21 : memref<!tpu.dma_semaphore, #tpu.memory_space<semaphore_mem>>) src(%dma_wait3A_145 : memref<100000x128xf32, #tpu.memory_space<hbm>>) dst(%arg17 : memref<160x128xf32, #tpu.memory_space<vmem>>)
      %mul3A_146 = arith.constant 4 : i32
      %mul3A_147 = arith.muli %mul3A_146, %scan3A_97 : i32
      %add3A_148 = arith.constant 3 : i32
      %add3A_149 = arith.addi %mul3A_147, %add3A_148 : i32
      %mul3A_150 = arith.constant 160 : i32
      %mul3A_151 = arith.muli %add3A_149, %mul3A_150 : i32
      %add3A_152 = arith.addi %mul3A_4, %mul3A_151 : i32
      %multiple_of3A_153 = tpu.assume_multiple %add3A_152, 160 : i32
      %dma_start3A_154 = arith.constant 0 : i32
      %dma_start3A_155 = tpu.memref_slice %arg7[%multiple_of3A_153, %dma_start3A_154] : memref<102400x128xf32, #tpu.memory_space<hbm>> -> memref<160x128xf32, #tpu.memory_space<hbm>>
      %dma_start3A_156 = arith.constant 0 : i32
      %dma_start3A_157 = tpu.memref_slice %arg7[%multiple_of3A_153, %dma_start3A_156] : memref<102400x128xf32, #tpu.memory_space<hbm>> -> memref<160x128xf32, #tpu.memory_space<hbm>>
      tpu.enqueue_dma source(%arg17 : memref<160x128xf32, #tpu.memory_space<vmem>>) target(%dma_start3A_157 : memref<160x128xf32, #tpu.memory_space<hbm>>) target_semaphore(%arg25 : memref<!tpu.dma_semaphore, #tpu.memory_space<semaphore_mem>>)
      %mul3A_158 = arith.constant 4 : i32
      %mul3A_159 = arith.muli %mul3A_158, %scan3A_97 : i32
      %add3A_160 = arith.constant 0 : i32
      %add3A_161 = arith.addi %mul3A_159, %add3A_160 : i32
      %add3A_162 = arith.constant 4 : i32
      %add3A_163 = arith.addi %add3A_161, %add3A_162 : i32
      %lt3A_164 = arith.constant 20 : i32
      %lt3A_165 = arith.cmpi slt, %add3A_163, %lt3A_164 : i32
      %convert_element_type3A_166 = arith.extui %lt3A_165 : i1 to i32
      %cond3A_167 = arith.constant 0 : i32
      %cond3A_168 = arith.cmpi ne, %convert_element_type3A_166, %cond3A_167 : i32
      scf.if %cond3A_168 {
        %dma_wait3A_202 = arith.constant 0 : i32
        %dma_wait3A_203 = tpu.memref_slice %arg7[%mul3A_4, %dma_wait3A_202] : memref<102400x128xf32, #tpu.memory_space<hbm>> -> memref<160x128xf32, #tpu.memory_space<hbm>>
        %dma_wait3A_204 = arith.constant 0 : i32
        %dma_wait3A_205 = tpu.memref_slice %arg7[%mul3A_4, %dma_wait3A_204] : memref<102400x128xf32, #tpu.memory_space<hbm>> -> memref<160x128xf32, #tpu.memory_space<hbm>>
        tpu.wait_dma2 semaphore(%arg22 : memref<!tpu.dma_semaphore, #tpu.memory_space<semaphore_mem>>) src(%arg14 : memref<160x128xf32, #tpu.memory_space<vmem>>) dst(%dma_wait3A_205 : memref<160x128xf32, #tpu.memory_space<hbm>>)
        %mul3A_206 = arith.constant 160 : i32
        %mul3A_207 = arith.muli %add3A_163, %mul3A_206 : i32
        %add3A_208 = arith.addi %mul3A_4, %mul3A_207 : i32
        %multiple_of3A_209 = tpu.assume_multiple %add3A_208, 160 : i32
        "tpu.region"() ({
          %run_scoped3A = tpu.sem_alloc : memref<!tpu.dma_semaphore, #tpu.memory_space<semaphore_mem>>
          %dma_start3A_213 = tpu.memref_slice %arg4[%multiple_of3A_209] : memref<102400xi32, #tpu.memory_space<hbm>> -> memref<160xi32, #tpu.memory_space<hbm>>
          %dma_start3A_214 = tpu.memref_slice %arg4[%multiple_of3A_209] : memref<102400xi32, #tpu.memory_space<hbm>> -> memref<160xi32, #tpu.memory_space<hbm>>
          tpu.enqueue_dma source(%dma_start3A_214 : memref<160xi32, #tpu.memory_space<hbm>>) target(%arg10 : memref<160xi32, #tpu.memory_space<vmem>>) target_semaphore(%run_scoped3A : memref<!tpu.dma_semaphore, #tpu.memory_space<semaphore_mem>>)
          %dma_wait3A_215 = tpu.memref_slice %arg4[%multiple_of3A_209] : memref<102400xi32, #tpu.memory_space<hbm>> -> memref<160xi32, #tpu.memory_space<hbm>>
          %dma_wait3A_216 = tpu.memref_slice %arg4[%multiple_of3A_209] : memref<102400xi32, #tpu.memory_space<hbm>> -> memref<160xi32, #tpu.memory_space<hbm>>
          tpu.wait_dma2 semaphore(%run_scoped3A : memref<!tpu.dma_semaphore, #tpu.memory_space<semaphore_mem>>) src(%dma_wait3A_216 : memref<160xi32, #tpu.memory_space<hbm>>) dst(%arg10 : memref<160xi32, #tpu.memory_space<vmem>>)
          tpu.yield
        }) : () -> ()
        %dma_start3A_210 = arith.constant 0 : i32
        %dma_start3A_211 = arith.constant 0 : i32
        %dma_start3A_212 = tpu.memref_slice %arg2[%dma_start3A_210, %dma_start3A_211] : memref<100000x128xf32, #tpu.memory_space<hbm>> -> memref<100000x128xf32, #tpu.memory_space<hbm>>
        tpu.enqueue_indirect_dma source(%dma_start3A_212 : memref<100000x128xf32, #tpu.memory_space<hbm>>) target(%arg14 : memref<160x128xf32, #tpu.memory_space<vmem>>) offsets(%arg10 : memref<160xi32, #tpu.memory_space<vmem>>) semaphore(%arg18 : memref<!tpu.dma_semaphore, #tpu.memory_space<semaphore_mem>>)
      } else {
      }
      %mul3A_169 = arith.constant 4 : i32
      %mul3A_170 = arith.muli %mul3A_169, %scan3A_97 : i32
      %add3A_171 = arith.constant 1 : i32
      %add3A_172 = arith.addi %mul3A_170, %add3A_171 : i32
      %add3A_173 = arith.constant 4 : i32
      %add3A_174 = arith.addi %add3A_172, %add3A_173 : i32
      %lt3A_175 = arith.constant 20 : i32
      %lt3A_176 = arith.cmpi slt, %add3A_174, %lt3A_175 : i32
      %convert_element_type3A_177 = arith.extui %lt3A_176 : i1 to i32
      %cond3A_178 = arith.constant 0 : i32
      %cond3A_179 = arith.cmpi ne, %convert_element_type3A_177, %cond3A_178 : i32
      scf.if %cond3A_179 {
        %dma_wait3A_202 = arith.constant 0 : i32
        %dma_wait3A_203 = tpu.memref_slice %arg7[%mul3A_4, %dma_wait3A_202] : memref<102400x128xf32, #tpu.memory_space<hbm>> -> memref<160x128xf32, #tpu.memory_space<hbm>>
        %dma_wait3A_204 = arith.constant 0 : i32
        %dma_wait3A_205 = tpu.memref_slice %arg7[%mul3A_4, %dma_wait3A_204] : memref<102400x128xf32, #tpu.memory_space<hbm>> -> memref<160x128xf32, #tpu.memory_space<hbm>>
        tpu.wait_dma2 semaphore(%arg23 : memref<!tpu.dma_semaphore, #tpu.memory_space<semaphore_mem>>) src(%arg15 : memref<160x128xf32, #tpu.memory_space<vmem>>) dst(%dma_wait3A_205 : memref<160x128xf32, #tpu.memory_space<hbm>>)
        %mul3A_206 = arith.constant 160 : i32
        %mul3A_207 = arith.muli %add3A_174, %mul3A_206 : i32
        %add3A_208 = arith.addi %mul3A_4, %mul3A_207 : i32
        %multiple_of3A_209 = tpu.assume_multiple %add3A_208, 160 : i32
        "tpu.region"() ({
          %run_scoped3A = tpu.sem_alloc : memref<!tpu.dma_semaphore, #tpu.memory_space<semaphore_mem>>
          %dma_start3A_213 = tpu.memref_slice %arg4[%multiple_of3A_209] : memref<102400xi32, #tpu.memory_space<hbm>> -> memref<160xi32, #tpu.memory_space<hbm>>
          %dma_start3A_214 = tpu.memref_slice %arg4[%multiple_of3A_209] : memref<102400xi32, #tpu.memory_space<hbm>> -> memref<160xi32, #tpu.memory_space<hbm>>
          tpu.enqueue_dma source(%dma_start3A_214 : memref<160xi32, #tpu.memory_space<hbm>>) target(%arg11 : memref<160xi32, #tpu.memory_space<vmem>>) target_semaphore(%run_scoped3A : memref<!tpu.dma_semaphore, #tpu.memory_space<semaphore_mem>>)
          %dma_wait3A_215 = tpu.memref_slice %arg4[%multiple_of3A_209] : memref<102400xi32, #tpu.memory_space<hbm>> -> memref<160xi32, #tpu.memory_space<hbm>>
          %dma_wait3A_216 = tpu.memref_slice %arg4[%multiple_of3A_209] : memref<102400xi32, #tpu.memory_space<hbm>> -> memref<160xi32, #tpu.memory_space<hbm>>
          tpu.wait_dma2 semaphore(%run_scoped3A : memref<!tpu.dma_semaphore, #tpu.memory_space<semaphore_mem>>) src(%dma_wait3A_216 : memref<160xi32, #tpu.memory_space<hbm>>) dst(%arg11 : memref<160xi32, #tpu.memory_space<vmem>>)
          tpu.yield
        }) : () -> ()
        %dma_start3A_210 = arith.constant 0 : i32
        %dma_start3A_211 = arith.constant 0 : i32
        %dma_start3A_212 = tpu.memref_slice %arg2[%dma_start3A_210, %dma_start3A_211] : memref<100000x128xf32, #tpu.memory_space<hbm>> -> memref<100000x128xf32, #tpu.memory_space<hbm>>
        tpu.enqueue_indirect_dma source(%dma_start3A_212 : memref<100000x128xf32, #tpu.memory_space<hbm>>) target(%arg15 : memref<160x128xf32, #tpu.memory_space<vmem>>) offsets(%arg11 : memref<160xi32, #tpu.memory_space<vmem>>) semaphore(%arg19 : memref<!tpu.dma_semaphore, #tpu.memory_space<semaphore_mem>>)
      } else {
      }
      %mul3A_180 = arith.constant 4 : i32
      %mul3A_181 = arith.muli %mul3A_180, %scan3A_97 : i32
      %add3A_182 = arith.constant 2 : i32
      %add3A_183 = arith.addi %mul3A_181, %add3A_182 : i32
      %add3A_184 = arith.constant 4 : i32
      %add3A_185 = arith.addi %add3A_183, %add3A_184 : i32
      %lt3A_186 = arith.constant 20 : i32
      %lt3A_187 = arith.cmpi slt, %add3A_185, %lt3A_186 : i32
      %convert_element_type3A_188 = arith.extui %lt3A_187 : i1 to i32
      %cond3A_189 = arith.constant 0 : i32
      %cond3A_190 = arith.cmpi ne, %convert_element_type3A_188, %cond3A_189 : i32
      scf.if %cond3A_190 {
        %dma_wait3A_202 = arith.constant 0 : i32
        %dma_wait3A_203 = tpu.memref_slice %arg7[%mul3A_4, %dma_wait3A_202] : memref<102400x128xf32, #tpu.memory_space<hbm>> -> memref<160x128xf32, #tpu.memory_space<hbm>>
        %dma_wait3A_204 = arith.constant 0 : i32
        %dma_wait3A_205 = tpu.memref_slice %arg7[%mul3A_4, %dma_wait3A_204] : memref<102400x128xf32, #tpu.memory_space<hbm>> -> memref<160x128xf32, #tpu.memory_space<hbm>>
        tpu.wait_dma2 semaphore(%arg24 : memref<!tpu.dma_semaphore, #tpu.memory_space<semaphore_mem>>) src(%arg16 : memref<160x128xf32, #tpu.memory_space<vmem>>) dst(%dma_wait3A_205 : memref<160x128xf32, #tpu.memory_space<hbm>>)
        %mul3A_206 = arith.constant 160 : i32
        %mul3A_207 = arith.muli %add3A_185, %mul3A_206 : i32
        %add3A_208 = arith.addi %mul3A_4, %mul3A_207 : i32
        %multiple_of3A_209 = tpu.assume_multiple %add3A_208, 160 : i32
        "tpu.region"() ({
          %run_scoped3A = tpu.sem_alloc : memref<!tpu.dma_semaphore, #tpu.memory_space<semaphore_mem>>
          %dma_start3A_213 = tpu.memref_slice %arg4[%multiple_of3A_209] : memref<102400xi32, #tpu.memory_space<hbm>> -> memref<160xi32, #tpu.memory_space<hbm>>
          %dma_start3A_214 = tpu.memref_slice %arg4[%multiple_of3A_209] : memref<102400xi32, #tpu.memory_space<hbm>> -> memref<160xi32, #tpu.memory_space<hbm>>
          tpu.enqueue_dma source(%dma_start3A_214 : memref<160xi32, #tpu.memory_space<hbm>>) target(%arg12 : memref<160xi32, #tpu.memory_space<vmem>>) target_semaphore(%run_scoped3A : memref<!tpu.dma_semaphore, #tpu.memory_space<semaphore_mem>>)
          %dma_wait3A_215 = tpu.memref_slice %arg4[%multiple_of3A_209] : memref<102400xi32, #tpu.memory_space<hbm>> -> memref<160xi32, #tpu.memory_space<hbm>>
          %dma_wait3A_216 = tpu.memref_slice %arg4[%multiple_of3A_209] : memref<102400xi32, #tpu.memory_space<hbm>> -> memref<160xi32, #tpu.memory_space<hbm>>
          tpu.wait_dma2 semaphore(%run_scoped3A : memref<!tpu.dma_semaphore, #tpu.memory_space<semaphore_mem>>) src(%dma_wait3A_216 : memref<160xi32, #tpu.memory_space<hbm>>) dst(%arg12 : memref<160xi32, #tpu.memory_space<vmem>>)
          tpu.yield
        }) : () -> ()
        %dma_start3A_210 = arith.constant 0 : i32
        %dma_start3A_211 = arith.constant 0 : i32
        %dma_start3A_212 = tpu.memref_slice %arg2[%dma_start3A_210, %dma_start3A_211] : memref<100000x128xf32, #tpu.memory_space<hbm>> -> memref<100000x128xf32, #tpu.memory_space<hbm>>
        tpu.enqueue_indirect_dma source(%dma_start3A_212 : memref<100000x128xf32, #tpu.memory_space<hbm>>) target(%arg16 : memref<160x128xf32, #tpu.memory_space<vmem>>) offsets(%arg12 : memref<160xi32, #tpu.memory_space<vmem>>) semaphore(%arg20 : memref<!tpu.dma_semaphore, #tpu.memory_space<semaphore_mem>>)
      } else {
      }
      %mul3A_191 = arith.constant 4 : i32
      %mul3A_192 = arith.muli %mul3A_191, %scan3A_97 : i32
      %add3A_193 = arith.constant 3 : i32
      %add3A_194 = arith.addi %mul3A_192, %add3A_193 : i32
      %add3A_195 = arith.constant 4 : i32
      %add3A_196 = arith.addi %add3A_194, %add3A_195 : i32
      %lt3A_197 = arith.constant 20 : i32
      %lt3A_198 = arith.cmpi slt, %add3A_196, %lt3A_197 : i32
      %convert_element_type3A_199 = arith.extui %lt3A_198 : i1 to i32
      %cond3A_200 = arith.constant 0 : i32
      %cond3A_201 = arith.cmpi ne, %convert_element_type3A_199, %cond3A_200 : i32
      scf.if %cond3A_201 {
        %dma_wait3A_202 = arith.constant 0 : i32
        %dma_wait3A_203 = tpu.memref_slice %arg7[%mul3A_4, %dma_wait3A_202] : memref<102400x128xf32, #tpu.memory_space<hbm>> -> memref<160x128xf32, #tpu.memory_space<hbm>>
        %dma_wait3A_204 = arith.constant 0 : i32
        %dma_wait3A_205 = tpu.memref_slice %arg7[%mul3A_4, %dma_wait3A_204] : memref<102400x128xf32, #tpu.memory_space<hbm>> -> memref<160x128xf32, #tpu.memory_space<hbm>>
        tpu.wait_dma2 semaphore(%arg25 : memref<!tpu.dma_semaphore, #tpu.memory_space<semaphore_mem>>) src(%arg17 : memref<160x128xf32, #tpu.memory_space<vmem>>) dst(%dma_wait3A_205 : memref<160x128xf32, #tpu.memory_space<hbm>>)
        %mul3A_206 = arith.constant 160 : i32
        %mul3A_207 = arith.muli %add3A_196, %mul3A_206 : i32
        %add3A_208 = arith.addi %mul3A_4, %mul3A_207 : i32
        %multiple_of3A_209 = tpu.assume_multiple %add3A_208, 160 : i32
        "tpu.region"() ({
          %run_scoped3A = tpu.sem_alloc : memref<!tpu.dma_semaphore, #tpu.memory_space<semaphore_mem>>
          %dma_start3A_213 = tpu.memref_slice %arg4[%multiple_of3A_209] : memref<102400xi32, #tpu.memory_space<hbm>> -> memref<160xi32, #tpu.memory_space<hbm>>
          %dma_start3A_214 = tpu.memref_slice %arg4[%multiple_of3A_209] : memref<102400xi32, #tpu.memory_space<hbm>> -> memref<160xi32, #tpu.memory_space<hbm>>
          tpu.enqueue_dma source(%dma_start3A_214 : memref<160xi32, #tpu.memory_space<hbm>>) target(%arg13 : memref<160xi32, #tpu.memory_space<vmem>>) target_semaphore(%run_scoped3A : memref<!tpu.dma_semaphore, #tpu.memory_space<semaphore_mem>>)
          %dma_wait3A_215 = tpu.memref_slice %arg4[%multiple_of3A_209] : memref<102400xi32, #tpu.memory_space<hbm>> -> memref<160xi32, #tpu.memory_space<hbm>>
          %dma_wait3A_216 = tpu.memref_slice %arg4[%multiple_of3A_209] : memref<102400xi32, #tpu.memory_space<hbm>> -> memref<160xi32, #tpu.memory_space<hbm>>
          tpu.wait_dma2 semaphore(%run_scoped3A : memref<!tpu.dma_semaphore, #tpu.memory_space<semaphore_mem>>) src(%dma_wait3A_216 : memref<160xi32, #tpu.memory_space<hbm>>) dst(%arg13 : memref<160xi32, #tpu.memory_space<vmem>>)
          tpu.yield
        }) : () -> ()
        %dma_start3A_210 = arith.constant 0 : i32
        %dma_start3A_211 = arith.constant 0 : i32
        %dma_start3A_212 = tpu.memref_slice %arg2[%dma_start3A_210, %dma_start3A_211] : memref<100000x128xf32, #tpu.memory_space<hbm>> -> memref<100000x128xf32, #tpu.memory_space<hbm>>
        tpu.enqueue_indirect_dma source(%dma_start3A_212 : memref<100000x128xf32, #tpu.memory_space<hbm>>) target(%arg17 : memref<160x128xf32, #tpu.memory_space<vmem>>) offsets(%arg13 : memref<160xi32, #tpu.memory_space<vmem>>) semaphore(%arg21 : memref<!tpu.dma_semaphore, #tpu.memory_space<semaphore_mem>>)
      } else {
      }
    }
    %scan3A_31 = arith.constant 5 : i32
    %dma_wait3A = arith.constant 0 : i32
    %dma_wait3A_32 = tpu.memref_slice %arg7[%mul3A_4, %dma_wait3A] : memref<102400x128xf32, #tpu.memory_space<hbm>> -> memref<160x128xf32, #tpu.memory_space<hbm>>
    %dma_wait3A_33 = arith.constant 0 : i32
    %dma_wait3A_34 = tpu.memref_slice %arg7[%mul3A_4, %dma_wait3A_33] : memref<102400x128xf32, #tpu.memory_space<hbm>> -> memref<160x128xf32, #tpu.memory_space<hbm>>
    tpu.wait_dma2 semaphore(%arg22 : memref<!tpu.dma_semaphore, #tpu.memory_space<semaphore_mem>>) src(%arg14 : memref<160x128xf32, #tpu.memory_space<vmem>>) dst(%dma_wait3A_34 : memref<160x128xf32, #tpu.memory_space<hbm>>)
    %dma_wait3A_35 = arith.constant 0 : i32
    %dma_wait3A_36 = tpu.memref_slice %arg7[%mul3A_4, %dma_wait3A_35] : memref<102400x128xf32, #tpu.memory_space<hbm>> -> memref<160x128xf32, #tpu.memory_space<hbm>>
    %dma_wait3A_37 = arith.constant 0 : i32
    %dma_wait3A_38 = tpu.memref_slice %arg7[%mul3A_4, %dma_wait3A_37] : memref<102400x128xf32, #tpu.memory_space<hbm>> -> memref<160x128xf32, #tpu.memory_space<hbm>>
    tpu.wait_dma2 semaphore(%arg23 : memref<!tpu.dma_semaphore, #tpu.memory_space<semaphore_mem>>) src(%arg15 : memref<160x128xf32, #tpu.memory_space<vmem>>) dst(%dma_wait3A_38 : memref<160x128xf32, #tpu.memory_space<hbm>>)
    %dma_wait3A_39 = arith.constant 0 : i32
    %dma_wait3A_40 = tpu.memref_slice %arg7[%mul3A_4, %dma_wait3A_39] : memref<102400x128xf32, #tpu.memory_space<hbm>> -> memref<160x128xf32, #tpu.memory_space<hbm>>
    %dma_wait3A_41 = arith.constant 0 : i32
    %dma_wait3A_42 = tpu.memref_slice %arg7[%mul3A_4, %dma_wait3A_41] : memref<102400x128xf32, #tpu.memory_space<hbm>> -> memref<160x128xf32, #tpu.memory_space<hbm>>
    tpu.wait_dma2 semaphore(%arg24 : memref<!tpu.dma_semaphore, #tpu.memory_space<semaphore_mem>>) src(%arg16 : memref<160x128xf32, #tpu.memory_space<vmem>>) dst(%dma_wait3A_42 : memref<160x128xf32, #tpu.memory_space<hbm>>)
    %dma_wait3A_43 = arith.constant 0 : i32
    %dma_wait3A_44 = tpu.memref_slice %arg7[%mul3A_4, %dma_wait3A_43] : memref<102400x128xf32, #tpu.memory_space<hbm>> -> memref<160x128xf32, #tpu.memory_space<hbm>>
    %dma_wait3A_45 = arith.constant 0 : i32
    %dma_wait3A_46 = tpu.memref_slice %arg7[%mul3A_4, %dma_wait3A_45] : memref<102400x128xf32, #tpu.memory_space<hbm>> -> memref<160x128xf32, #tpu.memory_space<hbm>>
    tpu.wait_dma2 semaphore(%arg25 : memref<!tpu.dma_semaphore, #tpu.memory_space<semaphore_mem>>) src(%arg17 : memref<160x128xf32, #tpu.memory_space<vmem>>) dst(%dma_wait3A_46 : memref<160x128xf32, #tpu.memory_space<hbm>>)
    %mul3A_47 = arith.constant 160 : i32
    %mul3A_48 = arith.muli %mul3A_2, %mul3A_47 : i32
    %add3A_49 = arith.constant 0 : i32
    %add3A_50 = arith.addi %mul3A_48, %add3A_49 : i32
    %multiple_of3A_51 = tpu.assume_multiple %add3A_50, 160 : i32
    "tpu.region"() ({
      %run_scoped3A = tpu.sem_alloc : memref<!tpu.dma_semaphore, #tpu.memory_space<semaphore_mem>>
      %dma_start3A_97 = tpu.memref_slice %arg5[%multiple_of3A_51] : memref<102400xi32, #tpu.memory_space<hbm>> -> memref<160xi32, #tpu.memory_space<hbm>>
      %dma_start3A_98 = tpu.memref_slice %arg5[%multiple_of3A_51] : memref<102400xi32, #tpu.memory_space<hbm>> -> memref<160xi32, #tpu.memory_space<hbm>>
      tpu.enqueue_dma source(%dma_start3A_98 : memref<160xi32, #tpu.memory_space<hbm>>) target(%arg10 : memref<160xi32, #tpu.memory_space<vmem>>) target_semaphore(%run_scoped3A : memref<!tpu.dma_semaphore, #tpu.memory_space<semaphore_mem>>)
      %dma_wait3A_99 = tpu.memref_slice %arg5[%multiple_of3A_51] : memref<102400xi32, #tpu.memory_space<hbm>> -> memref<160xi32, #tpu.memory_space<hbm>>
      %dma_wait3A_100 = tpu.memref_slice %arg5[%multiple_of3A_51] : memref<102400xi32, #tpu.memory_space<hbm>> -> memref<160xi32, #tpu.memory_space<hbm>>
      tpu.wait_dma2 semaphore(%run_scoped3A : memref<!tpu.dma_semaphore, #tpu.memory_space<semaphore_mem>>) src(%dma_wait3A_100 : memref<160xi32, #tpu.memory_space<hbm>>) dst(%arg10 : memref<160xi32, #tpu.memory_space<vmem>>)
      tpu.yield
    }) : () -> ()
    %dma_start3A_52 = arith.constant 0 : i32
    %dma_start3A_53 = arith.constant 0 : i32
    %dma_start3A_54 = tpu.memref_slice %arg3[%dma_start3A_52, %dma_start3A_53] : memref<320000x128xf32, #tpu.memory_space<hbm>> -> memref<320000x128xf32, #tpu.memory_space<hbm>>
    tpu.enqueue_indirect_dma source(%dma_start3A_54 : memref<320000x128xf32, #tpu.memory_space<hbm>>) target(%arg14 : memref<160x128xf32, #tpu.memory_space<vmem>>) offsets(%arg10 : memref<160xi32, #tpu.memory_space<vmem>>) semaphore(%arg18 : memref<!tpu.dma_semaphore, #tpu.memory_space<semaphore_mem>>)
    %add3A_55 = arith.constant 160 : i32
    %add3A_56 = arith.addi %mul3A_48, %add3A_55 : i32
    %multiple_of3A_57 = tpu.assume_multiple %add3A_56, 160 : i32
    "tpu.region"() ({
      %run_scoped3A = tpu.sem_alloc : memref<!tpu.dma_semaphore, #tpu.memory_space<semaphore_mem>>
      %dma_start3A_97 = tpu.memref_slice %arg5[%multiple_of3A_57] : memref<102400xi32, #tpu.memory_space<hbm>> -> memref<160xi32, #tpu.memory_space<hbm>>
      %dma_start3A_98 = tpu.memref_slice %arg5[%multiple_of3A_57] : memref<102400xi32, #tpu.memory_space<hbm>> -> memref<160xi32, #tpu.memory_space<hbm>>
      tpu.enqueue_dma source(%dma_start3A_98 : memref<160xi32, #tpu.memory_space<hbm>>) target(%arg11 : memref<160xi32, #tpu.memory_space<vmem>>) target_semaphore(%run_scoped3A : memref<!tpu.dma_semaphore, #tpu.memory_space<semaphore_mem>>)
      %dma_wait3A_99 = tpu.memref_slice %arg5[%multiple_of3A_57] : memref<102400xi32, #tpu.memory_space<hbm>> -> memref<160xi32, #tpu.memory_space<hbm>>
      %dma_wait3A_100 = tpu.memref_slice %arg5[%multiple_of3A_57] : memref<102400xi32, #tpu.memory_space<hbm>> -> memref<160xi32, #tpu.memory_space<hbm>>
      tpu.wait_dma2 semaphore(%run_scoped3A : memref<!tpu.dma_semaphore, #tpu.memory_space<semaphore_mem>>) src(%dma_wait3A_100 : memref<160xi32, #tpu.memory_space<hbm>>) dst(%arg11 : memref<160xi32, #tpu.memory_space<vmem>>)
      tpu.yield
    }) : () -> ()
    %dma_start3A_58 = arith.constant 0 : i32
    %dma_start3A_59 = arith.constant 0 : i32
    %dma_start3A_60 = tpu.memref_slice %arg3[%dma_start3A_58, %dma_start3A_59] : memref<320000x128xf32, #tpu.memory_space<hbm>> -> memref<320000x128xf32, #tpu.memory_space<hbm>>
    tpu.enqueue_indirect_dma source(%dma_start3A_60 : memref<320000x128xf32, #tpu.memory_space<hbm>>) target(%arg15 : memref<160x128xf32, #tpu.memory_space<vmem>>) offsets(%arg11 : memref<160xi32, #tpu.memory_space<vmem>>) semaphore(%arg19 : memref<!tpu.dma_semaphore, #tpu.memory_space<semaphore_mem>>)
    %add3A_61 = arith.constant 320 : i32
    %add3A_62 = arith.addi %mul3A_48, %add3A_61 : i32
    %multiple_of3A_63 = tpu.assume_multiple %add3A_62, 160 : i32
    "tpu.region"() ({
      %run_scoped3A = tpu.sem_alloc : memref<!tpu.dma_semaphore, #tpu.memory_space<semaphore_mem>>
      %dma_start3A_97 = tpu.memref_slice %arg5[%multiple_of3A_63] : memref<102400xi32, #tpu.memory_space<hbm>> -> memref<160xi32, #tpu.memory_space<hbm>>
      %dma_start3A_98 = tpu.memref_slice %arg5[%multiple_of3A_63] : memref<102400xi32, #tpu.memory_space<hbm>> -> memref<160xi32, #tpu.memory_space<hbm>>
      tpu.enqueue_dma source(%dma_start3A_98 : memref<160xi32, #tpu.memory_space<hbm>>) target(%arg12 : memref<160xi32, #tpu.memory_space<vmem>>) target_semaphore(%run_scoped3A : memref<!tpu.dma_semaphore, #tpu.memory_space<semaphore_mem>>)
      %dma_wait3A_99 = tpu.memref_slice %arg5[%multiple_of3A_63] : memref<102400xi32, #tpu.memory_space<hbm>> -> memref<160xi32, #tpu.memory_space<hbm>>
      %dma_wait3A_100 = tpu.memref_slice %arg5[%multiple_of3A_63] : memref<102400xi32, #tpu.memory_space<hbm>> -> memref<160xi32, #tpu.memory_space<hbm>>
      tpu.wait_dma2 semaphore(%run_scoped3A : memref<!tpu.dma_semaphore, #tpu.memory_space<semaphore_mem>>) src(%dma_wait3A_100 : memref<160xi32, #tpu.memory_space<hbm>>) dst(%arg12 : memref<160xi32, #tpu.memory_space<vmem>>)
      tpu.yield
    }) : () -> ()
    %dma_start3A_64 = arith.constant 0 : i32
    %dma_start3A_65 = arith.constant 0 : i32
    %dma_start3A_66 = tpu.memref_slice %arg3[%dma_start3A_64, %dma_start3A_65] : memref<320000x128xf32, #tpu.memory_space<hbm>> -> memref<320000x128xf32, #tpu.memory_space<hbm>>
    tpu.enqueue_indirect_dma source(%dma_start3A_66 : memref<320000x128xf32, #tpu.memory_space<hbm>>) target(%arg16 : memref<160x128xf32, #tpu.memory_space<vmem>>) offsets(%arg12 : memref<160xi32, #tpu.memory_space<vmem>>) semaphore(%arg20 : memref<!tpu.dma_semaphore, #tpu.memory_space<semaphore_mem>>)
    %add3A_67 = arith.constant 480 : i32
    %add3A_68 = arith.addi %mul3A_48, %add3A_67 : i32
    %multiple_of3A_69 = tpu.assume_multiple %add3A_68, 160 : i32
    "tpu.region"() ({
      %run_scoped3A = tpu.sem_alloc : memref<!tpu.dma_semaphore, #tpu.memory_space<semaphore_mem>>
      %dma_start3A_97 = tpu.memref_slice %arg5[%multiple_of3A_69] : memref<102400xi32, #tpu.memory_space<hbm>> -> memref<160xi32, #tpu.memory_space<hbm>>
      %dma_start3A_98 = tpu.memref_slice %arg5[%multiple_of3A_69] : memref<102400xi32, #tpu.memory_space<hbm>> -> memref<160xi32, #tpu.memory_space<hbm>>
      tpu.enqueue_dma source(%dma_start3A_98 : memref<160xi32, #tpu.memory_space<hbm>>) target(%arg13 : memref<160xi32, #tpu.memory_space<vmem>>) target_semaphore(%run_scoped3A : memref<!tpu.dma_semaphore, #tpu.memory_space<semaphore_mem>>)
      %dma_wait3A_99 = tpu.memref_slice %arg5[%multiple_of3A_69] : memref<102400xi32, #tpu.memory_space<hbm>> -> memref<160xi32, #tpu.memory_space<hbm>>
      %dma_wait3A_100 = tpu.memref_slice %arg5[%multiple_of3A_69] : memref<102400xi32, #tpu.memory_space<hbm>> -> memref<160xi32, #tpu.memory_space<hbm>>
      tpu.wait_dma2 semaphore(%run_scoped3A : memref<!tpu.dma_semaphore, #tpu.memory_space<semaphore_mem>>) src(%dma_wait3A_100 : memref<160xi32, #tpu.memory_space<hbm>>) dst(%arg13 : memref<160xi32, #tpu.memory_space<vmem>>)
      tpu.yield
    }) : () -> ()
    %dma_start3A_70 = arith.constant 0 : i32
    %dma_start3A_71 = arith.constant 0 : i32
    %dma_start3A_72 = tpu.memref_slice %arg3[%dma_start3A_70, %dma_start3A_71] : memref<320000x128xf32, #tpu.memory_space<hbm>> -> memref<320000x128xf32, #tpu.memory_space<hbm>>
    tpu.enqueue_indirect_dma source(%dma_start3A_72 : memref<320000x128xf32, #tpu.memory_space<hbm>>) target(%arg17 : memref<160x128xf32, #tpu.memory_space<vmem>>) offsets(%arg13 : memref<160xi32, #tpu.memory_space<vmem>>) semaphore(%arg21 : memref<!tpu.dma_semaphore, #tpu.memory_space<semaphore_mem>>)
    %scan3A_73 = arith.constant 0 : i32
    %scan3A_74 = arith.constant 0 : i32
    %scan3A_75 = arith.constant 5 : i32
    %scan3A_76 = arith.addi %scan3A_74, %scan3A_75 : i32
    %scan3A_77 = arith.constant 1 : i32
    scf.for %scan3A_97 = %scan3A_74 to %scan3A_76 step %scan3A_77  : i32 {
      %dma_wait3A_98 = arith.constant 0 : i32
      %dma_wait3A_99 = arith.constant 0 : i32
      %dma_wait3A_100 = tpu.memref_slice %arg3[%dma_wait3A_98, %dma_wait3A_99] : memref<320000x128xf32, #tpu.memory_space<hbm>> -> memref<320000x128xf32, #tpu.memory_space<hbm>>
      tpu.wait_indirect_dma semaphore(%arg18 : memref<!tpu.dma_semaphore, #tpu.memory_space<semaphore_mem>>) src(%dma_wait3A_100 : memref<320000x128xf32, #tpu.memory_space<hbm>>) dst(%arg14 : memref<160x128xf32, #tpu.memory_space<vmem>>)
      %mul3A_101 = arith.constant 4 : i32
      %mul3A_102 = arith.muli %mul3A_101, %scan3A_97 : i32
      %add3A_103 = arith.constant 0 : i32
      %add3A_104 = arith.addi %mul3A_102, %add3A_103 : i32
      %mul3A_105 = arith.constant 160 : i32
      %mul3A_106 = arith.muli %add3A_104, %mul3A_105 : i32
      %add3A_107 = arith.addi %mul3A_48, %mul3A_106 : i32
      %multiple_of3A_108 = tpu.assume_multiple %add3A_107, 160 : i32
      %dma_start3A_109 = arith.constant 0 : i32
      %dma_start3A_110 = tpu.memref_slice %arg8[%multiple_of3A_108, %dma_start3A_109] : memref<102400x128xf32, #tpu.memory_space<hbm>> -> memref<160x128xf32, #tpu.memory_space<hbm>>
      %dma_start3A_111 = arith.constant 0 : i32
      %dma_start3A_112 = tpu.memref_slice %arg8[%multiple_of3A_108, %dma_start3A_111] : memref<102400x128xf32, #tpu.memory_space<hbm>> -> memref<160x128xf32, #tpu.memory_space<hbm>>
      tpu.enqueue_dma source(%arg14 : memref<160x128xf32, #tpu.memory_space<vmem>>) target(%dma_start3A_112 : memref<160x128xf32, #tpu.memory_space<hbm>>) target_semaphore(%arg22 : memref<!tpu.dma_semaphore, #tpu.memory_space<semaphore_mem>>)
      %dma_wait3A_113 = arith.constant 0 : i32
      %dma_wait3A_114 = arith.constant 0 : i32
      %dma_wait3A_115 = tpu.memref_slice %arg3[%dma_wait3A_113, %dma_wait3A_114] : memref<320000x128xf32, #tpu.memory_space<hbm>> -> memref<320000x128xf32, #tpu.memory_space<hbm>>
      tpu.wait_indirect_dma semaphore(%arg19 : memref<!tpu.dma_semaphore, #tpu.memory_space<semaphore_mem>>) src(%dma_wait3A_115 : memref<320000x128xf32, #tpu.memory_space<hbm>>) dst(%arg15 : memref<160x128xf32, #tpu.memory_space<vmem>>)
      %mul3A_116 = arith.constant 4 : i32
      %mul3A_117 = arith.muli %mul3A_116, %scan3A_97 : i32
      %add3A_118 = arith.constant 1 : i32
      %add3A_119 = arith.addi %mul3A_117, %add3A_118 : i32
      %mul3A_120 = arith.constant 160 : i32
      %mul3A_121 = arith.muli %add3A_119, %mul3A_120 : i32
      %add3A_122 = arith.addi %mul3A_48, %mul3A_121 : i32
      %multiple_of3A_123 = tpu.assume_multiple %add3A_122, 160 : i32
      %dma_start3A_124 = arith.constant 0 : i32
      %dma_start3A_125 = tpu.memref_slice %arg8[%multiple_of3A_123, %dma_start3A_124] : memref<102400x128xf32, #tpu.memory_space<hbm>> -> memref<160x128xf32, #tpu.memory_space<hbm>>
      %dma_start3A_126 = arith.constant 0 : i32
      %dma_start3A_127 = tpu.memref_slice %arg8[%multiple_of3A_123, %dma_start3A_126] : memref<102400x128xf32, #tpu.memory_space<hbm>> -> memref<160x128xf32, #tpu.memory_space<hbm>>
      tpu.enqueue_dma source(%arg15 : memref<160x128xf32, #tpu.memory_space<vmem>>) target(%dma_start3A_127 : memref<160x128xf32, #tpu.memory_space<hbm>>) target_semaphore(%arg23 : memref<!tpu.dma_semaphore, #tpu.memory_space<semaphore_mem>>)
      %dma_wait3A_128 = arith.constant 0 : i32
      %dma_wait3A_129 = arith.constant 0 : i32
      %dma_wait3A_130 = tpu.memref_slice %arg3[%dma_wait3A_128, %dma_wait3A_129] : memref<320000x128xf32, #tpu.memory_space<hbm>> -> memref<320000x128xf32, #tpu.memory_space<hbm>>
      tpu.wait_indirect_dma semaphore(%arg20 : memref<!tpu.dma_semaphore, #tpu.memory_space<semaphore_mem>>) src(%dma_wait3A_130 : memref<320000x128xf32, #tpu.memory_space<hbm>>) dst(%arg16 : memref<160x128xf32, #tpu.memory_space<vmem>>)
      %mul3A_131 = arith.constant 4 : i32
      %mul3A_132 = arith.muli %mul3A_131, %scan3A_97 : i32
      %add3A_133 = arith.constant 2 : i32
      %add3A_134 = arith.addi %mul3A_132, %add3A_133 : i32
      %mul3A_135 = arith.constant 160 : i32
      %mul3A_136 = arith.muli %add3A_134, %mul3A_135 : i32
      %add3A_137 = arith.addi %mul3A_48, %mul3A_136 : i32
      %multiple_of3A_138 = tpu.assume_multiple %add3A_137, 160 : i32
      %dma_start3A_139 = arith.constant 0 : i32
      %dma_start3A_140 = tpu.memref_slice %arg8[%multiple_of3A_138, %dma_start3A_139] : memref<102400x128xf32, #tpu.memory_space<hbm>> -> memref<160x128xf32, #tpu.memory_space<hbm>>
      %dma_start3A_141 = arith.constant 0 : i32
      %dma_start3A_142 = tpu.memref_slice %arg8[%multiple_of3A_138, %dma_start3A_141] : memref<102400x128xf32, #tpu.memory_space<hbm>> -> memref<160x128xf32, #tpu.memory_space<hbm>>
      tpu.enqueue_dma source(%arg16 : memref<160x128xf32, #tpu.memory_space<vmem>>) target(%dma_start3A_142 : memref<160x128xf32, #tpu.memory_space<hbm>>) target_semaphore(%arg24 : memref<!tpu.dma_semaphore, #tpu.memory_space<semaphore_mem>>)
      %dma_wait3A_143 = arith.constant 0 : i32
      %dma_wait3A_144 = arith.constant 0 : i32
      %dma_wait3A_145 = tpu.memref_slice %arg3[%dma_wait3A_143, %dma_wait3A_144] : memref<320000x128xf32, #tpu.memory_space<hbm>> -> memref<320000x128xf32, #tpu.memory_space<hbm>>
      tpu.wait_indirect_dma semaphore(%arg21 : memref<!tpu.dma_semaphore, #tpu.memory_space<semaphore_mem>>) src(%dma_wait3A_145 : memref<320000x128xf32, #tpu.memory_space<hbm>>) dst(%arg17 : memref<160x128xf32, #tpu.memory_space<vmem>>)
      %mul3A_146 = arith.constant 4 : i32
      %mul3A_147 = arith.muli %mul3A_146, %scan3A_97 : i32
      %add3A_148 = arith.constant 3 : i32
      %add3A_149 = arith.addi %mul3A_147, %add3A_148 : i32
      %mul3A_150 = arith.constant 160 : i32
      %mul3A_151 = arith.muli %add3A_149, %mul3A_150 : i32
      %add3A_152 = arith.addi %mul3A_48, %mul3A_151 : i32
      %multiple_of3A_153 = tpu.assume_multiple %add3A_152, 160 : i32
      %dma_start3A_154 = arith.constant 0 : i32
      %dma_start3A_155 = tpu.memref_slice %arg8[%multiple_of3A_153, %dma_start3A_154] : memref<102400x128xf32, #tpu.memory_space<hbm>> -> memref<160x128xf32, #tpu.memory_space<hbm>>
      %dma_start3A_156 = arith.constant 0 : i32
      %dma_start3A_157 = tpu.memref_slice %arg8[%multiple_of3A_153, %dma_start3A_156] : memref<102400x128xf32, #tpu.memory_space<hbm>> -> memref<160x128xf32, #tpu.memory_space<hbm>>
      tpu.enqueue_dma source(%arg17 : memref<160x128xf32, #tpu.memory_space<vmem>>) target(%dma_start3A_157 : memref<160x128xf32, #tpu.memory_space<hbm>>) target_semaphore(%arg25 : memref<!tpu.dma_semaphore, #tpu.memory_space<semaphore_mem>>)
      %mul3A_158 = arith.constant 4 : i32
      %mul3A_159 = arith.muli %mul3A_158, %scan3A_97 : i32
      %add3A_160 = arith.constant 0 : i32
      %add3A_161 = arith.addi %mul3A_159, %add3A_160 : i32
      %add3A_162 = arith.constant 4 : i32
      %add3A_163 = arith.addi %add3A_161, %add3A_162 : i32
      %lt3A_164 = arith.constant 20 : i32
      %lt3A_165 = arith.cmpi slt, %add3A_163, %lt3A_164 : i32
      %convert_element_type3A_166 = arith.extui %lt3A_165 : i1 to i32
      %cond3A_167 = arith.constant 0 : i32
      %cond3A_168 = arith.cmpi ne, %convert_element_type3A_166, %cond3A_167 : i32
      scf.if %cond3A_168 {
        %dma_wait3A_202 = arith.constant 0 : i32
        %dma_wait3A_203 = tpu.memref_slice %arg8[%mul3A_48, %dma_wait3A_202] : memref<102400x128xf32, #tpu.memory_space<hbm>> -> memref<160x128xf32, #tpu.memory_space<hbm>>
        %dma_wait3A_204 = arith.constant 0 : i32
        %dma_wait3A_205 = tpu.memref_slice %arg8[%mul3A_48, %dma_wait3A_204] : memref<102400x128xf32, #tpu.memory_space<hbm>> -> memref<160x128xf32, #tpu.memory_space<hbm>>
        tpu.wait_dma2 semaphore(%arg22 : memref<!tpu.dma_semaphore, #tpu.memory_space<semaphore_mem>>) src(%arg14 : memref<160x128xf32, #tpu.memory_space<vmem>>) dst(%dma_wait3A_205 : memref<160x128xf32, #tpu.memory_space<hbm>>)
        %mul3A_206 = arith.constant 160 : i32
        %mul3A_207 = arith.muli %add3A_163, %mul3A_206 : i32
        %add3A_208 = arith.addi %mul3A_48, %mul3A_207 : i32
        %multiple_of3A_209 = tpu.assume_multiple %add3A_208, 160 : i32
        "tpu.region"() ({
          %run_scoped3A = tpu.sem_alloc : memref<!tpu.dma_semaphore, #tpu.memory_space<semaphore_mem>>
          %dma_start3A_213 = tpu.memref_slice %arg5[%multiple_of3A_209] : memref<102400xi32, #tpu.memory_space<hbm>> -> memref<160xi32, #tpu.memory_space<hbm>>
          %dma_start3A_214 = tpu.memref_slice %arg5[%multiple_of3A_209] : memref<102400xi32, #tpu.memory_space<hbm>> -> memref<160xi32, #tpu.memory_space<hbm>>
          tpu.enqueue_dma source(%dma_start3A_214 : memref<160xi32, #tpu.memory_space<hbm>>) target(%arg10 : memref<160xi32, #tpu.memory_space<vmem>>) target_semaphore(%run_scoped3A : memref<!tpu.dma_semaphore, #tpu.memory_space<semaphore_mem>>)
          %dma_wait3A_215 = tpu.memref_slice %arg5[%multiple_of3A_209] : memref<102400xi32, #tpu.memory_space<hbm>> -> memref<160xi32, #tpu.memory_space<hbm>>
          %dma_wait3A_216 = tpu.memref_slice %arg5[%multiple_of3A_209] : memref<102400xi32, #tpu.memory_space<hbm>> -> memref<160xi32, #tpu.memory_space<hbm>>
          tpu.wait_dma2 semaphore(%run_scoped3A : memref<!tpu.dma_semaphore, #tpu.memory_space<semaphore_mem>>) src(%dma_wait3A_216 : memref<160xi32, #tpu.memory_space<hbm>>) dst(%arg10 : memref<160xi32, #tpu.memory_space<vmem>>)
          tpu.yield
        }) : () -> ()
        %dma_start3A_210 = arith.constant 0 : i32
        %dma_start3A_211 = arith.constant 0 : i32
        %dma_start3A_212 = tpu.memref_slice %arg3[%dma_start3A_210, %dma_start3A_211] : memref<320000x128xf32, #tpu.memory_space<hbm>> -> memref<320000x128xf32, #tpu.memory_space<hbm>>
        tpu.enqueue_indirect_dma source(%dma_start3A_212 : memref<320000x128xf32, #tpu.memory_space<hbm>>) target(%arg14 : memref<160x128xf32, #tpu.memory_space<vmem>>) offsets(%arg10 : memref<160xi32, #tpu.memory_space<vmem>>) semaphore(%arg18 : memref<!tpu.dma_semaphore, #tpu.memory_space<semaphore_mem>>)
      } else {
      }
      %mul3A_169 = arith.constant 4 : i32
      %mul3A_170 = arith.muli %mul3A_169, %scan3A_97 : i32
      %add3A_171 = arith.constant 1 : i32
      %add3A_172 = arith.addi %mul3A_170, %add3A_171 : i32
      %add3A_173 = arith.constant 4 : i32
      %add3A_174 = arith.addi %add3A_172, %add3A_173 : i32
      %lt3A_175 = arith.constant 20 : i32
      %lt3A_176 = arith.cmpi slt, %add3A_174, %lt3A_175 : i32
      %convert_element_type3A_177 = arith.extui %lt3A_176 : i1 to i32
      %cond3A_178 = arith.constant 0 : i32
      %cond3A_179 = arith.cmpi ne, %convert_element_type3A_177, %cond3A_178 : i32
      scf.if %cond3A_179 {
        %dma_wait3A_202 = arith.constant 0 : i32
        %dma_wait3A_203 = tpu.memref_slice %arg8[%mul3A_48, %dma_wait3A_202] : memref<102400x128xf32, #tpu.memory_space<hbm>> -> memref<160x128xf32, #tpu.memory_space<hbm>>
        %dma_wait3A_204 = arith.constant 0 : i32
        %dma_wait3A_205 = tpu.memref_slice %arg8[%mul3A_48, %dma_wait3A_204] : memref<102400x128xf32, #tpu.memory_space<hbm>> -> memref<160x128xf32, #tpu.memory_space<hbm>>
        tpu.wait_dma2 semaphore(%arg23 : memref<!tpu.dma_semaphore, #tpu.memory_space<semaphore_mem>>) src(%arg15 : memref<160x128xf32, #tpu.memory_space<vmem>>) dst(%dma_wait3A_205 : memref<160x128xf32, #tpu.memory_space<hbm>>)
        %mul3A_206 = arith.constant 160 : i32
        %mul3A_207 = arith.muli %add3A_174, %mul3A_206 : i32
        %add3A_208 = arith.addi %mul3A_48, %mul3A_207 : i32
        %multiple_of3A_209 = tpu.assume_multiple %add3A_208, 160 : i32
        "tpu.region"() ({
          %run_scoped3A = tpu.sem_alloc : memref<!tpu.dma_semaphore, #tpu.memory_space<semaphore_mem>>
          %dma_start3A_213 = tpu.memref_slice %arg5[%multiple_of3A_209] : memref<102400xi32, #tpu.memory_space<hbm>> -> memref<160xi32, #tpu.memory_space<hbm>>
          %dma_start3A_214 = tpu.memref_slice %arg5[%multiple_of3A_209] : memref<102400xi32, #tpu.memory_space<hbm>> -> memref<160xi32, #tpu.memory_space<hbm>>
          tpu.enqueue_dma source(%dma_start3A_214 : memref<160xi32, #tpu.memory_space<hbm>>) target(%arg11 : memref<160xi32, #tpu.memory_space<vmem>>) target_semaphore(%run_scoped3A : memref<!tpu.dma_semaphore, #tpu.memory_space<semaphore_mem>>)
          %dma_wait3A_215 = tpu.memref_slice %arg5[%multiple_of3A_209] : memref<102400xi32, #tpu.memory_space<hbm>> -> memref<160xi32, #tpu.memory_space<hbm>>
          %dma_wait3A_216 = tpu.memref_slice %arg5[%multiple_of3A_209] : memref<102400xi32, #tpu.memory_space<hbm>> -> memref<160xi32, #tpu.memory_space<hbm>>
          tpu.wait_dma2 semaphore(%run_scoped3A : memref<!tpu.dma_semaphore, #tpu.memory_space<semaphore_mem>>) src(%dma_wait3A_216 : memref<160xi32, #tpu.memory_space<hbm>>) dst(%arg11 : memref<160xi32, #tpu.memory_space<vmem>>)
          tpu.yield
        }) : () -> ()
        %dma_start3A_210 = arith.constant 0 : i32
        %dma_start3A_211 = arith.constant 0 : i32
        %dma_start3A_212 = tpu.memref_slice %arg3[%dma_start3A_210, %dma_start3A_211] : memref<320000x128xf32, #tpu.memory_space<hbm>> -> memref<320000x128xf32, #tpu.memory_space<hbm>>
        tpu.enqueue_indirect_dma source(%dma_start3A_212 : memref<320000x128xf32, #tpu.memory_space<hbm>>) target(%arg15 : memref<160x128xf32, #tpu.memory_space<vmem>>) offsets(%arg11 : memref<160xi32, #tpu.memory_space<vmem>>) semaphore(%arg19 : memref<!tpu.dma_semaphore, #tpu.memory_space<semaphore_mem>>)
      } else {
      }
      %mul3A_180 = arith.constant 4 : i32
      %mul3A_181 = arith.muli %mul3A_180, %scan3A_97 : i32
      %add3A_182 = arith.constant 2 : i32
      %add3A_183 = arith.addi %mul3A_181, %add3A_182 : i32
      %add3A_184 = arith.constant 4 : i32
      %add3A_185 = arith.addi %add3A_183, %add3A_184 : i32
      %lt3A_186 = arith.constant 20 : i32
      %lt3A_187 = arith.cmpi slt, %add3A_185, %lt3A_186 : i32
      %convert_element_type3A_188 = arith.extui %lt3A_187 : i1 to i32
      %cond3A_189 = arith.constant 0 : i32
      %cond3A_190 = arith.cmpi ne, %convert_element_type3A_188, %cond3A_189 : i32
      scf.if %cond3A_190 {
        %dma_wait3A_202 = arith.constant 0 : i32
        %dma_wait3A_203 = tpu.memref_slice %arg8[%mul3A_48, %dma_wait3A_202] : memref<102400x128xf32, #tpu.memory_space<hbm>> -> memref<160x128xf32, #tpu.memory_space<hbm>>
        %dma_wait3A_204 = arith.constant 0 : i32
        %dma_wait3A_205 = tpu.memref_slice %arg8[%mul3A_48, %dma_wait3A_204] : memref<102400x128xf32, #tpu.memory_space<hbm>> -> memref<160x128xf32, #tpu.memory_space<hbm>>
        tpu.wait_dma2 semaphore(%arg24 : memref<!tpu.dma_semaphore, #tpu.memory_space<semaphore_mem>>) src(%arg16 : memref<160x128xf32, #tpu.memory_space<vmem>>) dst(%dma_wait3A_205 : memref<160x128xf32, #tpu.memory_space<hbm>>)
        %mul3A_206 = arith.constant 160 : i32
        %mul3A_207 = arith.muli %add3A_185, %mul3A_206 : i32
        %add3A_208 = arith.addi %mul3A_48, %mul3A_207 : i32
        %multiple_of3A_209 = tpu.assume_multiple %add3A_208, 160 : i32
        "tpu.region"() ({
          %run_scoped3A = tpu.sem_alloc : memref<!tpu.dma_semaphore, #tpu.memory_space<semaphore_mem>>
          %dma_start3A_213 = tpu.memref_slice %arg5[%multiple_of3A_209] : memref<102400xi32, #tpu.memory_space<hbm>> -> memref<160xi32, #tpu.memory_space<hbm>>
          %dma_start3A_214 = tpu.memref_slice %arg5[%multiple_of3A_209] : memref<102400xi32, #tpu.memory_space<hbm>> -> memref<160xi32, #tpu.memory_space<hbm>>
          tpu.enqueue_dma source(%dma_start3A_214 : memref<160xi32, #tpu.memory_space<hbm>>) target(%arg12 : memref<160xi32, #tpu.memory_space<vmem>>) target_semaphore(%run_scoped3A : memref<!tpu.dma_semaphore, #tpu.memory_space<semaphore_mem>>)
          %dma_wait3A_215 = tpu.memref_slice %arg5[%multiple_of3A_209] : memref<102400xi32, #tpu.memory_space<hbm>> -> memref<160xi32, #tpu.memory_space<hbm>>
          %dma_wait3A_216 = tpu.memref_slice %arg5[%multiple_of3A_209] : memref<102400xi32, #tpu.memory_space<hbm>> -> memref<160xi32, #tpu.memory_space<hbm>>
          tpu.wait_dma2 semaphore(%run_scoped3A : memref<!tpu.dma_semaphore, #tpu.memory_space<semaphore_mem>>) src(%dma_wait3A_216 : memref<160xi32, #tpu.memory_space<hbm>>) dst(%arg12 : memref<160xi32, #tpu.memory_space<vmem>>)
          tpu.yield
        }) : () -> ()
        %dma_start3A_210 = arith.constant 0 : i32
        %dma_start3A_211 = arith.constant 0 : i32
        %dma_start3A_212 = tpu.memref_slice %arg3[%dma_start3A_210, %dma_start3A_211] : memref<320000x128xf32, #tpu.memory_space<hbm>> -> memref<320000x128xf32, #tpu.memory_space<hbm>>
        tpu.enqueue_indirect_dma source(%dma_start3A_212 : memref<320000x128xf32, #tpu.memory_space<hbm>>) target(%arg16 : memref<160x128xf32, #tpu.memory_space<vmem>>) offsets(%arg12 : memref<160xi32, #tpu.memory_space<vmem>>) semaphore(%arg20 : memref<!tpu.dma_semaphore, #tpu.memory_space<semaphore_mem>>)
      } else {
      }
      %mul3A_191 = arith.constant 4 : i32
      %mul3A_192 = arith.muli %mul3A_191, %scan3A_97 : i32
      %add3A_193 = arith.constant 3 : i32
      %add3A_194 = arith.addi %mul3A_192, %add3A_193 : i32
      %add3A_195 = arith.constant 4 : i32
      %add3A_196 = arith.addi %add3A_194, %add3A_195 : i32
      %lt3A_197 = arith.constant 20 : i32
      %lt3A_198 = arith.cmpi slt, %add3A_196, %lt3A_197 : i32
      %convert_element_type3A_199 = arith.extui %lt3A_198 : i1 to i32
      %cond3A_200 = arith.constant 0 : i32
      %cond3A_201 = arith.cmpi ne, %convert_element_type3A_199, %cond3A_200 : i32
      scf.if %cond3A_201 {
        %dma_wait3A_202 = arith.constant 0 : i32
        %dma_wait3A_203 = tpu.memref_slice %arg8[%mul3A_48, %dma_wait3A_202] : memref<102400x128xf32, #tpu.memory_space<hbm>> -> memref<160x128xf32, #tpu.memory_space<hbm>>
        %dma_wait3A_204 = arith.constant 0 : i32
        %dma_wait3A_205 = tpu.memref_slice %arg8[%mul3A_48, %dma_wait3A_204] : memref<102400x128xf32, #tpu.memory_space<hbm>> -> memref<160x128xf32, #tpu.memory_space<hbm>>
        tpu.wait_dma2 semaphore(%arg25 : memref<!tpu.dma_semaphore, #tpu.memory_space<semaphore_mem>>) src(%arg17 : memref<160x128xf32, #tpu.memory_space<vmem>>) dst(%dma_wait3A_205 : memref<160x128xf32, #tpu.memory_space<hbm>>)
        %mul3A_206 = arith.constant 160 : i32
        %mul3A_207 = arith.muli %add3A_196, %mul3A_206 : i32
        %add3A_208 = arith.addi %mul3A_48, %mul3A_207 : i32
        %multiple_of3A_209 = tpu.assume_multiple %add3A_208, 160 : i32
        "tpu.region"() ({
          %run_scoped3A = tpu.sem_alloc : memref<!tpu.dma_semaphore, #tpu.memory_space<semaphore_mem>>
          %dma_start3A_213 = tpu.memref_slice %arg5[%multiple_of3A_209] : memref<102400xi32, #tpu.memory_space<hbm>> -> memref<160xi32, #tpu.memory_space<hbm>>
          %dma_start3A_214 = tpu.memref_slice %arg5[%multiple_of3A_209] : memref<102400xi32, #tpu.memory_space<hbm>> -> memref<160xi32, #tpu.memory_space<hbm>>
          tpu.enqueue_dma source(%dma_start3A_214 : memref<160xi32, #tpu.memory_space<hbm>>) target(%arg13 : memref<160xi32, #tpu.memory_space<vmem>>) target_semaphore(%run_scoped3A : memref<!tpu.dma_semaphore, #tpu.memory_space<semaphore_mem>>)
          %dma_wait3A_215 = tpu.memref_slice %arg5[%multiple_of3A_209] : memref<102400xi32, #tpu.memory_space<hbm>> -> memref<160xi32, #tpu.memory_space<hbm>>
          %dma_wait3A_216 = tpu.memref_slice %arg5[%multiple_of3A_209] : memref<102400xi32, #tpu.memory_space<hbm>> -> memref<160xi32, #tpu.memory_space<hbm>>
          tpu.wait_dma2 semaphore(%run_scoped3A : memref<!tpu.dma_semaphore, #tpu.memory_space<semaphore_mem>>) src(%dma_wait3A_216 : memref<160xi32, #tpu.memory_space<hbm>>) dst(%arg13 : memref<160xi32, #tpu.memory_space<vmem>>)
          tpu.yield
        }) : () -> ()
        %dma_start3A_210 = arith.constant 0 : i32
        %dma_start3A_211 = arith.constant 0 : i32
        %dma_start3A_212 = tpu.memref_slice %arg3[%dma_start3A_210, %dma_start3A_211] : memref<320000x128xf32, #tpu.memory_space<hbm>> -> memref<320000x128xf32, #tpu.memory_space<hbm>>
        tpu.enqueue_indirect_dma source(%dma_start3A_212 : memref<320000x128xf32, #tpu.memory_space<hbm>>) target(%arg17 : memref<160x128xf32, #tpu.memory_space<vmem>>) offsets(%arg13 : memref<160xi32, #tpu.memory_space<vmem>>) semaphore(%arg21 : memref<!tpu.dma_semaphore, #tpu.memory_space<semaphore_mem>>)
      } else {
      }
    }
    %scan3A_78 = arith.constant 5 : i32
    %dma_wait3A_79 = arith.constant 0 : i32
    %dma_wait3A_80 = tpu.memref_slice %arg8[%mul3A_48, %dma_wait3A_79] : memref<102400x128xf32, #tpu.memory_space<hbm>> -> memref<160x128xf32, #tpu.memory_space<hbm>>
    %dma_wait3A_81 = arith.constant 0 : i32
    %dma_wait3A_82 = tpu.memref_slice %arg8[%mul3A_48, %dma_wait3A_81] : memref<102400x128xf32, #tpu.memory_space<hbm>> -> memref<160x128xf32, #tpu.memory_space<hbm>>
    tpu.wait_dma2 semaphore(%arg22 : memref<!tpu.dma_semaphore, #tpu.memory_space<semaphore_mem>>) src(%arg14 : memref<160x128xf32, #tpu.memory_space<vmem>>) dst(%dma_wait3A_82 : memref<160x128xf32, #tpu.memory_space<hbm>>)
    %dma_wait3A_83 = arith.constant 0 : i32
    %dma_wait3A_84 = tpu.memref_slice %arg8[%mul3A_48, %dma_wait3A_83] : memref<102400x128xf32, #tpu.memory_space<hbm>> -> memref<160x128xf32, #tpu.memory_space<hbm>>
    %dma_wait3A_85 = arith.constant 0 : i32
    %dma_wait3A_86 = tpu.memref_slice %arg8[%mul3A_48, %dma_wait3A_85] : memref<102400x128xf32, #tpu.memory_space<hbm>> -> memref<160x128xf32, #tpu.memory_space<hbm>>
    tpu.wait_dma2 semaphore(%arg23 : memref<!tpu.dma_semaphore, #tpu.memory_space<semaphore_mem>>) src(%arg15 : memref<160x128xf32, #tpu.memory_space<vmem>>) dst(%dma_wait3A_86 : memref<160x128xf32, #tpu.memory_space<hbm>>)
    %dma_wait3A_87 = arith.constant 0 : i32
    %dma_wait3A_88 = tpu.memref_slice %arg8[%mul3A_48, %dma_wait3A_87] : memref<102400x128xf32, #tpu.memory_space<hbm>> -> memref<160x128xf32, #tpu.memory_space<hbm>>
    %dma_wait3A_89 = arith.constant 0 : i32
    %dma_wait3A_90 = tpu.memref_slice %arg8[%mul3A_48, %dma_wait3A_89] : memref<102400x128xf32, #tpu.memory_space<hbm>> -> memref<160x128xf32, #tpu.memory_space<hbm>>
    tpu.wait_dma2 semaphore(%arg24 : memref<!tpu.dma_semaphore, #tpu.memory_space<semaphore_mem>>) src(%arg16 : memref<160x128xf32, #tpu.memory_space<vmem>>) dst(%dma_wait3A_90 : memref<160x128xf32, #tpu.memory_space<hbm>>)
    %dma_wait3A_91 = arith.constant 0 : i32
    %dma_wait3A_92 = tpu.memref_slice %arg8[%mul3A_48, %dma_wait3A_91] : memref<102400x128xf32, #tpu.memory_space<hbm>> -> memref<160x128xf32, #tpu.memory_space<hbm>>
    %dma_wait3A_93 = arith.constant 0 : i32
    %dma_wait3A_94 = tpu.memref_slice %arg8[%mul3A_48, %dma_wait3A_93] : memref<102400x128xf32, #tpu.memory_space<hbm>> -> memref<160x128xf32, #tpu.memory_space<hbm>>
    tpu.wait_dma2 semaphore(%arg25 : memref<!tpu.dma_semaphore, #tpu.memory_space<semaphore_mem>>) src(%arg17 : memref<160x128xf32, #tpu.memory_space<vmem>>) dst(%dma_wait3A_94 : memref<160x128xf32, #tpu.memory_space<hbm>>)
    %lt3A = arith.constant 32 : i32
    %lt3A_95 = arith.cmpi slt, %add3A, %lt3A : i32
    %convert_element_type3A = arith.extui %lt3A_95 : i1 to i32
    %cond3A = arith.constant 0 : i32
    %cond3A_96 = arith.cmpi ne, %convert_element_type3A, %cond3A : i32
    scf.if %cond3A_96 {
      %mul3A_97 = arith.constant 160 : i32
      %mul3A_98 = arith.muli %add3A, %mul3A_97 : i32
      %multiple_of3A_99 = tpu.assume_multiple %mul3A_98, 160 : i32
      "tpu.region"() ({
        %run_scoped3A = tpu.sem_alloc : memref<!tpu.dma_semaphore, #tpu.memory_space<semaphore_mem>>
        %dma_start3A_106 = tpu.memref_slice %arg6[%multiple_of3A_99] : memref<5120xi32, #tpu.memory_space<hbm>> -> memref<160xi32, #tpu.memory_space<hbm>>
        %dma_start3A_107 = tpu.memref_slice %arg6[%multiple_of3A_99] : memref<5120xi32, #tpu.memory_space<hbm>> -> memref<160xi32, #tpu.memory_space<hbm>>
        tpu.enqueue_dma source(%dma_start3A_107 : memref<160xi32, #tpu.memory_space<hbm>>) target(%arg10 : memref<160xi32, #tpu.memory_space<vmem>>) target_semaphore(%run_scoped3A : memref<!tpu.dma_semaphore, #tpu.memory_space<semaphore_mem>>)
        %dma_wait3A_108 = tpu.memref_slice %arg6[%multiple_of3A_99] : memref<5120xi32, #tpu.memory_space<hbm>> -> memref<160xi32, #tpu.memory_space<hbm>>
        %dma_wait3A_109 = tpu.memref_slice %arg6[%multiple_of3A_99] : memref<5120xi32, #tpu.memory_space<hbm>> -> memref<160xi32, #tpu.memory_space<hbm>>
        tpu.wait_dma2 semaphore(%run_scoped3A : memref<!tpu.dma_semaphore, #tpu.memory_space<semaphore_mem>>) src(%dma_wait3A_109 : memref<160xi32, #tpu.memory_space<hbm>>) dst(%arg10 : memref<160xi32, #tpu.memory_space<vmem>>)
        tpu.yield
      }) : () -> ()
      %dma_start3A_100 = arith.constant 0 : i32
      %dma_start3A_101 = arith.constant 0 : i32
      %dma_start3A_102 = tpu.memref_slice %arg2[%dma_start3A_100, %dma_start3A_101] : memref<100000x128xf32, #tpu.memory_space<hbm>> -> memref<100000x128xf32, #tpu.memory_space<hbm>>
      tpu.enqueue_indirect_dma source(%dma_start3A_102 : memref<100000x128xf32, #tpu.memory_space<hbm>>) target(%arg14 : memref<160x128xf32, #tpu.memory_space<vmem>>) offsets(%arg10 : memref<160xi32, #tpu.memory_space<vmem>>) semaphore(%arg18 : memref<!tpu.dma_semaphore, #tpu.memory_space<semaphore_mem>>)
      %dma_wait3A_103 = arith.constant 0 : i32
      %dma_wait3A_104 = arith.constant 0 : i32
      %dma_wait3A_105 = tpu.memref_slice %arg2[%dma_wait3A_103, %dma_wait3A_104] : memref<100000x128xf32, #tpu.memory_space<hbm>> -> memref<100000x128xf32, #tpu.memory_space<hbm>>
      tpu.wait_indirect_dma semaphore(%arg18 : memref<!tpu.dma_semaphore, #tpu.memory_space<semaphore_mem>>) src(%dma_wait3A_105 : memref<100000x128xf32, #tpu.memory_space<hbm>>) dst(%arg14 : memref<160x128xf32, #tpu.memory_space<vmem>>)
      "tpu.region"() ({
        %run_scoped3A = tpu.sem_alloc : memref<!tpu.dma_semaphore, #tpu.memory_space<semaphore_mem>>
        %dma_start3A_106 = arith.constant 0 : i32
        %dma_start3A_107 = tpu.memref_slice %arg9[%multiple_of3A_99, %dma_start3A_106] : memref<5120x128xf32, #tpu.memory_space<hbm>> -> memref<160x128xf32, #tpu.memory_space<hbm>>
        %dma_start3A_108 = arith.constant 0 : i32
        %dma_start3A_109 = tpu.memref_slice %arg9[%multiple_of3A_99, %dma_start3A_108] : memref<5120x128xf32, #tpu.memory_space<hbm>> -> memref<160x128xf32, #tpu.memory_space<hbm>>
        tpu.enqueue_dma source(%arg14 : memref<160x128xf32, #tpu.memory_space<vmem>>) target(%dma_start3A_109 : memref<160x128xf32, #tpu.memory_space<hbm>>) target_semaphore(%run_scoped3A : memref<!tpu.dma_semaphore, #tpu.memory_space<semaphore_mem>>)
        %dma_wait3A_110 = arith.constant 0 : i32
        %dma_wait3A_111 = tpu.memref_slice %arg9[%multiple_of3A_99, %dma_wait3A_110] : memref<5120x128xf32, #tpu.memory_space<hbm>> -> memref<160x128xf32, #tpu.memory_space<hbm>>
        %dma_wait3A_112 = arith.constant 0 : i32
        %dma_wait3A_113 = tpu.memref_slice %arg9[%multiple_of3A_99, %dma_wait3A_112] : memref<5120x128xf32, #tpu.memory_space<hbm>> -> memref<160x128xf32, #tpu.memory_space<hbm>>
        tpu.wait_dma2 semaphore(%run_scoped3A : memref<!tpu.dma_semaphore, #tpu.memory_space<semaphore_mem>>) src(%arg14 : memref<160x128xf32, #tpu.memory_space<vmem>>) dst(%dma_wait3A_113 : memref<160x128xf32, #tpu.memory_space<hbm>>)
        tpu.yield
      }) : () -> ()
    } else {
    }
    return
  }
}

#map = affine_map<(d0, d1) -> (0, 0)>
#map1 = affine_map<(d0, d1) -> (0)>
module attributes {stable_mosaic.version = 14 : i64} {
  func.func @_sc_gather(%arg0: i32, %arg1: i32, %arg2: memref<100000x128xf32, #tpu.memory_space<hbm>>, %arg3: memref<320000x128xf32, #tpu.memory_space<hbm>>, %arg4: memref<102400xi32, #tpu.memory_space<hbm>>, %arg5: memref<102400xi32, #tpu.memory_space<hbm>>, %arg6: memref<5120xi32, #tpu.memory_space<hbm>>, %arg7: memref<102400x128xf32, #tpu.memory_space<hbm>>, %arg8: memref<102400x128xf32, #tpu.memory_space<hbm>>, %arg9: memref<5120x128xf32, #tpu.memory_space<hbm>>, %arg10: memref<160xi32, #tpu.memory_space<vmem>>, %arg11: memref<160xi32, #tpu.memory_space<vmem>>, %arg12: memref<160xi32, #tpu.memory_space<vmem>>, %arg13: memref<160xi32, #tpu.memory_space<vmem>>, %arg14: memref<160x128xf32, #tpu.memory_space<vmem>>, %arg15: memref<160x128xf32, #tpu.memory_space<vmem>>, %arg16: memref<160x128xf32, #tpu.memory_space<vmem>>, %arg17: memref<160x128xf32, #tpu.memory_space<vmem>>, %arg18: memref<!tpu.dma_semaphore, #tpu.memory_space<semaphore_mem>>, %arg19: memref<!tpu.dma_semaphore, #tpu.memory_space<semaphore_mem>>, %arg20: memref<!tpu.dma_semaphore, #tpu.memory_space<semaphore_mem>>, %arg21: memref<!tpu.dma_semaphore, #tpu.memory_space<semaphore_mem>>, %arg22: memref<!tpu.dma_semaphore, #tpu.memory_space<semaphore_mem>>, %arg23: memref<!tpu.dma_semaphore, #tpu.memory_space<semaphore_mem>>, %arg24: memref<!tpu.dma_semaphore, #tpu.memory_space<semaphore_mem>>, %arg25: memref<!tpu.dma_semaphore, #tpu.memory_space<semaphore_mem>>) attributes {dimension_semantics = [#tpu.dimension_semantics<core_parallel>, #tpu.dimension_semantics<subcore_parallel>], iteration_bounds = array<i64: 2, 16>, scalar_prefetch = 0 : i64, scratch_operands = 16 : i64, tpu.core_type = #tpu.core_type<sc_vector_subcore>, window_params = [{transform_indices = #map}, {transform_indices = #map}, {transform_indices = #map1}, {transform_indices = #map1}, {transform_indices = #map1}, {transform_indices = #map}, {transform_indices = #map}, {transform_indices = #map}]} {
    %mul3A = arith.constant 2 : i32
    %mul3A_0 = arith.muli %arg1, %mul3A : i32
    %add3A = arith.addi %mul3A_0, %arg0 : i32
    %mul3A_1 = arith.constant 20 : i32
    %mul3A_2 = arith.muli %add3A, %mul3A_1 : i32
    %mul3A_3 = arith.constant 160 : i32
    %mul3A_4 = arith.muli %mul3A_2, %mul3A_3 : i32
    %add3A_5 = arith.constant 0 : i32
    %add3A_6 = arith.addi %mul3A_4, %add3A_5 : i32
    %multiple_of3A = tpu.assume_multiple %add3A_6, 160 : i32
    "tpu.region"() ({
      %run_scoped3A = tpu.sem_alloc : memref<!tpu.dma_semaphore, #tpu.memory_space<semaphore_mem>>
      %dma_start3A_97 = tpu.memref_slice %arg4[%multiple_of3A] : memref<102400xi32, #tpu.memory_space<hbm>> -> memref<160xi32, #tpu.memory_space<hbm>>
      %dma_start3A_98 = tpu.memref_slice %arg4[%multiple_of3A] : memref<102400xi32, #tpu.memory_space<hbm>> -> memref<160xi32, #tpu.memory_space<hbm>>
      tpu.enqueue_dma source(%dma_start3A_98 : memref<160xi32, #tpu.memory_space<hbm>>) target(%arg10 : memref<160xi32, #tpu.memory_space<vmem>>) target_semaphore(%run_scoped3A : memref<!tpu.dma_semaphore, #tpu.memory_space<semaphore_mem>>)
      %dma_wait3A_99 = tpu.memref_slice %arg4[%multiple_of3A] : memref<102400xi32, #tpu.memory_space<hbm>> -> memref<160xi32, #tpu.memory_space<hbm>>
      %dma_wait3A_100 = tpu.memref_slice %arg4[%multiple_of3A] : memref<102400xi32, #tpu.memory_space<hbm>> -> memref<160xi32, #tpu.memory_space<hbm>>
      tpu.wait_dma2 semaphore(%run_scoped3A : memref<!tpu.dma_semaphore, #tpu.memory_space<semaphore_mem>>) src(%dma_wait3A_100 : memref<160xi32, #tpu.memory_space<hbm>>) dst(%arg10 : memref<160xi32, #tpu.memory_space<vmem>>)
      tpu.yield
    }) : () -> ()
    %dma_start3A = arith.constant 0 : i32
    %dma_start3A_7 = arith.constant 0 : i32
    %dma_start3A_8 = tpu.memref_slice %arg2[%dma_start3A, %dma_start3A_7] : memref<100000x128xf32, #tpu.memory_space<hbm>> -> memref<100000x128xf32, #tpu.memory_space<hbm>>
    tpu.enqueue_indirect_dma source(%dma_start3A_8 : memref<100000x128xf32, #tpu.memory_space<hbm>>) target(%arg14 : memref<160x128xf32, #tpu.memory_space<vmem>>) offsets(%arg10 : memref<160xi32, #tpu.memory_space<vmem>>) semaphore(%arg18 : memref<!tpu.dma_semaphore, #tpu.memory_space<semaphore_mem>>)
    %add3A_9 = arith.constant 160 : i32
    %add3A_10 = arith.addi %mul3A_4, %add3A_9 : i32
    %multiple_of3A_11 = tpu.assume_multiple %add3A_10, 160 : i32
    "tpu.region"() ({
      %run_scoped3A = tpu.sem_alloc : memref<!tpu.dma_semaphore, #tpu.memory_space<semaphore_mem>>
      %dma_start3A_97 = tpu.memref_slice %arg4[%multiple_of3A_11] : memref<102400xi32, #tpu.memory_space<hbm>> -> memref<160xi32, #tpu.memory_space<hbm>>
      %dma_start3A_98 = tpu.memref_slice %arg4[%multiple_of3A_11] : memref<102400xi32, #tpu.memory_space<hbm>> -> memref<160xi32, #tpu.memory_space<hbm>>
      tpu.enqueue_dma source(%dma_start3A_98 : memref<160xi32, #tpu.memory_space<hbm>>) target(%arg11 : memref<160xi32, #tpu.memory_space<vmem>>) target_semaphore(%run_scoped3A : memref<!tpu.dma_semaphore, #tpu.memory_space<semaphore_mem>>)
      %dma_wait3A_99 = tpu.memref_slice %arg4[%multiple_of3A_11] : memref<102400xi32, #tpu.memory_space<hbm>> -> memref<160xi32, #tpu.memory_space<hbm>>
      %dma_wait3A_100 = tpu.memref_slice %arg4[%multiple_of3A_11] : memref<102400xi32, #tpu.memory_space<hbm>> -> memref<160xi32, #tpu.memory_space<hbm>>
      tpu.wait_dma2 semaphore(%run_scoped3A : memref<!tpu.dma_semaphore, #tpu.memory_space<semaphore_mem>>) src(%dma_wait3A_100 : memref<160xi32, #tpu.memory_space<hbm>>) dst(%arg11 : memref<160xi32, #tpu.memory_space<vmem>>)
      tpu.yield
    }) : () -> ()
    %dma_start3A_12 = arith.constant 0 : i32
    %dma_start3A_13 = arith.constant 0 : i32
    %dma_start3A_14 = tpu.memref_slice %arg2[%dma_start3A_12, %dma_start3A_13] : memref<100000x128xf32, #tpu.memory_space<hbm>> -> memref<100000x128xf32, #tpu.memory_space<hbm>>
    tpu.enqueue_indirect_dma source(%dma_start3A_14 : memref<100000x128xf32, #tpu.memory_space<hbm>>) target(%arg15 : memref<160x128xf32, #tpu.memory_space<vmem>>) offsets(%arg11 : memref<160xi32, #tpu.memory_space<vmem>>) semaphore(%arg19 : memref<!tpu.dma_semaphore, #tpu.memory_space<semaphore_mem>>)
    %add3A_15 = arith.constant 320 : i32
    %add3A_16 = arith.addi %mul3A_4, %add3A_15 : i32
    %multiple_of3A_17 = tpu.assume_multiple %add3A_16, 160 : i32
    "tpu.region"() ({
      %run_scoped3A = tpu.sem_alloc : memref<!tpu.dma_semaphore, #tpu.memory_space<semaphore_mem>>
      %dma_start3A_97 = tpu.memref_slice %arg4[%multiple_of3A_17] : memref<102400xi32, #tpu.memory_space<hbm>> -> memref<160xi32, #tpu.memory_space<hbm>>
      %dma_start3A_98 = tpu.memref_slice %arg4[%multiple_of3A_17] : memref<102400xi32, #tpu.memory_space<hbm>> -> memref<160xi32, #tpu.memory_space<hbm>>
      tpu.enqueue_dma source(%dma_start3A_98 : memref<160xi32, #tpu.memory_space<hbm>>) target(%arg12 : memref<160xi32, #tpu.memory_space<vmem>>) target_semaphore(%run_scoped3A : memref<!tpu.dma_semaphore, #tpu.memory_space<semaphore_mem>>)
      %dma_wait3A_99 = tpu.memref_slice %arg4[%multiple_of3A_17] : memref<102400xi32, #tpu.memory_space<hbm>> -> memref<160xi32, #tpu.memory_space<hbm>>
      %dma_wait3A_100 = tpu.memref_slice %arg4[%multiple_of3A_17] : memref<102400xi32, #tpu.memory_space<hbm>> -> memref<160xi32, #tpu.memory_space<hbm>>
      tpu.wait_dma2 semaphore(%run_scoped3A : memref<!tpu.dma_semaphore, #tpu.memory_space<semaphore_mem>>) src(%dma_wait3A_100 : memref<160xi32, #tpu.memory_space<hbm>>) dst(%arg12 : memref<160xi32, #tpu.memory_space<vmem>>)
      tpu.yield
    }) : () -> ()
    %dma_start3A_18 = arith.constant 0 : i32
    %dma_start3A_19 = arith.constant 0 : i32
    %dma_start3A_20 = tpu.memref_slice %arg2[%dma_start3A_18, %dma_start3A_19] : memref<100000x128xf32, #tpu.memory_space<hbm>> -> memref<100000x128xf32, #tpu.memory_space<hbm>>
    tpu.enqueue_indirect_dma source(%dma_start3A_20 : memref<100000x128xf32, #tpu.memory_space<hbm>>) target(%arg16 : memref<160x128xf32, #tpu.memory_space<vmem>>) offsets(%arg12 : memref<160xi32, #tpu.memory_space<vmem>>) semaphore(%arg20 : memref<!tpu.dma_semaphore, #tpu.memory_space<semaphore_mem>>)
    %add3A_21 = arith.constant 480 : i32
    %add3A_22 = arith.addi %mul3A_4, %add3A_21 : i32
    %multiple_of3A_23 = tpu.assume_multiple %add3A_22, 160 : i32
    "tpu.region"() ({
      %run_scoped3A = tpu.sem_alloc : memref<!tpu.dma_semaphore, #tpu.memory_space<semaphore_mem>>
      %dma_start3A_97 = tpu.memref_slice %arg4[%multiple_of3A_23] : memref<102400xi32, #tpu.memory_space<hbm>> -> memref<160xi32, #tpu.memory_space<hbm>>
      %dma_start3A_98 = tpu.memref_slice %arg4[%multiple_of3A_23] : memref<102400xi32, #tpu.memory_space<hbm>> -> memref<160xi32, #tpu.memory_space<hbm>>
      tpu.enqueue_dma source(%dma_start3A_98 : memref<160xi32, #tpu.memory_space<hbm>>) target(%arg13 : memref<160xi32, #tpu.memory_space<vmem>>) target_semaphore(%run_scoped3A : memref<!tpu.dma_semaphore, #tpu.memory_space<semaphore_mem>>)
      %dma_wait3A_99 = tpu.memref_slice %arg4[%multiple_of3A_23] : memref<102400xi32, #tpu.memory_space<hbm>> -> memref<160xi32, #tpu.memory_space<hbm>>
      %dma_wait3A_100 = tpu.memref_slice %arg4[%multiple_of3A_23] : memref<102400xi32, #tpu.memory_space<hbm>> -> memref<160xi32, #tpu.memory_space<hbm>>
      tpu.wait_dma2 semaphore(%run_scoped3A : memref<!tpu.dma_semaphore, #tpu.memory_space<semaphore_mem>>) src(%dma_wait3A_100 : memref<160xi32, #tpu.memory_space<hbm>>) dst(%arg13 : memref<160xi32, #tpu.memory_space<vmem>>)
      tpu.yield
    }) : () -> ()
    %dma_start3A_24 = arith.constant 0 : i32
    %dma_start3A_25 = arith.constant 0 : i32
    %dma_start3A_26 = tpu.memref_slice %arg2[%dma_start3A_24, %dma_start3A_25] : memref<100000x128xf32, #tpu.memory_space<hbm>> -> memref<100000x128xf32, #tpu.memory_space<hbm>>
    tpu.enqueue_indirect_dma source(%dma_start3A_26 : memref<100000x128xf32, #tpu.memory_space<hbm>>) target(%arg17 : memref<160x128xf32, #tpu.memory_space<vmem>>) offsets(%arg13 : memref<160xi32, #tpu.memory_space<vmem>>) semaphore(%arg21 : memref<!tpu.dma_semaphore, #tpu.memory_space<semaphore_mem>>)
    %scan3A = arith.constant 0 : i32
    %scan3A_27 = arith.constant 0 : i32
    %scan3A_28 = arith.constant 5 : i32
    %scan3A_29 = arith.addi %scan3A_27, %scan3A_28 : i32
    %scan3A_30 = arith.constant 1 : i32
    scf.for %scan3A_97 = %scan3A_27 to %scan3A_29 step %scan3A_30  : i32 {
      %dma_wait3A_98 = arith.constant 0 : i32
      %dma_wait3A_99 = arith.constant 0 : i32
      %dma_wait3A_100 = tpu.memref_slice %arg2[%dma_wait3A_98, %dma_wait3A_99] : memref<100000x128xf32, #tpu.memory_space<hbm>> -> memref<100000x128xf32, #tpu.memory_space<hbm>>
      tpu.wait_indirect_dma semaphore(%arg18 : memref<!tpu.dma_semaphore, #tpu.memory_space<semaphore_mem>>) src(%dma_wait3A_100 : memref<100000x128xf32, #tpu.memory_space<hbm>>) dst(%arg14 : memref<160x128xf32, #tpu.memory_space<vmem>>)
      %mul3A_101 = arith.constant 4 : i32
      %mul3A_102 = arith.muli %mul3A_101, %scan3A_97 : i32
      %add3A_103 = arith.constant 0 : i32
      %add3A_104 = arith.addi %mul3A_102, %add3A_103 : i32
      %mul3A_105 = arith.constant 160 : i32
      %mul3A_106 = arith.muli %add3A_104, %mul3A_105 : i32
      %add3A_107 = arith.addi %mul3A_4, %mul3A_106 : i32
      %multiple_of3A_108 = tpu.assume_multiple %add3A_107, 160 : i32
      %dma_start3A_109 = arith.constant 0 : i32
      %dma_start3A_110 = tpu.memref_slice %arg7[%multiple_of3A_108, %dma_start3A_109] : memref<102400x128xf32, #tpu.memory_space<hbm>> -> memref<160x128xf32, #tpu.memory_space<hbm>>
      %dma_start3A_111 = arith.constant 0 : i32
      %dma_start3A_112 = tpu.memref_slice %arg7[%multiple_of3A_108, %dma_start3A_111] : memref<102400x128xf32, #tpu.memory_space<hbm>> -> memref<160x128xf32, #tpu.memory_space<hbm>>
      tpu.enqueue_dma source(%arg14 : memref<160x128xf32, #tpu.memory_space<vmem>>) target(%dma_start3A_112 : memref<160x128xf32, #tpu.memory_space<hbm>>) target_semaphore(%arg22 : memref<!tpu.dma_semaphore, #tpu.memory_space<semaphore_mem>>)
      %dma_wait3A_113 = arith.constant 0 : i32
      %dma_wait3A_114 = arith.constant 0 : i32
      %dma_wait3A_115 = tpu.memref_slice %arg2[%dma_wait3A_113, %dma_wait3A_114] : memref<100000x128xf32, #tpu.memory_space<hbm>> -> memref<100000x128xf32, #tpu.memory_space<hbm>>
      tpu.wait_indirect_dma semaphore(%arg19 : memref<!tpu.dma_semaphore, #tpu.memory_space<semaphore_mem>>) src(%dma_wait3A_115 : memref<100000x128xf32, #tpu.memory_space<hbm>>) dst(%arg15 : memref<160x128xf32, #tpu.memory_space<vmem>>)
      %mul3A_116 = arith.constant 4 : i32
      %mul3A_117 = arith.muli %mul3A_116, %scan3A_97 : i32
      %add3A_118 = arith.constant 1 : i32
      %add3A_119 = arith.addi %mul3A_117, %add3A_118 : i32
      %mul3A_120 = arith.constant 160 : i32
      %mul3A_121 = arith.muli %add3A_119, %mul3A_120 : i32
      %add3A_122 = arith.addi %mul3A_4, %mul3A_121 : i32
      %multiple_of3A_123 = tpu.assume_multiple %add3A_122, 160 : i32
      %dma_start3A_124 = arith.constant 0 : i32
      %dma_start3A_125 = tpu.memref_slice %arg7[%multiple_of3A_123, %dma_start3A_124] : memref<102400x128xf32, #tpu.memory_space<hbm>> -> memref<160x128xf32, #tpu.memory_space<hbm>>
      %dma_start3A_126 = arith.constant 0 : i32
      %dma_start3A_127 = tpu.memref_slice %arg7[%multiple_of3A_123, %dma_start3A_126] : memref<102400x128xf32, #tpu.memory_space<hbm>> -> memref<160x128xf32, #tpu.memory_space<hbm>>
      tpu.enqueue_dma source(%arg15 : memref<160x128xf32, #tpu.memory_space<vmem>>) target(%dma_start3A_127 : memref<160x128xf32, #tpu.memory_space<hbm>>) target_semaphore(%arg23 : memref<!tpu.dma_semaphore, #tpu.memory_space<semaphore_mem>>)
      %dma_wait3A_128 = arith.constant 0 : i32
      %dma_wait3A_129 = arith.constant 0 : i32
      %dma_wait3A_130 = tpu.memref_slice %arg2[%dma_wait3A_128, %dma_wait3A_129] : memref<100000x128xf32, #tpu.memory_space<hbm>> -> memref<100000x128xf32, #tpu.memory_space<hbm>>
      tpu.wait_indirect_dma semaphore(%arg20 : memref<!tpu.dma_semaphore, #tpu.memory_space<semaphore_mem>>) src(%dma_wait3A_130 : memref<100000x128xf32, #tpu.memory_space<hbm>>) dst(%arg16 : memref<160x128xf32, #tpu.memory_space<vmem>>)
      %mul3A_131 = arith.constant 4 : i32
      %mul3A_132 = arith.muli %mul3A_131, %scan3A_97 : i32
      %add3A_133 = arith.constant 2 : i32
      %add3A_134 = arith.addi %mul3A_132, %add3A_133 : i32
      %mul3A_135 = arith.constant 160 : i32
      %mul3A_136 = arith.muli %add3A_134, %mul3A_135 : i32
      %add3A_137 = arith.addi %mul3A_4, %mul3A_136 : i32
      %multiple_of3A_138 = tpu.assume_multiple %add3A_137, 160 : i32
      %dma_start3A_139 = arith.constant 0 : i32
      %dma_start3A_140 = tpu.memref_slice %arg7[%multiple_of3A_138, %dma_start3A_139] : memref<102400x128xf32, #tpu.memory_space<hbm>> -> memref<160x128xf32, #tpu.memory_space<hbm>>
      %dma_start3A_141 = arith.constant 0 : i32
      %dma_start3A_142 = tpu.memref_slice %arg7[%multiple_of3A_138, %dma_start3A_141] : memref<102400x128xf32, #tpu.memory_space<hbm>> -> memref<160x128xf32, #tpu.memory_space<hbm>>
      tpu.enqueue_dma source(%arg16 : memref<160x128xf32, #tpu.memory_space<vmem>>) target(%dma_start3A_142 : memref<160x128xf32, #tpu.memory_space<hbm>>) target_semaphore(%arg24 : memref<!tpu.dma_semaphore, #tpu.memory_space<semaphore_mem>>)
      %dma_wait3A_143 = arith.constant 0 : i32
      %dma_wait3A_144 = arith.constant 0 : i32
      %dma_wait3A_145 = tpu.memref_slice %arg2[%dma_wait3A_143, %dma_wait3A_144] : memref<100000x128xf32, #tpu.memory_space<hbm>> -> memref<100000x128xf32, #tpu.memory_space<hbm>>
      tpu.wait_indirect_dma semaphore(%arg21 : memref<!tpu.dma_semaphore, #tpu.memory_space<semaphore_mem>>) src(%dma_wait3A_145 : memref<100000x128xf32, #tpu.memory_space<hbm>>) dst(%arg17 : memref<160x128xf32, #tpu.memory_space<vmem>>)
      %mul3A_146 = arith.constant 4 : i32
      %mul3A_147 = arith.muli %mul3A_146, %scan3A_97 : i32
      %add3A_148 = arith.constant 3 : i32
      %add3A_149 = arith.addi %mul3A_147, %add3A_148 : i32
      %mul3A_150 = arith.constant 160 : i32
      %mul3A_151 = arith.muli %add3A_149, %mul3A_150 : i32
      %add3A_152 = arith.addi %mul3A_4, %mul3A_151 : i32
      %multiple_of3A_153 = tpu.assume_multiple %add3A_152, 160 : i32
      %dma_start3A_154 = arith.constant 0 : i32
      %dma_start3A_155 = tpu.memref_slice %arg7[%multiple_of3A_153, %dma_start3A_154] : memref<102400x128xf32, #tpu.memory_space<hbm>> -> memref<160x128xf32, #tpu.memory_space<hbm>>
      %dma_start3A_156 = arith.constant 0 : i32
      %dma_start3A_157 = tpu.memref_slice %arg7[%multiple_of3A_153, %dma_start3A_156] : memref<102400x128xf32, #tpu.memory_space<hbm>> -> memref<160x128xf32, #tpu.memory_space<hbm>>
      tpu.enqueue_dma source(%arg17 : memref<160x128xf32, #tpu.memory_space<vmem>>) target(%dma_start3A_157 : memref<160x128xf32, #tpu.memory_space<hbm>>) target_semaphore(%arg25 : memref<!tpu.dma_semaphore, #tpu.memory_space<semaphore_mem>>)
      %mul3A_158 = arith.constant 4 : i32
      %mul3A_159 = arith.muli %mul3A_158, %scan3A_97 : i32
      %add3A_160 = arith.constant 0 : i32
      %add3A_161 = arith.addi %mul3A_159, %add3A_160 : i32
      %add3A_162 = arith.constant 4 : i32
      %add3A_163 = arith.addi %add3A_161, %add3A_162 : i32
      %lt3A_164 = arith.constant 20 : i32
      %lt3A_165 = arith.cmpi slt, %add3A_163, %lt3A_164 : i32
      %convert_element_type3A_166 = arith.extui %lt3A_165 : i1 to i32
      %cond3A_167 = arith.constant 0 : i32
      %cond3A_168 = arith.cmpi ne, %convert_element_type3A_166, %cond3A_167 : i32
      scf.if %cond3A_168 {
        %dma_wait3A_202 = arith.constant 0 : i32
        %dma_wait3A_203 = tpu.memref_slice %arg7[%mul3A_4, %dma_wait3A_202] : memref<102400x128xf32, #tpu.memory_space<hbm>> -> memref<160x128xf32, #tpu.memory_space<hbm>>
        %dma_wait3A_204 = arith.constant 0 : i32
        %dma_wait3A_205 = tpu.memref_slice %arg7[%mul3A_4, %dma_wait3A_204] : memref<102400x128xf32, #tpu.memory_space<hbm>> -> memref<160x128xf32, #tpu.memory_space<hbm>>
        tpu.wait_dma2 semaphore(%arg22 : memref<!tpu.dma_semaphore, #tpu.memory_space<semaphore_mem>>) src(%arg14 : memref<160x128xf32, #tpu.memory_space<vmem>>) dst(%dma_wait3A_205 : memref<160x128xf32, #tpu.memory_space<hbm>>)
        %mul3A_206 = arith.constant 160 : i32
        %mul3A_207 = arith.muli %add3A_163, %mul3A_206 : i32
        %add3A_208 = arith.addi %mul3A_4, %mul3A_207 : i32
        %multiple_of3A_209 = tpu.assume_multiple %add3A_208, 160 : i32
        "tpu.region"() ({
          %run_scoped3A = tpu.sem_alloc : memref<!tpu.dma_semaphore, #tpu.memory_space<semaphore_mem>>
          %dma_start3A_213 = tpu.memref_slice %arg4[%multiple_of3A_209] : memref<102400xi32, #tpu.memory_space<hbm>> -> memref<160xi32, #tpu.memory_space<hbm>>
          %dma_start3A_214 = tpu.memref_slice %arg4[%multiple_of3A_209] : memref<102400xi32, #tpu.memory_space<hbm>> -> memref<160xi32, #tpu.memory_space<hbm>>
          tpu.enqueue_dma source(%dma_start3A_214 : memref<160xi32, #tpu.memory_space<hbm>>) target(%arg10 : memref<160xi32, #tpu.memory_space<vmem>>) target_semaphore(%run_scoped3A : memref<!tpu.dma_semaphore, #tpu.memory_space<semaphore_mem>>)
          %dma_wait3A_215 = tpu.memref_slice %arg4[%multiple_of3A_209] : memref<102400xi32, #tpu.memory_space<hbm>> -> memref<160xi32, #tpu.memory_space<hbm>>
          %dma_wait3A_216 = tpu.memref_slice %arg4[%multiple_of3A_209] : memref<102400xi32, #tpu.memory_space<hbm>> -> memref<160xi32, #tpu.memory_space<hbm>>
          tpu.wait_dma2 semaphore(%run_scoped3A : memref<!tpu.dma_semaphore, #tpu.memory_space<semaphore_mem>>) src(%dma_wait3A_216 : memref<160xi32, #tpu.memory_space<hbm>>) dst(%arg10 : memref<160xi32, #tpu.memory_space<vmem>>)
          tpu.yield
        }) : () -> ()
        %dma_start3A_210 = arith.constant 0 : i32
        %dma_start3A_211 = arith.constant 0 : i32
        %dma_start3A_212 = tpu.memref_slice %arg2[%dma_start3A_210, %dma_start3A_211] : memref<100000x128xf32, #tpu.memory_space<hbm>> -> memref<100000x128xf32, #tpu.memory_space<hbm>>
        tpu.enqueue_indirect_dma source(%dma_start3A_212 : memref<100000x128xf32, #tpu.memory_space<hbm>>) target(%arg14 : memref<160x128xf32, #tpu.memory_space<vmem>>) offsets(%arg10 : memref<160xi32, #tpu.memory_space<vmem>>) semaphore(%arg18 : memref<!tpu.dma_semaphore, #tpu.memory_space<semaphore_mem>>)
      } else {
      }
      %mul3A_169 = arith.constant 4 : i32
      %mul3A_170 = arith.muli %mul3A_169, %scan3A_97 : i32
      %add3A_171 = arith.constant 1 : i32
      %add3A_172 = arith.addi %mul3A_170, %add3A_171 : i32
      %add3A_173 = arith.constant 4 : i32
      %add3A_174 = arith.addi %add3A_172, %add3A_173 : i32
      %lt3A_175 = arith.constant 20 : i32
      %lt3A_176 = arith.cmpi slt, %add3A_174, %lt3A_175 : i32
      %convert_element_type3A_177 = arith.extui %lt3A_176 : i1 to i32
      %cond3A_178 = arith.constant 0 : i32
      %cond3A_179 = arith.cmpi ne, %convert_element_type3A_177, %cond3A_178 : i32
      scf.if %cond3A_179 {
        %dma_wait3A_202 = arith.constant 0 : i32
        %dma_wait3A_203 = tpu.memref_slice %arg7[%mul3A_4, %dma_wait3A_202] : memref<102400x128xf32, #tpu.memory_space<hbm>> -> memref<160x128xf32, #tpu.memory_space<hbm>>
        %dma_wait3A_204 = arith.constant 0 : i32
        %dma_wait3A_205 = tpu.memref_slice %arg7[%mul3A_4, %dma_wait3A_204] : memref<102400x128xf32, #tpu.memory_space<hbm>> -> memref<160x128xf32, #tpu.memory_space<hbm>>
        tpu.wait_dma2 semaphore(%arg23 : memref<!tpu.dma_semaphore, #tpu.memory_space<semaphore_mem>>) src(%arg15 : memref<160x128xf32, #tpu.memory_space<vmem>>) dst(%dma_wait3A_205 : memref<160x128xf32, #tpu.memory_space<hbm>>)
        %mul3A_206 = arith.constant 160 : i32
        %mul3A_207 = arith.muli %add3A_174, %mul3A_206 : i32
        %add3A_208 = arith.addi %mul3A_4, %mul3A_207 : i32
        %multiple_of3A_209 = tpu.assume_multiple %add3A_208, 160 : i32
        "tpu.region"() ({
          %run_scoped3A = tpu.sem_alloc : memref<!tpu.dma_semaphore, #tpu.memory_space<semaphore_mem>>
          %dma_start3A_213 = tpu.memref_slice %arg4[%multiple_of3A_209] : memref<102400xi32, #tpu.memory_space<hbm>> -> memref<160xi32, #tpu.memory_space<hbm>>
          %dma_start3A_214 = tpu.memref_slice %arg4[%multiple_of3A_209] : memref<102400xi32, #tpu.memory_space<hbm>> -> memref<160xi32, #tpu.memory_space<hbm>>
          tpu.enqueue_dma source(%dma_start3A_214 : memref<160xi32, #tpu.memory_space<hbm>>) target(%arg11 : memref<160xi32, #tpu.memory_space<vmem>>) target_semaphore(%run_scoped3A : memref<!tpu.dma_semaphore, #tpu.memory_space<semaphore_mem>>)
          %dma_wait3A_215 = tpu.memref_slice %arg4[%multiple_of3A_209] : memref<102400xi32, #tpu.memory_space<hbm>> -> memref<160xi32, #tpu.memory_space<hbm>>
          %dma_wait3A_216 = tpu.memref_slice %arg4[%multiple_of3A_209] : memref<102400xi32, #tpu.memory_space<hbm>> -> memref<160xi32, #tpu.memory_space<hbm>>
          tpu.wait_dma2 semaphore(%run_scoped3A : memref<!tpu.dma_semaphore, #tpu.memory_space<semaphore_mem>>) src(%dma_wait3A_216 : memref<160xi32, #tpu.memory_space<hbm>>) dst(%arg11 : memref<160xi32, #tpu.memory_space<vmem>>)
          tpu.yield
        }) : () -> ()
        %dma_start3A_210 = arith.constant 0 : i32
        %dma_start3A_211 = arith.constant 0 : i32
        %dma_start3A_212 = tpu.memref_slice %arg2[%dma_start3A_210, %dma_start3A_211] : memref<100000x128xf32, #tpu.memory_space<hbm>> -> memref<100000x128xf32, #tpu.memory_space<hbm>>
        tpu.enqueue_indirect_dma source(%dma_start3A_212 : memref<100000x128xf32, #tpu.memory_space<hbm>>) target(%arg15 : memref<160x128xf32, #tpu.memory_space<vmem>>) offsets(%arg11 : memref<160xi32, #tpu.memory_space<vmem>>) semaphore(%arg19 : memref<!tpu.dma_semaphore, #tpu.memory_space<semaphore_mem>>)
      } else {
      }
      %mul3A_180 = arith.constant 4 : i32
      %mul3A_181 = arith.muli %mul3A_180, %scan3A_97 : i32
      %add3A_182 = arith.constant 2 : i32
      %add3A_183 = arith.addi %mul3A_181, %add3A_182 : i32
      %add3A_184 = arith.constant 4 : i32
      %add3A_185 = arith.addi %add3A_183, %add3A_184 : i32
      %lt3A_186 = arith.constant 20 : i32
      %lt3A_187 = arith.cmpi slt, %add3A_185, %lt3A_186 : i32
      %convert_element_type3A_188 = arith.extui %lt3A_187 : i1 to i32
      %cond3A_189 = arith.constant 0 : i32
      %cond3A_190 = arith.cmpi ne, %convert_element_type3A_188, %cond3A_189 : i32
      scf.if %cond3A_190 {
        %dma_wait3A_202 = arith.constant 0 : i32
        %dma_wait3A_203 = tpu.memref_slice %arg7[%mul3A_4, %dma_wait3A_202] : memref<102400x128xf32, #tpu.memory_space<hbm>> -> memref<160x128xf32, #tpu.memory_space<hbm>>
        %dma_wait3A_204 = arith.constant 0 : i32
        %dma_wait3A_205 = tpu.memref_slice %arg7[%mul3A_4, %dma_wait3A_204] : memref<102400x128xf32, #tpu.memory_space<hbm>> -> memref<160x128xf32, #tpu.memory_space<hbm>>
        tpu.wait_dma2 semaphore(%arg24 : memref<!tpu.dma_semaphore, #tpu.memory_space<semaphore_mem>>) src(%arg16 : memref<160x128xf32, #tpu.memory_space<vmem>>) dst(%dma_wait3A_205 : memref<160x128xf32, #tpu.memory_space<hbm>>)
        %mul3A_206 = arith.constant 160 : i32
        %mul3A_207 = arith.muli %add3A_185, %mul3A_206 : i32
        %add3A_208 = arith.addi %mul3A_4, %mul3A_207 : i32
        %multiple_of3A_209 = tpu.assume_multiple %add3A_208, 160 : i32
        "tpu.region"() ({
          %run_scoped3A = tpu.sem_alloc : memref<!tpu.dma_semaphore, #tpu.memory_space<semaphore_mem>>
          %dma_start3A_213 = tpu.memref_slice %arg4[%multiple_of3A_209] : memref<102400xi32, #tpu.memory_space<hbm>> -> memref<160xi32, #tpu.memory_space<hbm>>
          %dma_start3A_214 = tpu.memref_slice %arg4[%multiple_of3A_209] : memref<102400xi32, #tpu.memory_space<hbm>> -> memref<160xi32, #tpu.memory_space<hbm>>
          tpu.enqueue_dma source(%dma_start3A_214 : memref<160xi32, #tpu.memory_space<hbm>>) target(%arg12 : memref<160xi32, #tpu.memory_space<vmem>>) target_semaphore(%run_scoped3A : memref<!tpu.dma_semaphore, #tpu.memory_space<semaphore_mem>>)
          %dma_wait3A_215 = tpu.memref_slice %arg4[%multiple_of3A_209] : memref<102400xi32, #tpu.memory_space<hbm>> -> memref<160xi32, #tpu.memory_space<hbm>>
          %dma_wait3A_216 = tpu.memref_slice %arg4[%multiple_of3A_209] : memref<102400xi32, #tpu.memory_space<hbm>> -> memref<160xi32, #tpu.memory_space<hbm>>
          tpu.wait_dma2 semaphore(%run_scoped3A : memref<!tpu.dma_semaphore, #tpu.memory_space<semaphore_mem>>) src(%dma_wait3A_216 : memref<160xi32, #tpu.memory_space<hbm>>) dst(%arg12 : memref<160xi32, #tpu.memory_space<vmem>>)
          tpu.yield
        }) : () -> ()
        %dma_start3A_210 = arith.constant 0 : i32
        %dma_start3A_211 = arith.constant 0 : i32
        %dma_start3A_212 = tpu.memref_slice %arg2[%dma_start3A_210, %dma_start3A_211] : memref<100000x128xf32, #tpu.memory_space<hbm>> -> memref<100000x128xf32, #tpu.memory_space<hbm>>
        tpu.enqueue_indirect_dma source(%dma_start3A_212 : memref<100000x128xf32, #tpu.memory_space<hbm>>) target(%arg16 : memref<160x128xf32, #tpu.memory_space<vmem>>) offsets(%arg12 : memref<160xi32, #tpu.memory_space<vmem>>) semaphore(%arg20 : memref<!tpu.dma_semaphore, #tpu.memory_space<semaphore_mem>>)
      } else {
      }
      %mul3A_191 = arith.constant 4 : i32
      %mul3A_192 = arith.muli %mul3A_191, %scan3A_97 : i32
      %add3A_193 = arith.constant 3 : i32
      %add3A_194 = arith.addi %mul3A_192, %add3A_193 : i32
      %add3A_195 = arith.constant 4 : i32
      %add3A_196 = arith.addi %add3A_194, %add3A_195 : i32
      %lt3A_197 = arith.constant 20 : i32
      %lt3A_198 = arith.cmpi slt, %add3A_196, %lt3A_197 : i32
      %convert_element_type3A_199 = arith.extui %lt3A_198 : i1 to i32
      %cond3A_200 = arith.constant 0 : i32
      %cond3A_201 = arith.cmpi ne, %convert_element_type3A_199, %cond3A_200 : i32
      scf.if %cond3A_201 {
        %dma_wait3A_202 = arith.constant 0 : i32
        %dma_wait3A_203 = tpu.memref_slice %arg7[%mul3A_4, %dma_wait3A_202] : memref<102400x128xf32, #tpu.memory_space<hbm>> -> memref<160x128xf32, #tpu.memory_space<hbm>>
        %dma_wait3A_204 = arith.constant 0 : i32
        %dma_wait3A_205 = tpu.memref_slice %arg7[%mul3A_4, %dma_wait3A_204] : memref<102400x128xf32, #tpu.memory_space<hbm>> -> memref<160x128xf32, #tpu.memory_space<hbm>>
        tpu.wait_dma2 semaphore(%arg25 : memref<!tpu.dma_semaphore, #tpu.memory_space<semaphore_mem>>) src(%arg17 : memref<160x128xf32, #tpu.memory_space<vmem>>) dst(%dma_wait3A_205 : memref<160x128xf32, #tpu.memory_space<hbm>>)
        %mul3A_206 = arith.constant 160 : i32
        %mul3A_207 = arith.muli %add3A_196, %mul3A_206 : i32
        %add3A_208 = arith.addi %mul3A_4, %mul3A_207 : i32
        %multiple_of3A_209 = tpu.assume_multiple %add3A_208, 160 : i32
        "tpu.region"() ({
          %run_scoped3A = tpu.sem_alloc : memref<!tpu.dma_semaphore, #tpu.memory_space<semaphore_mem>>
          %dma_start3A_213 = tpu.memref_slice %arg4[%multiple_of3A_209] : memref<102400xi32, #tpu.memory_space<hbm>> -> memref<160xi32, #tpu.memory_space<hbm>>
          %dma_start3A_214 = tpu.memref_slice %arg4[%multiple_of3A_209] : memref<102400xi32, #tpu.memory_space<hbm>> -> memref<160xi32, #tpu.memory_space<hbm>>
          tpu.enqueue_dma source(%dma_start3A_214 : memref<160xi32, #tpu.memory_space<hbm>>) target(%arg13 : memref<160xi32, #tpu.memory_space<vmem>>) target_semaphore(%run_scoped3A : memref<!tpu.dma_semaphore, #tpu.memory_space<semaphore_mem>>)
          %dma_wait3A_215 = tpu.memref_slice %arg4[%multiple_of3A_209] : memref<102400xi32, #tpu.memory_space<hbm>> -> memref<160xi32, #tpu.memory_space<hbm>>
          %dma_wait3A_216 = tpu.memref_slice %arg4[%multiple_of3A_209] : memref<102400xi32, #tpu.memory_space<hbm>> -> memref<160xi32, #tpu.memory_space<hbm>>
          tpu.wait_dma2 semaphore(%run_scoped3A : memref<!tpu.dma_semaphore, #tpu.memory_space<semaphore_mem>>) src(%dma_wait3A_216 : memref<160xi32, #tpu.memory_space<hbm>>) dst(%arg13 : memref<160xi32, #tpu.memory_space<vmem>>)
          tpu.yield
        }) : () -> ()
        %dma_start3A_210 = arith.constant 0 : i32
        %dma_start3A_211 = arith.constant 0 : i32
        %dma_start3A_212 = tpu.memref_slice %arg2[%dma_start3A_210, %dma_start3A_211] : memref<100000x128xf32, #tpu.memory_space<hbm>> -> memref<100000x128xf32, #tpu.memory_space<hbm>>
        tpu.enqueue_indirect_dma source(%dma_start3A_212 : memref<100000x128xf32, #tpu.memory_space<hbm>>) target(%arg17 : memref<160x128xf32, #tpu.memory_space<vmem>>) offsets(%arg13 : memref<160xi32, #tpu.memory_space<vmem>>) semaphore(%arg21 : memref<!tpu.dma_semaphore, #tpu.memory_space<semaphore_mem>>)
      } else {
      }
    }
    %scan3A_31 = arith.constant 5 : i32
    %dma_wait3A = arith.constant 0 : i32
    %dma_wait3A_32 = tpu.memref_slice %arg7[%mul3A_4, %dma_wait3A] : memref<102400x128xf32, #tpu.memory_space<hbm>> -> memref<160x128xf32, #tpu.memory_space<hbm>>
    %dma_wait3A_33 = arith.constant 0 : i32
    %dma_wait3A_34 = tpu.memref_slice %arg7[%mul3A_4, %dma_wait3A_33] : memref<102400x128xf32, #tpu.memory_space<hbm>> -> memref<160x128xf32, #tpu.memory_space<hbm>>
    tpu.wait_dma2 semaphore(%arg22 : memref<!tpu.dma_semaphore, #tpu.memory_space<semaphore_mem>>) src(%arg14 : memref<160x128xf32, #tpu.memory_space<vmem>>) dst(%dma_wait3A_34 : memref<160x128xf32, #tpu.memory_space<hbm>>)
    %dma_wait3A_35 = arith.constant 0 : i32
    %dma_wait3A_36 = tpu.memref_slice %arg7[%mul3A_4, %dma_wait3A_35] : memref<102400x128xf32, #tpu.memory_space<hbm>> -> memref<160x128xf32, #tpu.memory_space<hbm>>
    %dma_wait3A_37 = arith.constant 0 : i32
    %dma_wait3A_38 = tpu.memref_slice %arg7[%mul3A_4, %dma_wait3A_37] : memref<102400x128xf32, #tpu.memory_space<hbm>> -> memref<160x128xf32, #tpu.memory_space<hbm>>
    tpu.wait_dma2 semaphore(%arg23 : memref<!tpu.dma_semaphore, #tpu.memory_space<semaphore_mem>>) src(%arg15 : memref<160x128xf32, #tpu.memory_space<vmem>>) dst(%dma_wait3A_38 : memref<160x128xf32, #tpu.memory_space<hbm>>)
    %dma_wait3A_39 = arith.constant 0 : i32
    %dma_wait3A_40 = tpu.memref_slice %arg7[%mul3A_4, %dma_wait3A_39] : memref<102400x128xf32, #tpu.memory_space<hbm>> -> memref<160x128xf32, #tpu.memory_space<hbm>>
    %dma_wait3A_41 = arith.constant 0 : i32
    %dma_wait3A_42 = tpu.memref_slice %arg7[%mul3A_4, %dma_wait3A_41] : memref<102400x128xf32, #tpu.memory_space<hbm>> -> memref<160x128xf32, #tpu.memory_space<hbm>>
    tpu.wait_dma2 semaphore(%arg24 : memref<!tpu.dma_semaphore, #tpu.memory_space<semaphore_mem>>) src(%arg16 : memref<160x128xf32, #tpu.memory_space<vmem>>) dst(%dma_wait3A_42 : memref<160x128xf32, #tpu.memory_space<hbm>>)
    %dma_wait3A_43 = arith.constant 0 : i32
    %dma_wait3A_44 = tpu.memref_slice %arg7[%mul3A_4, %dma_wait3A_43] : memref<102400x128xf32, #tpu.memory_space<hbm>> -> memref<160x128xf32, #tpu.memory_space<hbm>>
    %dma_wait3A_45 = arith.constant 0 : i32
    %dma_wait3A_46 = tpu.memref_slice %arg7[%mul3A_4, %dma_wait3A_45] : memref<102400x128xf32, #tpu.memory_space<hbm>> -> memref<160x128xf32, #tpu.memory_space<hbm>>
    tpu.wait_dma2 semaphore(%arg25 : memref<!tpu.dma_semaphore, #tpu.memory_space<semaphore_mem>>) src(%arg17 : memref<160x128xf32, #tpu.memory_space<vmem>>) dst(%dma_wait3A_46 : memref<160x128xf32, #tpu.memory_space<hbm>>)
    %mul3A_47 = arith.constant 160 : i32
    %mul3A_48 = arith.muli %mul3A_2, %mul3A_47 : i32
    %add3A_49 = arith.constant 0 : i32
    %add3A_50 = arith.addi %mul3A_48, %add3A_49 : i32
    %multiple_of3A_51 = tpu.assume_multiple %add3A_50, 160 : i32
    "tpu.region"() ({
      %run_scoped3A = tpu.sem_alloc : memref<!tpu.dma_semaphore, #tpu.memory_space<semaphore_mem>>
      %dma_start3A_97 = tpu.memref_slice %arg5[%multiple_of3A_51] : memref<102400xi32, #tpu.memory_space<hbm>> -> memref<160xi32, #tpu.memory_space<hbm>>
      %dma_start3A_98 = tpu.memref_slice %arg5[%multiple_of3A_51] : memref<102400xi32, #tpu.memory_space<hbm>> -> memref<160xi32, #tpu.memory_space<hbm>>
      tpu.enqueue_dma source(%dma_start3A_98 : memref<160xi32, #tpu.memory_space<hbm>>) target(%arg10 : memref<160xi32, #tpu.memory_space<vmem>>) target_semaphore(%run_scoped3A : memref<!tpu.dma_semaphore, #tpu.memory_space<semaphore_mem>>)
      %dma_wait3A_99 = tpu.memref_slice %arg5[%multiple_of3A_51] : memref<102400xi32, #tpu.memory_space<hbm>> -> memref<160xi32, #tpu.memory_space<hbm>>
      %dma_wait3A_100 = tpu.memref_slice %arg5[%multiple_of3A_51] : memref<102400xi32, #tpu.memory_space<hbm>> -> memref<160xi32, #tpu.memory_space<hbm>>
      tpu.wait_dma2 semaphore(%run_scoped3A : memref<!tpu.dma_semaphore, #tpu.memory_space<semaphore_mem>>) src(%dma_wait3A_100 : memref<160xi32, #tpu.memory_space<hbm>>) dst(%arg10 : memref<160xi32, #tpu.memory_space<vmem>>)
      tpu.yield
    }) : () -> ()
    %dma_start3A_52 = arith.constant 0 : i32
    %dma_start3A_53 = arith.constant 0 : i32
    %dma_start3A_54 = tpu.memref_slice %arg3[%dma_start3A_52, %dma_start3A_53] : memref<320000x128xf32, #tpu.memory_space<hbm>> -> memref<320000x128xf32, #tpu.memory_space<hbm>>
    tpu.enqueue_indirect_dma source(%dma_start3A_54 : memref<320000x128xf32, #tpu.memory_space<hbm>>) target(%arg14 : memref<160x128xf32, #tpu.memory_space<vmem>>) offsets(%arg10 : memref<160xi32, #tpu.memory_space<vmem>>) semaphore(%arg18 : memref<!tpu.dma_semaphore, #tpu.memory_space<semaphore_mem>>)
    %add3A_55 = arith.constant 160 : i32
    %add3A_56 = arith.addi %mul3A_48, %add3A_55 : i32
    %multiple_of3A_57 = tpu.assume_multiple %add3A_56, 160 : i32
    "tpu.region"() ({
      %run_scoped3A = tpu.sem_alloc : memref<!tpu.dma_semaphore, #tpu.memory_space<semaphore_mem>>
      %dma_start3A_97 = tpu.memref_slice %arg5[%multiple_of3A_57] : memref<102400xi32, #tpu.memory_space<hbm>> -> memref<160xi32, #tpu.memory_space<hbm>>
      %dma_start3A_98 = tpu.memref_slice %arg5[%multiple_of3A_57] : memref<102400xi32, #tpu.memory_space<hbm>> -> memref<160xi32, #tpu.memory_space<hbm>>
      tpu.enqueue_dma source(%dma_start3A_98 : memref<160xi32, #tpu.memory_space<hbm>>) target(%arg11 : memref<160xi32, #tpu.memory_space<vmem>>) target_semaphore(%run_scoped3A : memref<!tpu.dma_semaphore, #tpu.memory_space<semaphore_mem>>)
      %dma_wait3A_99 = tpu.memref_slice %arg5[%multiple_of3A_57] : memref<102400xi32, #tpu.memory_space<hbm>> -> memref<160xi32, #tpu.memory_space<hbm>>
      %dma_wait3A_100 = tpu.memref_slice %arg5[%multiple_of3A_57] : memref<102400xi32, #tpu.memory_space<hbm>> -> memref<160xi32, #tpu.memory_space<hbm>>
      tpu.wait_dma2 semaphore(%run_scoped3A : memref<!tpu.dma_semaphore, #tpu.memory_space<semaphore_mem>>) src(%dma_wait3A_100 : memref<160xi32, #tpu.memory_space<hbm>>) dst(%arg11 : memref<160xi32, #tpu.memory_space<vmem>>)
      tpu.yield
    }) : () -> ()
    %dma_start3A_58 = arith.constant 0 : i32
    %dma_start3A_59 = arith.constant 0 : i32
    %dma_start3A_60 = tpu.memref_slice %arg3[%dma_start3A_58, %dma_start3A_59] : memref<320000x128xf32, #tpu.memory_space<hbm>> -> memref<320000x128xf32, #tpu.memory_space<hbm>>
    tpu.enqueue_indirect_dma source(%dma_start3A_60 : memref<320000x128xf32, #tpu.memory_space<hbm>>) target(%arg15 : memref<160x128xf32, #tpu.memory_space<vmem>>) offsets(%arg11 : memref<160xi32, #tpu.memory_space<vmem>>) semaphore(%arg19 : memref<!tpu.dma_semaphore, #tpu.memory_space<semaphore_mem>>)
    %add3A_61 = arith.constant 320 : i32
    %add3A_62 = arith.addi %mul3A_48, %add3A_61 : i32
    %multiple_of3A_63 = tpu.assume_multiple %add3A_62, 160 : i32
    "tpu.region"() ({
      %run_scoped3A = tpu.sem_alloc : memref<!tpu.dma_semaphore, #tpu.memory_space<semaphore_mem>>
      %dma_start3A_97 = tpu.memref_slice %arg5[%multiple_of3A_63] : memref<102400xi32, #tpu.memory_space<hbm>> -> memref<160xi32, #tpu.memory_space<hbm>>
      %dma_start3A_98 = tpu.memref_slice %arg5[%multiple_of3A_63] : memref<102400xi32, #tpu.memory_space<hbm>> -> memref<160xi32, #tpu.memory_space<hbm>>
      tpu.enqueue_dma source(%dma_start3A_98 : memref<160xi32, #tpu.memory_space<hbm>>) target(%arg12 : memref<160xi32, #tpu.memory_space<vmem>>) target_semaphore(%run_scoped3A : memref<!tpu.dma_semaphore, #tpu.memory_space<semaphore_mem>>)
      %dma_wait3A_99 = tpu.memref_slice %arg5[%multiple_of3A_63] : memref<102400xi32, #tpu.memory_space<hbm>> -> memref<160xi32, #tpu.memory_space<hbm>>
      %dma_wait3A_100 = tpu.memref_slice %arg5[%multiple_of3A_63] : memref<102400xi32, #tpu.memory_space<hbm>> -> memref<160xi32, #tpu.memory_space<hbm>>
      tpu.wait_dma2 semaphore(%run_scoped3A : memref<!tpu.dma_semaphore, #tpu.memory_space<semaphore_mem>>) src(%dma_wait3A_100 : memref<160xi32, #tpu.memory_space<hbm>>) dst(%arg12 : memref<160xi32, #tpu.memory_space<vmem>>)
      tpu.yield
    }) : () -> ()
    %dma_start3A_64 = arith.constant 0 : i32
    %dma_start3A_65 = arith.constant 0 : i32
    %dma_start3A_66 = tpu.memref_slice %arg3[%dma_start3A_64, %dma_start3A_65] : memref<320000x128xf32, #tpu.memory_space<hbm>> -> memref<320000x128xf32, #tpu.memory_space<hbm>>
    tpu.enqueue_indirect_dma source(%dma_start3A_66 : memref<320000x128xf32, #tpu.memory_space<hbm>>) target(%arg16 : memref<160x128xf32, #tpu.memory_space<vmem>>) offsets(%arg12 : memref<160xi32, #tpu.memory_space<vmem>>) semaphore(%arg20 : memref<!tpu.dma_semaphore, #tpu.memory_space<semaphore_mem>>)
    %add3A_67 = arith.constant 480 : i32
    %add3A_68 = arith.addi %mul3A_48, %add3A_67 : i32
    %multiple_of3A_69 = tpu.assume_multiple %add3A_68, 160 : i32
    "tpu.region"() ({
      %run_scoped3A = tpu.sem_alloc : memref<!tpu.dma_semaphore, #tpu.memory_space<semaphore_mem>>
      %dma_start3A_97 = tpu.memref_slice %arg5[%multiple_of3A_69] : memref<102400xi32, #tpu.memory_space<hbm>> -> memref<160xi32, #tpu.memory_space<hbm>>
      %dma_start3A_98 = tpu.memref_slice %arg5[%multiple_of3A_69] : memref<102400xi32, #tpu.memory_space<hbm>> -> memref<160xi32, #tpu.memory_space<hbm>>
      tpu.enqueue_dma source(%dma_start3A_98 : memref<160xi32, #tpu.memory_space<hbm>>) target(%arg13 : memref<160xi32, #tpu.memory_space<vmem>>) target_semaphore(%run_scoped3A : memref<!tpu.dma_semaphore, #tpu.memory_space<semaphore_mem>>)
      %dma_wait3A_99 = tpu.memref_slice %arg5[%multiple_of3A_69] : memref<102400xi32, #tpu.memory_space<hbm>> -> memref<160xi32, #tpu.memory_space<hbm>>
      %dma_wait3A_100 = tpu.memref_slice %arg5[%multiple_of3A_69] : memref<102400xi32, #tpu.memory_space<hbm>> -> memref<160xi32, #tpu.memory_space<hbm>>
      tpu.wait_dma2 semaphore(%run_scoped3A : memref<!tpu.dma_semaphore, #tpu.memory_space<semaphore_mem>>) src(%dma_wait3A_100 : memref<160xi32, #tpu.memory_space<hbm>>) dst(%arg13 : memref<160xi32, #tpu.memory_space<vmem>>)
      tpu.yield
    }) : () -> ()
    %dma_start3A_70 = arith.constant 0 : i32
    %dma_start3A_71 = arith.constant 0 : i32
    %dma_start3A_72 = tpu.memref_slice %arg3[%dma_start3A_70, %dma_start3A_71] : memref<320000x128xf32, #tpu.memory_space<hbm>> -> memref<320000x128xf32, #tpu.memory_space<hbm>>
    tpu.enqueue_indirect_dma source(%dma_start3A_72 : memref<320000x128xf32, #tpu.memory_space<hbm>>) target(%arg17 : memref<160x128xf32, #tpu.memory_space<vmem>>) offsets(%arg13 : memref<160xi32, #tpu.memory_space<vmem>>) semaphore(%arg21 : memref<!tpu.dma_semaphore, #tpu.memory_space<semaphore_mem>>)
    %scan3A_73 = arith.constant 0 : i32
    %scan3A_74 = arith.constant 0 : i32
    %scan3A_75 = arith.constant 5 : i32
    %scan3A_76 = arith.addi %scan3A_74, %scan3A_75 : i32
    %scan3A_77 = arith.constant 1 : i32
    scf.for %scan3A_97 = %scan3A_74 to %scan3A_76 step %scan3A_77  : i32 {
      %dma_wait3A_98 = arith.constant 0 : i32
      %dma_wait3A_99 = arith.constant 0 : i32
      %dma_wait3A_100 = tpu.memref_slice %arg3[%dma_wait3A_98, %dma_wait3A_99] : memref<320000x128xf32, #tpu.memory_space<hbm>> -> memref<320000x128xf32, #tpu.memory_space<hbm>>
      tpu.wait_indirect_dma semaphore(%arg18 : memref<!tpu.dma_semaphore, #tpu.memory_space<semaphore_mem>>) src(%dma_wait3A_100 : memref<320000x128xf32, #tpu.memory_space<hbm>>) dst(%arg14 : memref<160x128xf32, #tpu.memory_space<vmem>>)
      %mul3A_101 = arith.constant 4 : i32
      %mul3A_102 = arith.muli %mul3A_101, %scan3A_97 : i32
      %add3A_103 = arith.constant 0 : i32
      %add3A_104 = arith.addi %mul3A_102, %add3A_103 : i32
      %mul3A_105 = arith.constant 160 : i32
      %mul3A_106 = arith.muli %add3A_104, %mul3A_105 : i32
      %add3A_107 = arith.addi %mul3A_48, %mul3A_106 : i32
      %multiple_of3A_108 = tpu.assume_multiple %add3A_107, 160 : i32
      %dma_start3A_109 = arith.constant 0 : i32
      %dma_start3A_110 = tpu.memref_slice %arg8[%multiple_of3A_108, %dma_start3A_109] : memref<102400x128xf32, #tpu.memory_space<hbm>> -> memref<160x128xf32, #tpu.memory_space<hbm>>
      %dma_start3A_111 = arith.constant 0 : i32
      %dma_start3A_112 = tpu.memref_slice %arg8[%multiple_of3A_108, %dma_start3A_111] : memref<102400x128xf32, #tpu.memory_space<hbm>> -> memref<160x128xf32, #tpu.memory_space<hbm>>
      tpu.enqueue_dma source(%arg14 : memref<160x128xf32, #tpu.memory_space<vmem>>) target(%dma_start3A_112 : memref<160x128xf32, #tpu.memory_space<hbm>>) target_semaphore(%arg22 : memref<!tpu.dma_semaphore, #tpu.memory_space<semaphore_mem>>)
      %dma_wait3A_113 = arith.constant 0 : i32
      %dma_wait3A_114 = arith.constant 0 : i32
      %dma_wait3A_115 = tpu.memref_slice %arg3[%dma_wait3A_113, %dma_wait3A_114] : memref<320000x128xf32, #tpu.memory_space<hbm>> -> memref<320000x128xf32, #tpu.memory_space<hbm>>
      tpu.wait_indirect_dma semaphore(%arg19 : memref<!tpu.dma_semaphore, #tpu.memory_space<semaphore_mem>>) src(%dma_wait3A_115 : memref<320000x128xf32, #tpu.memory_space<hbm>>) dst(%arg15 : memref<160x128xf32, #tpu.memory_space<vmem>>)
      %mul3A_116 = arith.constant 4 : i32
      %mul3A_117 = arith.muli %mul3A_116, %scan3A_97 : i32
      %add3A_118 = arith.constant 1 : i32
      %add3A_119 = arith.addi %mul3A_117, %add3A_118 : i32
      %mul3A_120 = arith.constant 160 : i32
      %mul3A_121 = arith.muli %add3A_119, %mul3A_120 : i32
      %add3A_122 = arith.addi %mul3A_48, %mul3A_121 : i32
      %multiple_of3A_123 = tpu.assume_multiple %add3A_122, 160 : i32
      %dma_start3A_124 = arith.constant 0 : i32
      %dma_start3A_125 = tpu.memref_slice %arg8[%multiple_of3A_123, %dma_start3A_124] : memref<102400x128xf32, #tpu.memory_space<hbm>> -> memref<160x128xf32, #tpu.memory_space<hbm>>
      %dma_start3A_126 = arith.constant 0 : i32
      %dma_start3A_127 = tpu.memref_slice %arg8[%multiple_of3A_123, %dma_start3A_126] : memref<102400x128xf32, #tpu.memory_space<hbm>> -> memref<160x128xf32, #tpu.memory_space<hbm>>
      tpu.enqueue_dma source(%arg15 : memref<160x128xf32, #tpu.memory_space<vmem>>) target(%dma_start3A_127 : memref<160x128xf32, #tpu.memory_space<hbm>>) target_semaphore(%arg23 : memref<!tpu.dma_semaphore, #tpu.memory_space<semaphore_mem>>)
      %dma_wait3A_128 = arith.constant 0 : i32
      %dma_wait3A_129 = arith.constant 0 : i32
      %dma_wait3A_130 = tpu.memref_slice %arg3[%dma_wait3A_128, %dma_wait3A_129] : memref<320000x128xf32, #tpu.memory_space<hbm>> -> memref<320000x128xf32, #tpu.memory_space<hbm>>
      tpu.wait_indirect_dma semaphore(%arg20 : memref<!tpu.dma_semaphore, #tpu.memory_space<semaphore_mem>>) src(%dma_wait3A_130 : memref<320000x128xf32, #tpu.memory_space<hbm>>) dst(%arg16 : memref<160x128xf32, #tpu.memory_space<vmem>>)
      %mul3A_131 = arith.constant 4 : i32
      %mul3A_132 = arith.muli %mul3A_131, %scan3A_97 : i32
      %add3A_133 = arith.constant 2 : i32
      %add3A_134 = arith.addi %mul3A_132, %add3A_133 : i32
      %mul3A_135 = arith.constant 160 : i32
      %mul3A_136 = arith.muli %add3A_134, %mul3A_135 : i32
      %add3A_137 = arith.addi %mul3A_48, %mul3A_136 : i32
      %multiple_of3A_138 = tpu.assume_multiple %add3A_137, 160 : i32
      %dma_start3A_139 = arith.constant 0 : i32
      %dma_start3A_140 = tpu.memref_slice %arg8[%multiple_of3A_138, %dma_start3A_139] : memref<102400x128xf32, #tpu.memory_space<hbm>> -> memref<160x128xf32, #tpu.memory_space<hbm>>
      %dma_start3A_141 = arith.constant 0 : i32
      %dma_start3A_142 = tpu.memref_slice %arg8[%multiple_of3A_138, %dma_start3A_141] : memref<102400x128xf32, #tpu.memory_space<hbm>> -> memref<160x128xf32, #tpu.memory_space<hbm>>
      tpu.enqueue_dma source(%arg16 : memref<160x128xf32, #tpu.memory_space<vmem>>) target(%dma_start3A_142 : memref<160x128xf32, #tpu.memory_space<hbm>>) target_semaphore(%arg24 : memref<!tpu.dma_semaphore, #tpu.memory_space<semaphore_mem>>)
      %dma_wait3A_143 = arith.constant 0 : i32
      %dma_wait3A_144 = arith.constant 0 : i32
      %dma_wait3A_145 = tpu.memref_slice %arg3[%dma_wait3A_143, %dma_wait3A_144] : memref<320000x128xf32, #tpu.memory_space<hbm>> -> memref<320000x128xf32, #tpu.memory_space<hbm>>
      tpu.wait_indirect_dma semaphore(%arg21 : memref<!tpu.dma_semaphore, #tpu.memory_space<semaphore_mem>>) src(%dma_wait3A_145 : memref<320000x128xf32, #tpu.memory_space<hbm>>) dst(%arg17 : memref<160x128xf32, #tpu.memory_space<vmem>>)
      %mul3A_146 = arith.constant 4 : i32
      %mul3A_147 = arith.muli %mul3A_146, %scan3A_97 : i32
      %add3A_148 = arith.constant 3 : i32
      %add3A_149 = arith.addi %mul3A_147, %add3A_148 : i32
      %mul3A_150 = arith.constant 160 : i32
      %mul3A_151 = arith.muli %add3A_149, %mul3A_150 : i32
      %add3A_152 = arith.addi %mul3A_48, %mul3A_151 : i32
      %multiple_of3A_153 = tpu.assume_multiple %add3A_152, 160 : i32
      %dma_start3A_154 = arith.constant 0 : i32
      %dma_start3A_155 = tpu.memref_slice %arg8[%multiple_of3A_153, %dma_start3A_154] : memref<102400x128xf32, #tpu.memory_space<hbm>> -> memref<160x128xf32, #tpu.memory_space<hbm>>
      %dma_start3A_156 = arith.constant 0 : i32
      %dma_start3A_157 = tpu.memref_slice %arg8[%multiple_of3A_153, %dma_start3A_156] : memref<102400x128xf32, #tpu.memory_space<hbm>> -> memref<160x128xf32, #tpu.memory_space<hbm>>
      tpu.enqueue_dma source(%arg17 : memref<160x128xf32, #tpu.memory_space<vmem>>) target(%dma_start3A_157 : memref<160x128xf32, #tpu.memory_space<hbm>>) target_semaphore(%arg25 : memref<!tpu.dma_semaphore, #tpu.memory_space<semaphore_mem>>)
      %mul3A_158 = arith.constant 4 : i32
      %mul3A_159 = arith.muli %mul3A_158, %scan3A_97 : i32
      %add3A_160 = arith.constant 0 : i32
      %add3A_161 = arith.addi %mul3A_159, %add3A_160 : i32
      %add3A_162 = arith.constant 4 : i32
      %add3A_163 = arith.addi %add3A_161, %add3A_162 : i32
      %lt3A_164 = arith.constant 20 : i32
      %lt3A_165 = arith.cmpi slt, %add3A_163, %lt3A_164 : i32
      %convert_element_type3A_166 = arith.extui %lt3A_165 : i1 to i32
      %cond3A_167 = arith.constant 0 : i32
      %cond3A_168 = arith.cmpi ne, %convert_element_type3A_166, %cond3A_167 : i32
      scf.if %cond3A_168 {
        %dma_wait3A_202 = arith.constant 0 : i32
        %dma_wait3A_203 = tpu.memref_slice %arg8[%mul3A_48, %dma_wait3A_202] : memref<102400x128xf32, #tpu.memory_space<hbm>> -> memref<160x128xf32, #tpu.memory_space<hbm>>
        %dma_wait3A_204 = arith.constant 0 : i32
        %dma_wait3A_205 = tpu.memref_slice %arg8[%mul3A_48, %dma_wait3A_204] : memref<102400x128xf32, #tpu.memory_space<hbm>> -> memref<160x128xf32, #tpu.memory_space<hbm>>
        tpu.wait_dma2 semaphore(%arg22 : memref<!tpu.dma_semaphore, #tpu.memory_space<semaphore_mem>>) src(%arg14 : memref<160x128xf32, #tpu.memory_space<vmem>>) dst(%dma_wait3A_205 : memref<160x128xf32, #tpu.memory_space<hbm>>)
        %mul3A_206 = arith.constant 160 : i32
        %mul3A_207 = arith.muli %add3A_163, %mul3A_206 : i32
        %add3A_208 = arith.addi %mul3A_48, %mul3A_207 : i32
        %multiple_of3A_209 = tpu.assume_multiple %add3A_208, 160 : i32
        "tpu.region"() ({
          %run_scoped3A = tpu.sem_alloc : memref<!tpu.dma_semaphore, #tpu.memory_space<semaphore_mem>>
          %dma_start3A_213 = tpu.memref_slice %arg5[%multiple_of3A_209] : memref<102400xi32, #tpu.memory_space<hbm>> -> memref<160xi32, #tpu.memory_space<hbm>>
          %dma_start3A_214 = tpu.memref_slice %arg5[%multiple_of3A_209] : memref<102400xi32, #tpu.memory_space<hbm>> -> memref<160xi32, #tpu.memory_space<hbm>>
          tpu.enqueue_dma source(%dma_start3A_214 : memref<160xi32, #tpu.memory_space<hbm>>) target(%arg10 : memref<160xi32, #tpu.memory_space<vmem>>) target_semaphore(%run_scoped3A : memref<!tpu.dma_semaphore, #tpu.memory_space<semaphore_mem>>)
          %dma_wait3A_215 = tpu.memref_slice %arg5[%multiple_of3A_209] : memref<102400xi32, #tpu.memory_space<hbm>> -> memref<160xi32, #tpu.memory_space<hbm>>
          %dma_wait3A_216 = tpu.memref_slice %arg5[%multiple_of3A_209] : memref<102400xi32, #tpu.memory_space<hbm>> -> memref<160xi32, #tpu.memory_space<hbm>>
          tpu.wait_dma2 semaphore(%run_scoped3A : memref<!tpu.dma_semaphore, #tpu.memory_space<semaphore_mem>>) src(%dma_wait3A_216 : memref<160xi32, #tpu.memory_space<hbm>>) dst(%arg10 : memref<160xi32, #tpu.memory_space<vmem>>)
          tpu.yield
        }) : () -> ()
        %dma_start3A_210 = arith.constant 0 : i32
        %dma_start3A_211 = arith.constant 0 : i32
        %dma_start3A_212 = tpu.memref_slice %arg3[%dma_start3A_210, %dma_start3A_211] : memref<320000x128xf32, #tpu.memory_space<hbm>> -> memref<320000x128xf32, #tpu.memory_space<hbm>>
        tpu.enqueue_indirect_dma source(%dma_start3A_212 : memref<320000x128xf32, #tpu.memory_space<hbm>>) target(%arg14 : memref<160x128xf32, #tpu.memory_space<vmem>>) offsets(%arg10 : memref<160xi32, #tpu.memory_space<vmem>>) semaphore(%arg18 : memref<!tpu.dma_semaphore, #tpu.memory_space<semaphore_mem>>)
      } else {
      }
      %mul3A_169 = arith.constant 4 : i32
      %mul3A_170 = arith.muli %mul3A_169, %scan3A_97 : i32
      %add3A_171 = arith.constant 1 : i32
      %add3A_172 = arith.addi %mul3A_170, %add3A_171 : i32
      %add3A_173 = arith.constant 4 : i32
      %add3A_174 = arith.addi %add3A_172, %add3A_173 : i32
      %lt3A_175 = arith.constant 20 : i32
      %lt3A_176 = arith.cmpi slt, %add3A_174, %lt3A_175 : i32
      %convert_element_type3A_177 = arith.extui %lt3A_176 : i1 to i32
      %cond3A_178 = arith.constant 0 : i32
      %cond3A_179 = arith.cmpi ne, %convert_element_type3A_177, %cond3A_178 : i32
      scf.if %cond3A_179 {
        %dma_wait3A_202 = arith.constant 0 : i32
        %dma_wait3A_203 = tpu.memref_slice %arg8[%mul3A_48, %dma_wait3A_202] : memref<102400x128xf32, #tpu.memory_space<hbm>> -> memref<160x128xf32, #tpu.memory_space<hbm>>
        %dma_wait3A_204 = arith.constant 0 : i32
        %dma_wait3A_205 = tpu.memref_slice %arg8[%mul3A_48, %dma_wait3A_204] : memref<102400x128xf32, #tpu.memory_space<hbm>> -> memref<160x128xf32, #tpu.memory_space<hbm>>
        tpu.wait_dma2 semaphore(%arg23 : memref<!tpu.dma_semaphore, #tpu.memory_space<semaphore_mem>>) src(%arg15 : memref<160x128xf32, #tpu.memory_space<vmem>>) dst(%dma_wait3A_205 : memref<160x128xf32, #tpu.memory_space<hbm>>)
        %mul3A_206 = arith.constant 160 : i32
        %mul3A_207 = arith.muli %add3A_174, %mul3A_206 : i32
        %add3A_208 = arith.addi %mul3A_48, %mul3A_207 : i32
        %multiple_of3A_209 = tpu.assume_multiple %add3A_208, 160 : i32
        "tpu.region"() ({
          %run_scoped3A = tpu.sem_alloc : memref<!tpu.dma_semaphore, #tpu.memory_space<semaphore_mem>>
          %dma_start3A_213 = tpu.memref_slice %arg5[%multiple_of3A_209] : memref<102400xi32, #tpu.memory_space<hbm>> -> memref<160xi32, #tpu.memory_space<hbm>>
          %dma_start3A_214 = tpu.memref_slice %arg5[%multiple_of3A_209] : memref<102400xi32, #tpu.memory_space<hbm>> -> memref<160xi32, #tpu.memory_space<hbm>>
          tpu.enqueue_dma source(%dma_start3A_214 : memref<160xi32, #tpu.memory_space<hbm>>) target(%arg11 : memref<160xi32, #tpu.memory_space<vmem>>) target_semaphore(%run_scoped3A : memref<!tpu.dma_semaphore, #tpu.memory_space<semaphore_mem>>)
          %dma_wait3A_215 = tpu.memref_slice %arg5[%multiple_of3A_209] : memref<102400xi32, #tpu.memory_space<hbm>> -> memref<160xi32, #tpu.memory_space<hbm>>
          %dma_wait3A_216 = tpu.memref_slice %arg5[%multiple_of3A_209] : memref<102400xi32, #tpu.memory_space<hbm>> -> memref<160xi32, #tpu.memory_space<hbm>>
          tpu.wait_dma2 semaphore(%run_scoped3A : memref<!tpu.dma_semaphore, #tpu.memory_space<semaphore_mem>>) src(%dma_wait3A_216 : memref<160xi32, #tpu.memory_space<hbm>>) dst(%arg11 : memref<160xi32, #tpu.memory_space<vmem>>)
          tpu.yield
        }) : () -> ()
        %dma_start3A_210 = arith.constant 0 : i32
        %dma_start3A_211 = arith.constant 0 : i32
        %dma_start3A_212 = tpu.memref_slice %arg3[%dma_start3A_210, %dma_start3A_211] : memref<320000x128xf32, #tpu.memory_space<hbm>> -> memref<320000x128xf32, #tpu.memory_space<hbm>>
        tpu.enqueue_indirect_dma source(%dma_start3A_212 : memref<320000x128xf32, #tpu.memory_space<hbm>>) target(%arg15 : memref<160x128xf32, #tpu.memory_space<vmem>>) offsets(%arg11 : memref<160xi32, #tpu.memory_space<vmem>>) semaphore(%arg19 : memref<!tpu.dma_semaphore, #tpu.memory_space<semaphore_mem>>)
      } else {
      }
      %mul3A_180 = arith.constant 4 : i32
      %mul3A_181 = arith.muli %mul3A_180, %scan3A_97 : i32
      %add3A_182 = arith.constant 2 : i32
      %add3A_183 = arith.addi %mul3A_181, %add3A_182 : i32
      %add3A_184 = arith.constant 4 : i32
      %add3A_185 = arith.addi %add3A_183, %add3A_184 : i32
      %lt3A_186 = arith.constant 20 : i32
      %lt3A_187 = arith.cmpi slt, %add3A_185, %lt3A_186 : i32
      %convert_element_type3A_188 = arith.extui %lt3A_187 : i1 to i32
      %cond3A_189 = arith.constant 0 : i32
      %cond3A_190 = arith.cmpi ne, %convert_element_type3A_188, %cond3A_189 : i32
      scf.if %cond3A_190 {
        %dma_wait3A_202 = arith.constant 0 : i32
        %dma_wait3A_203 = tpu.memref_slice %arg8[%mul3A_48, %dma_wait3A_202] : memref<102400x128xf32, #tpu.memory_space<hbm>> -> memref<160x128xf32, #tpu.memory_space<hbm>>
        %dma_wait3A_204 = arith.constant 0 : i32
        %dma_wait3A_205 = tpu.memref_slice %arg8[%mul3A_48, %dma_wait3A_204] : memref<102400x128xf32, #tpu.memory_space<hbm>> -> memref<160x128xf32, #tpu.memory_space<hbm>>
        tpu.wait_dma2 semaphore(%arg24 : memref<!tpu.dma_semaphore, #tpu.memory_space<semaphore_mem>>) src(%arg16 : memref<160x128xf32, #tpu.memory_space<vmem>>) dst(%dma_wait3A_205 : memref<160x128xf32, #tpu.memory_space<hbm>>)
        %mul3A_206 = arith.constant 160 : i32
        %mul3A_207 = arith.muli %add3A_185, %mul3A_206 : i32
        %add3A_208 = arith.addi %mul3A_48, %mul3A_207 : i32
        %multiple_of3A_209 = tpu.assume_multiple %add3A_208, 160 : i32
        "tpu.region"() ({
          %run_scoped3A = tpu.sem_alloc : memref<!tpu.dma_semaphore, #tpu.memory_space<semaphore_mem>>
          %dma_start3A_213 = tpu.memref_slice %arg5[%multiple_of3A_209] : memref<102400xi32, #tpu.memory_space<hbm>> -> memref<160xi32, #tpu.memory_space<hbm>>
          %dma_start3A_214 = tpu.memref_slice %arg5[%multiple_of3A_209] : memref<102400xi32, #tpu.memory_space<hbm>> -> memref<160xi32, #tpu.memory_space<hbm>>
          tpu.enqueue_dma source(%dma_start3A_214 : memref<160xi32, #tpu.memory_space<hbm>>) target(%arg12 : memref<160xi32, #tpu.memory_space<vmem>>) target_semaphore(%run_scoped3A : memref<!tpu.dma_semaphore, #tpu.memory_space<semaphore_mem>>)
          %dma_wait3A_215 = tpu.memref_slice %arg5[%multiple_of3A_209] : memref<102400xi32, #tpu.memory_space<hbm>> -> memref<160xi32, #tpu.memory_space<hbm>>
          %dma_wait3A_216 = tpu.memref_slice %arg5[%multiple_of3A_209] : memref<102400xi32, #tpu.memory_space<hbm>> -> memref<160xi32, #tpu.memory_space<hbm>>
          tpu.wait_dma2 semaphore(%run_scoped3A : memref<!tpu.dma_semaphore, #tpu.memory_space<semaphore_mem>>) src(%dma_wait3A_216 : memref<160xi32, #tpu.memory_space<hbm>>) dst(%arg12 : memref<160xi32, #tpu.memory_space<vmem>>)
          tpu.yield
        }) : () -> ()
        %dma_start3A_210 = arith.constant 0 : i32
        %dma_start3A_211 = arith.constant 0 : i32
        %dma_start3A_212 = tpu.memref_slice %arg3[%dma_start3A_210, %dma_start3A_211] : memref<320000x128xf32, #tpu.memory_space<hbm>> -> memref<320000x128xf32, #tpu.memory_space<hbm>>
        tpu.enqueue_indirect_dma source(%dma_start3A_212 : memref<320000x128xf32, #tpu.memory_space<hbm>>) target(%arg16 : memref<160x128xf32, #tpu.memory_space<vmem>>) offsets(%arg12 : memref<160xi32, #tpu.memory_space<vmem>>) semaphore(%arg20 : memref<!tpu.dma_semaphore, #tpu.memory_space<semaphore_mem>>)
      } else {
      }
      %mul3A_191 = arith.constant 4 : i32
      %mul3A_192 = arith.muli %mul3A_191, %scan3A_97 : i32
      %add3A_193 = arith.constant 3 : i32
      %add3A_194 = arith.addi %mul3A_192, %add3A_193 : i32
      %add3A_195 = arith.constant 4 : i32
      %add3A_196 = arith.addi %add3A_194, %add3A_195 : i32
      %lt3A_197 = arith.constant 20 : i32
      %lt3A_198 = arith.cmpi slt, %add3A_196, %lt3A_197 : i32
      %convert_element_type3A_199 = arith.extui %lt3A_198 : i1 to i32
      %cond3A_200 = arith.constant 0 : i32
      %cond3A_201 = arith.cmpi ne, %convert_element_type3A_199, %cond3A_200 : i32
      scf.if %cond3A_201 {
        %dma_wait3A_202 = arith.constant 0 : i32
        %dma_wait3A_203 = tpu.memref_slice %arg8[%mul3A_48, %dma_wait3A_202] : memref<102400x128xf32, #tpu.memory_space<hbm>> -> memref<160x128xf32, #tpu.memory_space<hbm>>
        %dma_wait3A_204 = arith.constant 0 : i32
        %dma_wait3A_205 = tpu.memref_slice %arg8[%mul3A_48, %dma_wait3A_204] : memref<102400x128xf32, #tpu.memory_space<hbm>> -> memref<160x128xf32, #tpu.memory_space<hbm>>
        tpu.wait_dma2 semaphore(%arg25 : memref<!tpu.dma_semaphore, #tpu.memory_space<semaphore_mem>>) src(%arg17 : memref<160x128xf32, #tpu.memory_space<vmem>>) dst(%dma_wait3A_205 : memref<160x128xf32, #tpu.memory_space<hbm>>)
        %mul3A_206 = arith.constant 160 : i32
        %mul3A_207 = arith.muli %add3A_196, %mul3A_206 : i32
        %add3A_208 = arith.addi %mul3A_48, %mul3A_207 : i32
        %multiple_of3A_209 = tpu.assume_multiple %add3A_208, 160 : i32
        "tpu.region"() ({
          %run_scoped3A = tpu.sem_alloc : memref<!tpu.dma_semaphore, #tpu.memory_space<semaphore_mem>>
          %dma_start3A_213 = tpu.memref_slice %arg5[%multiple_of3A_209] : memref<102400xi32, #tpu.memory_space<hbm>> -> memref<160xi32, #tpu.memory_space<hbm>>
          %dma_start3A_214 = tpu.memref_slice %arg5[%multiple_of3A_209] : memref<102400xi32, #tpu.memory_space<hbm>> -> memref<160xi32, #tpu.memory_space<hbm>>
          tpu.enqueue_dma source(%dma_start3A_214 : memref<160xi32, #tpu.memory_space<hbm>>) target(%arg13 : memref<160xi32, #tpu.memory_space<vmem>>) target_semaphore(%run_scoped3A : memref<!tpu.dma_semaphore, #tpu.memory_space<semaphore_mem>>)
          %dma_wait3A_215 = tpu.memref_slice %arg5[%multiple_of3A_209] : memref<102400xi32, #tpu.memory_space<hbm>> -> memref<160xi32, #tpu.memory_space<hbm>>
          %dma_wait3A_216 = tpu.memref_slice %arg5[%multiple_of3A_209] : memref<102400xi32, #tpu.memory_space<hbm>> -> memref<160xi32, #tpu.memory_space<hbm>>
          tpu.wait_dma2 semaphore(%run_scoped3A : memref<!tpu.dma_semaphore, #tpu.memory_space<semaphore_mem>>) src(%dma_wait3A_216 : memref<160xi32, #tpu.memory_space<hbm>>) dst(%arg13 : memref<160xi32, #tpu.memory_space<vmem>>)
          tpu.yield
        }) : () -> ()
        %dma_start3A_210 = arith.constant 0 : i32
        %dma_start3A_211 = arith.constant 0 : i32
        %dma_start3A_212 = tpu.memref_slice %arg3[%dma_start3A_210, %dma_start3A_211] : memref<320000x128xf32, #tpu.memory_space<hbm>> -> memref<320000x128xf32, #tpu.memory_space<hbm>>
        tpu.enqueue_indirect_dma source(%dma_start3A_212 : memref<320000x128xf32, #tpu.memory_space<hbm>>) target(%arg17 : memref<160x128xf32, #tpu.memory_space<vmem>>) offsets(%arg13 : memref<160xi32, #tpu.memory_space<vmem>>) semaphore(%arg21 : memref<!tpu.dma_semaphore, #tpu.memory_space<semaphore_mem>>)
      } else {
      }
    }
    %scan3A_78 = arith.constant 5 : i32
    %dma_wait3A_79 = arith.constant 0 : i32
    %dma_wait3A_80 = tpu.memref_slice %arg8[%mul3A_48, %dma_wait3A_79] : memref<102400x128xf32, #tpu.memory_space<hbm>> -> memref<160x128xf32, #tpu.memory_space<hbm>>
    %dma_wait3A_81 = arith.constant 0 : i32
    %dma_wait3A_82 = tpu.memref_slice %arg8[%mul3A_48, %dma_wait3A_81] : memref<102400x128xf32, #tpu.memory_space<hbm>> -> memref<160x128xf32, #tpu.memory_space<hbm>>
    tpu.wait_dma2 semaphore(%arg22 : memref<!tpu.dma_semaphore, #tpu.memory_space<semaphore_mem>>) src(%arg14 : memref<160x128xf32, #tpu.memory_space<vmem>>) dst(%dma_wait3A_82 : memref<160x128xf32, #tpu.memory_space<hbm>>)
    %dma_wait3A_83 = arith.constant 0 : i32
    %dma_wait3A_84 = tpu.memref_slice %arg8[%mul3A_48, %dma_wait3A_83] : memref<102400x128xf32, #tpu.memory_space<hbm>> -> memref<160x128xf32, #tpu.memory_space<hbm>>
    %dma_wait3A_85 = arith.constant 0 : i32
    %dma_wait3A_86 = tpu.memref_slice %arg8[%mul3A_48, %dma_wait3A_85] : memref<102400x128xf32, #tpu.memory_space<hbm>> -> memref<160x128xf32, #tpu.memory_space<hbm>>
    tpu.wait_dma2 semaphore(%arg23 : memref<!tpu.dma_semaphore, #tpu.memory_space<semaphore_mem>>) src(%arg15 : memref<160x128xf32, #tpu.memory_space<vmem>>) dst(%dma_wait3A_86 : memref<160x128xf32, #tpu.memory_space<hbm>>)
    %dma_wait3A_87 = arith.constant 0 : i32
    %dma_wait3A_88 = tpu.memref_slice %arg8[%mul3A_48, %dma_wait3A_87] : memref<102400x128xf32, #tpu.memory_space<hbm>> -> memref<160x128xf32, #tpu.memory_space<hbm>>
    %dma_wait3A_89 = arith.constant 0 : i32
    %dma_wait3A_90 = tpu.memref_slice %arg8[%mul3A_48, %dma_wait3A_89] : memref<102400x128xf32, #tpu.memory_space<hbm>> -> memref<160x128xf32, #tpu.memory_space<hbm>>
    tpu.wait_dma2 semaphore(%arg24 : memref<!tpu.dma_semaphore, #tpu.memory_space<semaphore_mem>>) src(%arg16 : memref<160x128xf32, #tpu.memory_space<vmem>>) dst(%dma_wait3A_90 : memref<160x128xf32, #tpu.memory_space<hbm>>)
    %dma_wait3A_91 = arith.constant 0 : i32
    %dma_wait3A_92 = tpu.memref_slice %arg8[%mul3A_48, %dma_wait3A_91] : memref<102400x128xf32, #tpu.memory_space<hbm>> -> memref<160x128xf32, #tpu.memory_space<hbm>>
    %dma_wait3A_93 = arith.constant 0 : i32
    %dma_wait3A_94 = tpu.memref_slice %arg8[%mul3A_48, %dma_wait3A_93] : memref<102400x128xf32, #tpu.memory_space<hbm>> -> memref<160x128xf32, #tpu.memory_space<hbm>>
    tpu.wait_dma2 semaphore(%arg25 : memref<!tpu.dma_semaphore, #tpu.memory_space<semaphore_mem>>) src(%arg17 : memref<160x128xf32, #tpu.memory_space<vmem>>) dst(%dma_wait3A_94 : memref<160x128xf32, #tpu.memory_space<hbm>>)
    %lt3A = arith.constant 32 : i32
    %lt3A_95 = arith.cmpi slt, %add3A, %lt3A : i32
    %convert_element_type3A = arith.extui %lt3A_95 : i1 to i32
    %cond3A = arith.constant 0 : i32
    %cond3A_96 = arith.cmpi ne, %convert_element_type3A, %cond3A : i32
    scf.if %cond3A_96 {
      %mul3A_97 = arith.constant 160 : i32
      %mul3A_98 = arith.muli %add3A, %mul3A_97 : i32
      %multiple_of3A_99 = tpu.assume_multiple %mul3A_98, 160 : i32
      "tpu.region"() ({
        %run_scoped3A = tpu.sem_alloc : memref<!tpu.dma_semaphore, #tpu.memory_space<semaphore_mem>>
        %dma_start3A_106 = tpu.memref_slice %arg6[%multiple_of3A_99] : memref<5120xi32, #tpu.memory_space<hbm>> -> memref<160xi32, #tpu.memory_space<hbm>>
        %dma_start3A_107 = tpu.memref_slice %arg6[%multiple_of3A_99] : memref<5120xi32, #tpu.memory_space<hbm>> -> memref<160xi32, #tpu.memory_space<hbm>>
        tpu.enqueue_dma source(%dma_start3A_107 : memref<160xi32, #tpu.memory_space<hbm>>) target(%arg10 : memref<160xi32, #tpu.memory_space<vmem>>) target_semaphore(%run_scoped3A : memref<!tpu.dma_semaphore, #tpu.memory_space<semaphore_mem>>)
        %dma_wait3A_108 = tpu.memref_slice %arg6[%multiple_of3A_99] : memref<5120xi32, #tpu.memory_space<hbm>> -> memref<160xi32, #tpu.memory_space<hbm>>
        %dma_wait3A_109 = tpu.memref_slice %arg6[%multiple_of3A_99] : memref<5120xi32, #tpu.memory_space<hbm>> -> memref<160xi32, #tpu.memory_space<hbm>>
        tpu.wait_dma2 semaphore(%run_scoped3A : memref<!tpu.dma_semaphore, #tpu.memory_space<semaphore_mem>>) src(%dma_wait3A_109 : memref<160xi32, #tpu.memory_space<hbm>>) dst(%arg10 : memref<160xi32, #tpu.memory_space<vmem>>)
        tpu.yield
      }) : () -> ()
      %dma_start3A_100 = arith.constant 0 : i32
      %dma_start3A_101 = arith.constant 0 : i32
      %dma_start3A_102 = tpu.memref_slice %arg2[%dma_start3A_100, %dma_start3A_101] : memref<100000x128xf32, #tpu.memory_space<hbm>> -> memref<100000x128xf32, #tpu.memory_space<hbm>>
      tpu.enqueue_indirect_dma source(%dma_start3A_102 : memref<100000x128xf32, #tpu.memory_space<hbm>>) target(%arg14 : memref<160x128xf32, #tpu.memory_space<vmem>>) offsets(%arg10 : memref<160xi32, #tpu.memory_space<vmem>>) semaphore(%arg18 : memref<!tpu.dma_semaphore, #tpu.memory_space<semaphore_mem>>)
      %dma_wait3A_103 = arith.constant 0 : i32
      %dma_wait3A_104 = arith.constant 0 : i32
      %dma_wait3A_105 = tpu.memref_slice %arg2[%dma_wait3A_103, %dma_wait3A_104] : memref<100000x128xf32, #tpu.memory_space<hbm>> -> memref<100000x128xf32, #tpu.memory_space<hbm>>
      tpu.wait_indirect_dma semaphore(%arg18 : memref<!tpu.dma_semaphore, #tpu.memory_space<semaphore_mem>>) src(%dma_wait3A_105 : memref<100000x128xf32, #tpu.memory_space<hbm>>) dst(%arg14 : memref<160x128xf32, #tpu.memory_space<vmem>>)
      "tpu.region"() ({
        %run_scoped3A = tpu.sem_alloc : memref<!tpu.dma_semaphore, #tpu.memory_space<semaphore_mem>>
        %dma_start3A_106 = arith.constant 0 : i32
        %dma_start3A_107 = tpu.memref_slice %arg9[%multiple_of3A_99, %dma_start3A_106] : memref<5120x128xf32, #tpu.memory_space<hbm>> -> memref<160x128xf32, #tpu.memory_space<hbm>>
        %dma_start3A_108 = arith.constant 0 : i32
        %dma_start3A_109 = tpu.memref_slice %arg9[%multiple_of3A_99, %dma_start3A_108] : memref<5120x128xf32, #tpu.memory_space<hbm>> -> memref<160x128xf32, #tpu.memory_space<hbm>>
        tpu.enqueue_dma source(%arg14 : memref<160x128xf32, #tpu.memory_space<vmem>>) target(%dma_start3A_109 : memref<160x128xf32, #tpu.memory_space<hbm>>) target_semaphore(%run_scoped3A : memref<!tpu.dma_semaphore, #tpu.memory_space<semaphore_mem>>)
        %dma_wait3A_110 = arith.constant 0 : i32
        %dma_wait3A_111 = tpu.memref_slice %arg9[%multiple_of3A_99, %dma_wait3A_110] : memref<5120x128xf32, #tpu.memory_space<hbm>> -> memref<160x128xf32, #tpu.memory_space<hbm>>
        %dma_wait3A_112 = arith.constant 0 : i32
        %dma_wait3A_113 = tpu.memref_slice %arg9[%multiple_of3A_99, %dma_wait3A_112] : memref<5120x128xf32, #tpu.memory_space<hbm>> -> memref<160x128xf32, #tpu.memory_space<hbm>>
        tpu.wait_dma2 semaphore(%run_scoped3A : memref<!tpu.dma_semaphore, #tpu.memory_space<semaphore_mem>>) src(%arg14 : memref<160x128xf32, #tpu.memory_space<vmem>>) dst(%dma_wait3A_113 : memref<160x128xf32, #tpu.memory_space<hbm>>)
        tpu.yield
      }) : () -> ()
    } else {
    }
    return
  }
}

module attributes {stable_mosaic.version = 14 : i64} {
  func.func @_tc_body(%arg0: i32, %arg1: memref<800x128xf32, #tpu.memory_space<vmem>>, %arg2: memref<800x128xf32, #tpu.memory_space<vmem>>, %arg3: memref<40x128xf32, #tpu.memory_space<vmem>>, %arg4: memref<800x1xf32, #tpu.memory_space<vmem>>, %arg5: memref<800x1xf32, #tpu.memory_space<vmem>>, %arg6: memref<800x1xf32, #tpu.memory_space<vmem>>, %arg7: memref<40x20xi32, #tpu.memory_space<vmem>>, %arg8: memref<40x800xf32, #tpu.memory_space<vmem>>, %arg9: memref<800x20xf32, #tpu.memory_space<vmem>>, %arg10: memref<20x800xf32, #tpu.memory_space<vmem>>, %arg11: memref<1x100xf32, #tpu.memory_space<vmem>>, %arg12: memref<1x100xf32, #tpu.memory_space<vmem>>, %arg13: memref<1x100xf32, #tpu.memory_space<vmem>>, %arg14: memref<1x100xf32, #tpu.memory_space<vmem>>, %arg15: memref<100x100xf32, #tpu.memory_space<vmem>>, %arg16: memref<1x100xf32, #tpu.memory_space<vmem>>, %arg17: memref<128x114xf32, #tpu.memory_space<vmem>>, %arg18: memref<100x114xf32, #tpu.memory_space<vmem>>, %arg19: memref<128x114xf32, #tpu.memory_space<vmem>>, %arg20: memref<100x114xf32, #tpu.memory_space<vmem>>, %arg21: memref<128x114xbf16, #tpu.memory_space<vmem>>, %arg22: memref<128x114xbf16, #tpu.memory_space<vmem>>, %arg23: memref<100x114xbf16, #tpu.memory_space<vmem>>, %arg24: memref<100x114xf32, #tpu.memory_space<vmem>>, %arg25: memref<128x114xbf16, #tpu.memory_space<vmem>>, %arg26: memref<128x114xbf16, #tpu.memory_space<vmem>>, %arg27: memref<100x114xbf16, #tpu.memory_space<vmem>>, %arg28: memref<100x114xf32, #tpu.memory_space<vmem>>, %arg29: memref<128x114xbf16, #tpu.memory_space<vmem>>, %arg30: memref<128x114xbf16, #tpu.memory_space<vmem>>, %arg31: memref<100x114xbf16, #tpu.memory_space<vmem>>, %arg32: memref<100x114xf32, #tpu.memory_space<vmem>>, %arg33: memref<128x114xbf16, #tpu.memory_space<vmem>>, %arg34: memref<128x114xbf16, #tpu.memory_space<vmem>>, %arg35: memref<100x114xbf16, #tpu.memory_space<vmem>>, %arg36: memref<100x114xf32, #tpu.memory_space<vmem>>, %arg37: memref<114x128xf32, #tpu.memory_space<vmem>>, %arg38: memref<114x128xf32, #tpu.memory_space<vmem>>, %arg39: memref<40x128xf32, #tpu.memory_space<vmem>>) attributes {dimension_semantics = [#tpu.dimension_semantics<parallel>], iteration_bounds = array<i64: 125>, scalar_prefetch = 0 : i64, scratch_operands = 0 : i64, tpu.core_type = #tpu.core_type<tc>, window_params = [{transform_indices = @transform_0, window_bounds = array<i64: 800, 128>}, {transform_indices = @transform_1, window_bounds = array<i64: 800, 128>}, {transform_indices = @transform_2, window_bounds = array<i64: 40, 128>}, {transform_indices = @transform_3, window_bounds = array<i64: 800, 1>}, {transform_indices = @transform_4, window_bounds = array<i64: 800, 1>}, {transform_indices = @transform_5, window_bounds = array<i64: 800, 1>}, {transform_indices = @transform_6, window_bounds = array<i64: 40, 20>}, {pipeline_mode = #tpu.pipeline_mode<synchronous>, transform_indices = @transform_7, window_bounds = array<i64: 40, 800>}, {pipeline_mode = #tpu.pipeline_mode<synchronous>, transform_indices = @transform_8, window_bounds = array<i64: 800, 20>}, {pipeline_mode = #tpu.pipeline_mode<synchronous>, transform_indices = @transform_9, window_bounds = array<i64: 20, 800>}, {pipeline_mode = #tpu.pipeline_mode<synchronous>, transform_indices = @transform_10, window_bounds = array<i64: 1, 100>}, {pipeline_mode = #tpu.pipeline_mode<synchronous>, transform_indices = @transform_11, window_bounds = array<i64: 1, 100>}, {pipeline_mode = #tpu.pipeline_mode<synchronous>, transform_indices = @transform_12, window_bounds = array<i64: 1, 100>}, {pipeline_mode = #tpu.pipeline_mode<synchronous>, transform_indices = @transform_13, window_bounds = array<i64: 1, 100>}, {pipeline_mode = #tpu.pipeline_mode<synchronous>, transform_indices = @transform_14, window_bounds = array<i64: 100, 100>}, {pipeline_mode = #tpu.pipeline_mode<synchronous>, transform_indices = @transform_15, window_bounds = array<i64: 1, 100>}, {pipeline_mode = #tpu.pipeline_mode<synchronous>, transform_indices = @transform_16, window_bounds = array<i64: 128, 114>}, {pipeline_mode = #tpu.pipeline_mode<synchronous>, transform_indices = @transform_17, window_bounds = array<i64: 100, 114>}, {pipeline_mode = #tpu.pipeline_mode<synchronous>, transform_indices = @transform_18, window_bounds = array<i64: 128, 114>}, {pipeline_mode = #tpu.pipeline_mode<synchronous>, transform_indices = @transform_19, window_bounds = array<i64: 100, 114>}, {pipeline_mode = #tpu.pipeline_mode<synchronous>, transform_indices = @transform_20, window_bounds = array<i64: 128, 114>}, {pipeline_mode = #tpu.pipeline_mode<synchronous>, transform_indices = @transform_21, window_bounds = array<i64: 128, 114>}, {pipeline_mode = #tpu.pipeline_mode<synchronous>, transform_indices = @transform_22, window_bounds = array<i64: 100, 114>}, {pipeline_mode = #tpu.pipeline_mode<synchronous>, transform_indices = @transform_23, window_bounds = array<i64: 100, 114>}, {pipeline_mode = #tpu.pipeline_mode<synchronous>, transform_indices = @transform_24, window_bounds = array<i64: 128, 114>}, {pipeline_mode = #tpu.pipeline_mode<synchronous>, transform_indices = @transform_25, window_bounds = array<i64: 128, 114>}, {pipeline_mode = #tpu.pipeline_mode<synchronous>, transform_indices = @transform_26, window_bounds = array<i64: 100, 114>}, {pipeline_mode = #tpu.pipeline_mode<synchronous>, transform_indices = @transform_27, window_bounds = array<i64: 100, 114>}, {pipeline_mode = #tpu.pipeline_mode<synchronous>, transform_indices = @transform_28, window_bounds = array<i64: 128, 114>}, {pipeline_mode = #tpu.pipeline_mode<synchronous>, transform_indices = @transform_29, window_bounds = array<i64: 128, 114>}, {pipeline_mode = #tpu.pipeline_mode<synchronous>, transform_indices = @transform_30, window_bounds = array<i64: 100, 114>}, {pipeline_mode = #tpu.pipeline_mode<synchronous>, transform_indices = @transform_31, window_bounds = array<i64: 100, 114>}, {pipeline_mode = #tpu.pipeline_mode<synchronous>, transform_indices = @transform_32, window_bounds = array<i64: 128, 114>}, {pipeline_mode = #tpu.pipeline_mode<synchronous>, transform_indices = @transform_33, window_bounds = array<i64: 128, 114>}, {pipeline_mode = #tpu.pipeline_mode<synchronous>, transform_indices = @transform_34, window_bounds = array<i64: 100, 114>}, {pipeline_mode = #tpu.pipeline_mode<synchronous>, transform_indices = @transform_35, window_bounds = array<i64: 100, 114>}, {pipeline_mode = #tpu.pipeline_mode<synchronous>, transform_indices = @transform_36, window_bounds = array<i64: 114, 128>}, {pipeline_mode = #tpu.pipeline_mode<synchronous>, transform_indices = @transform_37, window_bounds = array<i64: 114, 128>}, {transform_indices = @transform_38, window_bounds = array<i64: 40, 128>}]} {
    %get3A = arith.constant 0 : index
    %get3A_0 = arith.constant 0 : index
    %get3A_1 = vector.load %arg1[%get3A, %get3A_0] : memref<800x128xf32, #tpu.memory_space<vmem>>, vector<800x128xf32>
    %convert_element_type3A = arith.truncf %get3A_1 : vector<800x128xf32> to vector<800x128xbf16>
    %get3A_2 = arith.constant 0 : index
    %get3A_3 = arith.constant 0 : index
    %get3A_4 = vector.load %arg2[%get3A_2, %get3A_3] : memref<800x128xf32, #tpu.memory_space<vmem>>, vector<800x128xf32>
    %convert_element_type3A_5 = arith.truncf %get3A_4 : vector<800x128xf32> to vector<800x128xbf16>
    %get3A_6 = arith.constant 0 : index
    %get3A_7 = arith.constant 0 : index
    %get3A_8 = vector.load %arg3[%get3A_6, %get3A_7] : memref<40x128xf32, #tpu.memory_space<vmem>>, vector<40x128xf32>
    %get3A_9 = arith.constant 0 : index
    %get3A_10 = arith.constant 0 : index
    %get3A_11 = vector.load %arg4[%get3A_9, %get3A_10] : memref<800x1xf32, #tpu.memory_space<vmem>>, vector<800x1xf32>
    %get3A_12 = arith.constant 0 : index
    %get3A_13 = arith.constant 0 : index
    %get3A_14 = vector.load %arg11[%get3A_12, %get3A_13] : memref<1x100xf32, #tpu.memory_space<vmem>>, vector<1x100xf32>
    %mul3A = vector.broadcast %get3A_11 : vector<800x1xf32> to vector<800x100xf32>
    %mul3A_15 = vector.broadcast %get3A_14 : vector<1x100xf32> to vector<800x100xf32>
    %mul3A_16 = arith.mulf %mul3A, %mul3A_15 : vector<800x100xf32>
    %get3A_17 = arith.constant 0 : index
    %get3A_18 = arith.constant 0 : index
    %get3A_19 = vector.load %arg12[%get3A_17, %get3A_18] : memref<1x100xf32, #tpu.memory_space<vmem>>, vector<1x100xf32>
    %add3A = vector.broadcast %get3A_19 : vector<1x100xf32> to vector<800x100xf32>
    %add3A_20 = arith.addf %mul3A_16, %add3A : vector<800x100xf32>
    %mul3A_21 = arith.constant 0.159154937 : f32
    %mul3A_22 = vector.broadcast %mul3A_21 : f32 to vector<800x100xf32>
    %mul3A_23 = arith.mulf %add3A_20, %mul3A_22 : vector<800x100xf32>
    %round3A = math.round %mul3A_23 : vector<800x100xf32>
    %sub3A = arith.subf %mul3A_23, %round3A : vector<800x100xf32>
    %mul3A_24 = arith.mulf %sub3A, %sub3A : vector<800x100xf32>
    %broadcast_in_dim3A = arith.constant 0.282005966 : f32
    %broadcast_in_dim3A_25 = vector.broadcast %broadcast_in_dim3A : f32 to vector<800x100xf32>
    %mul3A_26 = arith.mulf %broadcast_in_dim3A_25, %mul3A_24 : vector<800x100xf32>
    %add3A_27 = arith.constant -1.71439075 : f32
    %add3A_28 = vector.broadcast %add3A_27 : f32 to vector<800x100xf32>
    %add3A_29 = arith.addf %mul3A_26, %add3A_28 : vector<800x100xf32>
    %mul3A_30 = arith.mulf %add3A_29, %mul3A_24 : vector<800x100xf32>
    %add3A_31 = arith.constant 7.90353632 : f32
    %add3A_32 = vector.broadcast %add3A_31 : f32 to vector<800x100xf32>
    %add3A_33 = arith.addf %mul3A_30, %add3A_32 : vector<800x100xf32>
    %mul3A_34 = arith.mulf %add3A_33, %mul3A_24 : vector<800x100xf32>
    %add3A_35 = arith.constant -26.4262562 : f32
    %add3A_36 = vector.broadcast %add3A_35 : f32 to vector<800x100xf32>
    %add3A_37 = arith.addf %mul3A_34, %add3A_36 : vector<800x100xf32>
    %mul3A_38 = arith.mulf %add3A_37, %mul3A_24 : vector<800x100xf32>
    %add3A_39 = arith.constant 60.2446404 : f32
    %add3A_40 = vector.broadcast %add3A_39 : f32 to vector<800x100xf32>
    %add3A_41 = arith.addf %mul3A_38, %add3A_40 : vector<800x100xf32>
    %mul3A_42 = arith.mulf %add3A_41, %mul3A_24 : vector<800x100xf32>
    %add3A_43 = arith.constant -85.4568176 : f32
    %add3A_44 = vector.broadcast %add3A_43 : f32 to vector<800x100xf32>
    %add3A_45 = arith.addf %mul3A_42, %add3A_44 : vector<800x100xf32>
    %mul3A_46 = arith.mulf %add3A_45, %mul3A_24 : vector<800x100xf32>
    %add3A_47 = arith.constant 64.9393921 : f32
    %add3A_48 = vector.broadcast %add3A_47 : f32 to vector<800x100xf32>
    %add3A_49 = arith.addf %mul3A_46, %add3A_48 : vector<800x100xf32>
    %mul3A_50 = arith.mulf %add3A_49, %mul3A_24 : vector<800x100xf32>
    %add3A_51 = arith.constant -19.7392082 : f32
    %add3A_52 = vector.broadcast %add3A_51 : f32 to vector<800x100xf32>
    %add3A_53 = arith.addf %mul3A_50, %add3A_52 : vector<800x100xf32>
    %mul3A_54 = arith.mulf %add3A_53, %mul3A_24 : vector<800x100xf32>
    %add3A_55 = arith.constant 1.000000e+00 : f32
    %add3A_56 = vector.broadcast %add3A_55 : f32 to vector<800x100xf32>
    %add3A_57 = arith.addf %mul3A_54, %add3A_56 : vector<800x100xf32>
    %convert_element_type3A_58 = arith.truncf %add3A_57 : vector<800x100xf32> to vector<800x100xbf16>
    %get3A_59 = arith.constant 0 : index
    %get3A_60 = arith.constant 0 : index
    %get3A_61 = vector.load %arg5[%get3A_59, %get3A_60] : memref<800x1xf32, #tpu.memory_space<vmem>>, vector<800x1xf32>
    %get3A_62 = arith.constant 0 : index
    %get3A_63 = arith.constant 0 : index
    %get3A_64 = vector.load %arg6[%get3A_62, %get3A_63] : memref<800x1xf32, #tpu.memory_space<vmem>>, vector<800x1xf32>
    %eq3A = arith.constant 0.000000e+00 : f32
    %eq3A_65 = vector.broadcast %eq3A : f32 to vector<800x1xf32>
    %eq3A_66 = arith.cmpf oeq, %get3A_61, %eq3A_65 : vector<800x1xf32>
    %jit3A = arith.constant 1.000000e+00 : f32
    %broadcast_in_dim3A_67 = vector.broadcast %jit3A : f32 to vector<800x1xf32>
    %select_n3A = arith.select %eq3A_66, %broadcast_in_dim3A_67, %get3A_61 : vector<800x1xi1>, vector<800x1xf32>
    %eq3A_68 = arith.constant 0.000000e+00 : f32
    %eq3A_69 = vector.broadcast %eq3A_68 : f32 to vector<800x1xf32>
    %eq3A_70 = arith.cmpf oeq, %get3A_61, %eq3A_69 : vector<800x1xf32>
    %div3A = arith.divf %get3A_64, %select_n3A : vector<800x1xf32>
    %jit3A_71 = arith.constant 0.000000e+00 : f32
    %broadcast_in_dim3A_72 = vector.broadcast %jit3A_71 : f32 to vector<800x1xf32>
    %select_n3A_73 = arith.select %eq3A_70, %broadcast_in_dim3A_72, %div3A : vector<800x1xi1>, vector<800x1xf32>
    %get3A_74 = arith.constant 0 : index
    %get3A_75 = arith.constant 0 : index
    %get3A_76 = vector.load %arg13[%get3A_74, %get3A_75] : memref<1x100xf32, #tpu.memory_space<vmem>>, vector<1x100xf32>
    %mul3A_77 = vector.broadcast %select_n3A_73 : vector<800x1xf32> to vector<800x100xf32>
    %mul3A_78 = vector.broadcast %get3A_76 : vector<1x100xf32> to vector<800x100xf32>
    %mul3A_79 = arith.mulf %mul3A_77, %mul3A_78 : vector<800x100xf32>
    %get3A_80 = arith.constant 0 : index
    %get3A_81 = arith.constant 0 : index
    %get3A_82 = vector.load %arg14[%get3A_80, %get3A_81] : memref<1x100xf32, #tpu.memory_space<vmem>>, vector<1x100xf32>
    %add3A_83 = vector.broadcast %get3A_82 : vector<1x100xf32> to vector<800x100xf32>
    %add3A_84 = arith.addf %mul3A_79, %add3A_83 : vector<800x100xf32>
    %max3A = arith.constant 0.000000e+00 : f32
    %max3A_85 = vector.broadcast %max3A : f32 to vector<800x100xf32>
    %max3A_86 = arith.maximumf %add3A_84, %max3A_85 : vector<800x100xf32>
    %get3A_87 = arith.constant 0 : index
    %get3A_88 = arith.constant 0 : index
    %get3A_89 = vector.load %arg15[%get3A_87, %get3A_88] : memref<100x100xf32, #tpu.memory_space<vmem>>, vector<100x100xf32>
    %dot_general3A = arith.constant dense<0.000000e+00> : vector<800x100xf32>
    %dot_general3A_90 = tpu.matmul %max3A_86, %get3A_89, %dot_general3A {dimension_numbers = #tpu.dot_dimension_numbers<[1], [0], [0], [1], [0, 0, 1, 1], [], []>, transpose_lhs_hint = false} : vector<800x100xf32>, vector<100x100xf32>, vector<800x100xf32> -> vector<800x100xf32>
    %get3A_91 = arith.constant 0 : index
    %get3A_92 = arith.constant 0 : index
    %get3A_93 = vector.load %arg16[%get3A_91, %get3A_92] : memref<1x100xf32, #tpu.memory_space<vmem>>, vector<1x100xf32>
    %add3A_94 = vector.broadcast %get3A_93 : vector<1x100xf32> to vector<800x100xf32>
    %add3A_95 = arith.addf %dot_general3A_90, %add3A_94 : vector<800x100xf32>
    %get3A_96 = arith.constant 0 : index
    %get3A_97 = arith.constant 0 : index
    %get3A_98 = vector.load %arg12[%get3A_96, %get3A_97] : memref<1x100xf32, #tpu.memory_space<vmem>>, vector<1x100xf32>
    %mul3A_99 = arith.constant 0.159154937 : f32
    %mul3A_100 = vector.broadcast %mul3A_99 : f32 to vector<1x100xf32>
    %mul3A_101 = arith.mulf %get3A_98, %mul3A_100 : vector<1x100xf32>
    %round3A_102 = math.round %mul3A_101 : vector<1x100xf32>
    %sub3A_103 = arith.subf %mul3A_101, %round3A_102 : vector<1x100xf32>
    %mul3A_104 = arith.mulf %sub3A_103, %sub3A_103 : vector<1x100xf32>
    %broadcast_in_dim3A_105 = arith.constant 0.282005966 : f32
    %broadcast_in_dim3A_106 = vector.broadcast %broadcast_in_dim3A_105 : f32 to vector<1x100xf32>
    %mul3A_107 = arith.mulf %broadcast_in_dim3A_106, %mul3A_104 : vector<1x100xf32>
    %add3A_108 = arith.constant -1.71439075 : f32
    %add3A_109 = vector.broadcast %add3A_108 : f32 to vector<1x100xf32>
    %add3A_110 = arith.addf %mul3A_107, %add3A_109 : vector<1x100xf32>
    %mul3A_111 = arith.mulf %add3A_110, %mul3A_104 : vector<1x100xf32>
    %add3A_112 = arith.constant 7.90353632 : f32
    %add3A_113 = vector.broadcast %add3A_112 : f32 to vector<1x100xf32>
    %add3A_114 = arith.addf %mul3A_111, %add3A_113 : vector<1x100xf32>
    %mul3A_115 = arith.mulf %add3A_114, %mul3A_104 : vector<1x100xf32>
    %add3A_116 = arith.constant -26.4262562 : f32
    %add3A_117 = vector.broadcast %add3A_116 : f32 to vector<1x100xf32>
    %add3A_118 = arith.addf %mul3A_115, %add3A_117 : vector<1x100xf32>
    %mul3A_119 = arith.mulf %add3A_118, %mul3A_104 : vector<1x100xf32>
    %add3A_120 = arith.constant 60.2446404 : f32
    %add3A_121 = vector.broadcast %add3A_120 : f32 to vector<1x100xf32>
    %add3A_122 = arith.addf %mul3A_119, %add3A_121 : vector<1x100xf32>
    %mul3A_123 = arith.mulf %add3A_122, %mul3A_104 : vector<1x100xf32>
    %add3A_124 = arith.constant -85.4568176 : f32
    %add3A_125 = vector.broadcast %add3A_124 : f32 to vector<1x100xf32>
    %add3A_126 = arith.addf %mul3A_123, %add3A_125 : vector<1x100xf32>
    %mul3A_127 = arith.mulf %add3A_126, %mul3A_104 : vector<1x100xf32>
    %add3A_128 = arith.constant 64.9393921 : f32
    %add3A_129 = vector.broadcast %add3A_128 : f32 to vector<1x100xf32>
    %add3A_130 = arith.addf %mul3A_127, %add3A_129 : vector<1x100xf32>
    %mul3A_131 = arith.mulf %add3A_130, %mul3A_104 : vector<1x100xf32>
    %add3A_132 = arith.constant -19.7392082 : f32
    %add3A_133 = vector.broadcast %add3A_132 : f32 to vector<1x100xf32>
    %add3A_134 = arith.addf %mul3A_131, %add3A_133 : vector<1x100xf32>
    %mul3A_135 = arith.mulf %add3A_134, %mul3A_104 : vector<1x100xf32>
    %add3A_136 = arith.constant 1.000000e+00 : f32
    %add3A_137 = vector.broadcast %add3A_136 : f32 to vector<1x100xf32>
    %add3A_138 = arith.addf %mul3A_135, %add3A_137 : vector<1x100xf32>
    %get3A_139 = arith.constant 0 : index
    %get3A_140 = arith.constant 0 : index
    %get3A_141 = vector.load %arg8[%get3A_139, %get3A_140] : memref<40x800xf32, #tpu.memory_space<vmem>>, vector<40x800xf32>
    %get3A_142 = arith.constant 0 : index
    %get3A_143 = arith.constant 0 : index
    %get3A_144 = vector.load %arg9[%get3A_142, %get3A_143] : memref<800x20xf32, #tpu.memory_space<vmem>>, vector<800x20xf32>
    %get3A_145 = arith.constant 0 : index
    %get3A_146 = arith.constant 0 : index
    %get3A_147 = vector.load %arg10[%get3A_145, %get3A_146] : memref<20x800xf32, #tpu.memory_space<vmem>>, vector<20x800xf32>
    %get3A_148 = arith.constant 0 : index
    %get3A_149 = arith.constant 0 : index
    %get3A_150 = vector.load %arg7[%get3A_148, %get3A_149] : memref<40x20xi32, #tpu.memory_space<vmem>>, vector<40x20xi32>
    %eq3A_151 = arith.constant 0 : i32
    %eq3A_152 = vector.broadcast %eq3A_151 : i32 to vector<40x20xi32>
    %eq3A_153 = arith.cmpi eq, %get3A_150, %eq3A_152 : vector<40x20xi32>
    %get3A_154 = arith.constant 0 : index
    %get3A_155 = arith.constant 0 : index
    %get3A_156 = vector.load %arg17[%get3A_154, %get3A_155] : memref<128x114xf32, #tpu.memory_space<vmem>>, vector<128x114xf32>
    %dot_general3A_157 = arith.constant dense<0.000000e+00> : vector<40x114xf32>
    %dot_general3A_158 = tpu.matmul %get3A_8, %get3A_156, %dot_general3A_157 {dimension_numbers = #tpu.dot_dimension_numbers<[1], [0], [0], [1], [0, 0, 1, 1], [], []>, transpose_lhs_hint = false} : vector<40x128xf32>, vector<128x114xf32>, vector<40x114xf32> -> vector<40x114xf32>
    %get3A_159 = arith.constant 0 : index
    %get3A_160 = arith.constant 0 : index
    %get3A_161 = vector.load %arg18[%get3A_159, %get3A_160] : memref<100x114xf32, #tpu.memory_space<vmem>>, vector<100x114xf32>
    %dot_general3A_162 = arith.constant dense<0.000000e+00> : vector<1x114xf32>
    %dot_general3A_163 = tpu.matmul %add3A_138, %get3A_161, %dot_general3A_162 {dimension_numbers = #tpu.dot_dimension_numbers<[1], [0], [0], [1], [0, 0, 1, 1], [], []>, transpose_lhs_hint = false} : vector<1x100xf32>, vector<100x114xf32>, vector<1x114xf32> -> vector<1x114xf32>
    %add3A_164 = vector.broadcast %dot_general3A_163 : vector<1x114xf32> to vector<40x114xf32>
    %add3A_165 = arith.addf %dot_general3A_158, %add3A_164 : vector<40x114xf32>
    %get3A_166 = arith.constant 0 : index
    %get3A_167 = arith.constant 0 : index
    %get3A_168 = vector.load %arg21[%get3A_166, %get3A_167] : memref<128x114xbf16, #tpu.memory_space<vmem>>, vector<128x114xbf16>
    %dot_general3A_169 = arith.constant dense<0.000000e+00> : vector<800x114xf32>
    %dot_general3A_170 = tpu.matmul %convert_element_type3A, %get3A_168, %dot_general3A_169 {dimension_numbers = #tpu.dot_dimension_numbers<[1], [0], [0], [1], [0, 0, 1, 1], [], []>, transpose_lhs_hint = false} : vector<800x128xbf16>, vector<128x114xbf16>, vector<800x114xf32> -> vector<800x114xf32>
    %get3A_171 = arith.constant 0 : index
    %get3A_172 = arith.constant 0 : index
    %get3A_173 = vector.load %arg22[%get3A_171, %get3A_172] : memref<128x114xbf16, #tpu.memory_space<vmem>>, vector<128x114xbf16>
    %dot_general3A_174 = arith.constant dense<0.000000e+00> : vector<800x114xf32>
    %dot_general3A_175 = tpu.matmul %convert_element_type3A_5, %get3A_173, %dot_general3A_174 {dimension_numbers = #tpu.dot_dimension_numbers<[1], [0], [0], [1], [0, 0, 1, 1], [], []>, transpose_lhs_hint = false} : vector<800x128xbf16>, vector<128x114xbf16>, vector<800x114xf32> -> vector<800x114xf32>
    %add3A_176 = arith.addf %dot_general3A_170, %dot_general3A_175 : vector<800x114xf32>
    %get3A_177 = arith.constant 0 : index
    %get3A_178 = arith.constant 0 : index
    %get3A_179 = vector.load %arg23[%get3A_177, %get3A_178] : memref<100x114xbf16, #tpu.memory_space<vmem>>, vector<100x114xbf16>
    %dot_general3A_180 = arith.constant dense<0.000000e+00> : vector<800x114xf32>
    %dot_general3A_181 = tpu.matmul %convert_element_type3A_58, %get3A_179, %dot_general3A_180 {dimension_numbers = #tpu.dot_dimension_numbers<[1], [0], [0], [1], [0, 0, 1, 1], [], []>, transpose_lhs_hint = false} : vector<800x100xbf16>, vector<100x114xbf16>, vector<800x114xf32> -> vector<800x114xf32>
    %add3A_182 = arith.addf %add3A_176, %dot_general3A_181 : vector<800x114xf32>
    %get3A_183 = arith.constant 0 : index
    %get3A_184 = arith.constant 0 : index
    %get3A_185 = vector.load %arg24[%get3A_183, %get3A_184] : memref<100x114xf32, #tpu.memory_space<vmem>>, vector<100x114xf32>
    %dot_general3A_186 = arith.constant dense<0.000000e+00> : vector<800x114xf32>
    %dot_general3A_187 = tpu.matmul %add3A_95, %get3A_185, %dot_general3A_186 {dimension_numbers = #tpu.dot_dimension_numbers<[1], [0], [0], [1], [0, 0, 1, 1], [], []>, transpose_lhs_hint = false} : vector<800x100xf32>, vector<100x114xf32>, vector<800x114xf32> -> vector<800x114xf32>
    %add3A_188 = arith.addf %add3A_182, %dot_general3A_187 : vector<800x114xf32>
    %get3A_189 = arith.constant 0 : index
    %get3A_190 = arith.constant 0 : index
    %get3A_191 = vector.load %arg29[%get3A_189, %get3A_190] : memref<128x114xbf16, #tpu.memory_space<vmem>>, vector<128x114xbf16>
    %dot_general3A_192 = arith.constant dense<0.000000e+00> : vector<800x114xf32>
    %dot_general3A_193 = tpu.matmul %convert_element_type3A, %get3A_191, %dot_general3A_192 {dimension_numbers = #tpu.dot_dimension_numbers<[1], [0], [0], [1], [0, 0, 1, 1], [], []>, transpose_lhs_hint = false} : vector<800x128xbf16>, vector<128x114xbf16>, vector<800x114xf32> -> vector<800x114xf32>
    %get3A_194 = arith.constant 0 : index
    %get3A_195 = arith.constant 0 : index
    %get3A_196 = vector.load %arg30[%get3A_194, %get3A_195] : memref<128x114xbf16, #tpu.memory_space<vmem>>, vector<128x114xbf16>
    %dot_general3A_197 = arith.constant dense<0.000000e+00> : vector<800x114xf32>
    %dot_general3A_198 = tpu.matmul %convert_element_type3A_5, %get3A_196, %dot_general3A_197 {dimension_numbers = #tpu.dot_dimension_numbers<[1], [0], [0], [1], [0, 0, 1, 1], [], []>, transpose_lhs_hint = false} : vector<800x128xbf16>, vector<128x114xbf16>, vector<800x114xf32> -> vector<800x114xf32>
    %add3A_199 = arith.addf %dot_general3A_193, %dot_general3A_198 : vector<800x114xf32>
    %get3A_200 = arith.constant 0 : index
    %get3A_201 = arith.constant 0 : index
    %get3A_202 = vector.load %arg31[%get3A_200, %get3A_201] : memref<100x114xbf16, #tpu.memory_space<vmem>>, vector<100x114xbf16>
    %dot_general3A_203 = arith.constant dense<0.000000e+00> : vector<800x114xf32>
    %dot_general3A_204 = tpu.matmul %convert_element_type3A_58, %get3A_202, %dot_general3A_203 {dimension_numbers = #tpu.dot_dimension_numbers<[1], [0], [0], [1], [0, 0, 1, 1], [], []>, transpose_lhs_hint = false} : vector<800x100xbf16>, vector<100x114xbf16>, vector<800x114xf32> -> vector<800x114xf32>
    %add3A_205 = arith.addf %add3A_199, %dot_general3A_204 : vector<800x114xf32>
    %get3A_206 = arith.constant 0 : index
    %get3A_207 = arith.constant 0 : index
    %get3A_208 = vector.load %arg32[%get3A_206, %get3A_207] : memref<100x114xf32, #tpu.memory_space<vmem>>, vector<100x114xf32>
    %dot_general3A_209 = arith.constant dense<0.000000e+00> : vector<800x114xf32>
    %dot_general3A_210 = tpu.matmul %add3A_95, %get3A_208, %dot_general3A_209 {dimension_numbers = #tpu.dot_dimension_numbers<[1], [0], [0], [1], [0, 0, 1, 1], [], []>, transpose_lhs_hint = false} : vector<800x100xf32>, vector<100x114xf32>, vector<800x114xf32> -> vector<800x114xf32>
    %add3A_211 = arith.addf %add3A_205, %dot_general3A_210 : vector<800x114xf32>
    %dot_general3A_212 = arith.constant dense<0.000000e+00> : vector<40x800xf32>
    %dot_general3A_213 = tpu.matmul %add3A_165, %add3A_188, %dot_general3A_212 {dimension_numbers = #tpu.dot_dimension_numbers<[1], [1], [0], [0], [0, 0, 1, 0], [], []>, transpose_lhs_hint = false} : vector<40x114xf32>, vector<800x114xf32>, vector<40x800xf32> -> vector<40x800xf32>
    %mul3A_214 = arith.mulf %dot_general3A_213, %get3A_141 : vector<40x800xf32>
    %dot_general3A_215 = arith.constant dense<0.000000e+00> : vector<40x20xf32>
    %dot_general3A_216 = tpu.matmul %mul3A_214, %get3A_144, %dot_general3A_215 {dimension_numbers = #tpu.dot_dimension_numbers<[1], [0], [0], [1], [0, 0, 1, 1], [], []>, transpose_lhs_hint = false} : vector<40x800xf32>, vector<800x20xf32>, vector<40x20xf32> -> vector<40x20xf32>
    %mul3A_217 = arith.constant 0.0936585814 : f32
    %mul3A_218 = vector.broadcast %mul3A_217 : f32 to vector<40x20xf32>
    %mul3A_219 = arith.mulf %dot_general3A_216, %mul3A_218 : vector<40x20xf32>
    %jit3A_220 = arith.constant -1.000000e+09 : f32
    %broadcast_in_dim3A_221 = vector.broadcast %jit3A_220 : f32 to vector<40x20xf32>
    %select_n3A_222 = arith.select %eq3A_153, %broadcast_in_dim3A_221, %mul3A_219 : vector<40x20xi1>, vector<40x20xf32>
    %reduce_max3A = arith.constant dense<0xFF800000> : vector<40xf32>
    %reduce_max3A_223 = vector.multi_reduction <maximumf>, %select_n3A_222, %reduce_max3A [1] : vector<40x20xf32> to vector<40xf32>
    %broadcast_in_dim3A_224 = vector.shape_cast %reduce_max3A_223 : vector<40xf32> to vector<40x1xf32>
    %sub3A_225 = vector.broadcast %broadcast_in_dim3A_224 : vector<40x1xf32> to vector<40x20xf32>
    %sub3A_226 = arith.subf %select_n3A_222, %sub3A_225 : vector<40x20xf32>
    %exp3A = math.exp %sub3A_226 : vector<40x20xf32>
    %reduce_sum3A = arith.constant dense<0.000000e+00> : vector<40xf32>
    %reduce_sum3A_227 = vector.multi_reduction <add>, %exp3A, %reduce_sum3A [1] : vector<40x20xf32> to vector<40xf32>
    %broadcast_in_dim3A_228 = vector.shape_cast %reduce_sum3A_227 : vector<40xf32> to vector<40x1xf32>
    %div3A_229 = vector.broadcast %broadcast_in_dim3A_228 : vector<40x1xf32> to vector<40x20xf32>
    %div3A_230 = arith.divf %exp3A, %div3A_229 : vector<40x20xf32>
    %dot_general3A_231 = arith.constant dense<0.000000e+00> : vector<40x800xf32>
    %dot_general3A_232 = tpu.matmul %div3A_230, %get3A_147, %dot_general3A_231 {dimension_numbers = #tpu.dot_dimension_numbers<[1], [0], [0], [1], [0, 0, 1, 1], [], []>, transpose_lhs_hint = false} : vector<40x20xf32>, vector<20x800xf32>, vector<40x800xf32> -> vector<40x800xf32>
    %mul3A_233 = arith.mulf %dot_general3A_232, %get3A_141 : vector<40x800xf32>
    %dot_general3A_234 = arith.constant dense<0.000000e+00> : vector<40x114xf32>
    %dot_general3A_235 = tpu.matmul %mul3A_233, %add3A_211, %dot_general3A_234 {dimension_numbers = #tpu.dot_dimension_numbers<[1], [0], [0], [1], [0, 0, 1, 1], [], []>, transpose_lhs_hint = false} : vector<40x800xf32>, vector<800x114xf32>, vector<40x114xf32> -> vector<40x114xf32>
    %get3A_236 = arith.constant 0 : index
    %get3A_237 = arith.constant 0 : index
    %get3A_238 = vector.load %arg19[%get3A_236, %get3A_237] : memref<128x114xf32, #tpu.memory_space<vmem>>, vector<128x114xf32>
    %dot_general3A_239 = arith.constant dense<0.000000e+00> : vector<40x114xf32>
    %dot_general3A_240 = tpu.matmul %get3A_8, %get3A_238, %dot_general3A_239 {dimension_numbers = #tpu.dot_dimension_numbers<[1], [0], [0], [1], [0, 0, 1, 1], [], []>, transpose_lhs_hint = false} : vector<40x128xf32>, vector<128x114xf32>, vector<40x114xf32> -> vector<40x114xf32>
    %get3A_241 = arith.constant 0 : index
    %get3A_242 = arith.constant 0 : index
    %get3A_243 = vector.load %arg20[%get3A_241, %get3A_242] : memref<100x114xf32, #tpu.memory_space<vmem>>, vector<100x114xf32>
    %dot_general3A_244 = arith.constant dense<0.000000e+00> : vector<1x114xf32>
    %dot_general3A_245 = tpu.matmul %add3A_138, %get3A_243, %dot_general3A_244 {dimension_numbers = #tpu.dot_dimension_numbers<[1], [0], [0], [1], [0, 0, 1, 1], [], []>, transpose_lhs_hint = false} : vector<1x100xf32>, vector<100x114xf32>, vector<1x114xf32> -> vector<1x114xf32>
    %add3A_246 = vector.broadcast %dot_general3A_245 : vector<1x114xf32> to vector<40x114xf32>
    %add3A_247 = arith.addf %dot_general3A_240, %add3A_246 : vector<40x114xf32>
    %get3A_248 = arith.constant 0 : index
    %get3A_249 = arith.constant 0 : index
    %get3A_250 = vector.load %arg25[%get3A_248, %get3A_249] : memref<128x114xbf16, #tpu.memory_space<vmem>>, vector<128x114xbf16>
    %dot_general3A_251 = arith.constant dense<0.000000e+00> : vector<800x114xf32>
    %dot_general3A_252 = tpu.matmul %convert_element_type3A, %get3A_250, %dot_general3A_251 {dimension_numbers = #tpu.dot_dimension_numbers<[1], [0], [0], [1], [0, 0, 1, 1], [], []>, transpose_lhs_hint = false} : vector<800x128xbf16>, vector<128x114xbf16>, vector<800x114xf32> -> vector<800x114xf32>
    %get3A_253 = arith.constant 0 : index
    %get3A_254 = arith.constant 0 : index
    %get3A_255 = vector.load %arg26[%get3A_253, %get3A_254] : memref<128x114xbf16, #tpu.memory_space<vmem>>, vector<128x114xbf16>
    %dot_general3A_256 = arith.constant dense<0.000000e+00> : vector<800x114xf32>
    %dot_general3A_257 = tpu.matmul %convert_element_type3A_5, %get3A_255, %dot_general3A_256 {dimension_numbers = #tpu.dot_dimension_numbers<[1], [0], [0], [1], [0, 0, 1, 1], [], []>, transpose_lhs_hint = false} : vector<800x128xbf16>, vector<128x114xbf16>, vector<800x114xf32> -> vector<800x114xf32>
    %add3A_258 = arith.addf %dot_general3A_252, %dot_general3A_257 : vector<800x114xf32>
    %get3A_259 = arith.constant 0 : index
    %get3A_260 = arith.constant 0 : index
    %get3A_261 = vector.load %arg27[%get3A_259, %get3A_260] : memref<100x114xbf16, #tpu.memory_space<vmem>>, vector<100x114xbf16>
    %dot_general3A_262 = arith.constant dense<0.000000e+00> : vector<800x114xf32>
    %dot_general3A_263 = tpu.matmul %convert_element_type3A_58, %get3A_261, %dot_general3A_262 {dimension_numbers = #tpu.dot_dimension_numbers<[1], [0], [0], [1], [0, 0, 1, 1], [], []>, transpose_lhs_hint = false} : vector<800x100xbf16>, vector<100x114xbf16>, vector<800x114xf32> -> vector<800x114xf32>
    %add3A_264 = arith.addf %add3A_258, %dot_general3A_263 : vector<800x114xf32>
    %get3A_265 = arith.constant 0 : index
    %get3A_266 = arith.constant 0 : index
    %get3A_267 = vector.load %arg28[%get3A_265, %get3A_266] : memref<100x114xf32, #tpu.memory_space<vmem>>, vector<100x114xf32>
    %dot_general3A_268 = arith.constant dense<0.000000e+00> : vector<800x114xf32>
    %dot_general3A_269 = tpu.matmul %add3A_95, %get3A_267, %dot_general3A_268 {dimension_numbers = #tpu.dot_dimension_numbers<[1], [0], [0], [1], [0, 0, 1, 1], [], []>, transpose_lhs_hint = false} : vector<800x100xf32>, vector<100x114xf32>, vector<800x114xf32> -> vector<800x114xf32>
    %add3A_270 = arith.addf %add3A_264, %dot_general3A_269 : vector<800x114xf32>
    %get3A_271 = arith.constant 0 : index
    %get3A_272 = arith.constant 0 : index
    %get3A_273 = vector.load %arg33[%get3A_271, %get3A_272] : memref<128x114xbf16, #tpu.memory_space<vmem>>, vector<128x114xbf16>
    %dot_general3A_274 = arith.constant dense<0.000000e+00> : vector<800x114xf32>
    %dot_general3A_275 = tpu.matmul %convert_element_type3A, %get3A_273, %dot_general3A_274 {dimension_numbers = #tpu.dot_dimension_numbers<[1], [0], [0], [1], [0, 0, 1, 1], [], []>, transpose_lhs_hint = false} : vector<800x128xbf16>, vector<128x114xbf16>, vector<800x114xf32> -> vector<800x114xf32>
    %get3A_276 = arith.constant 0 : index
    %get3A_277 = arith.constant 0 : index
    %get3A_278 = vector.load %arg34[%get3A_276, %get3A_277] : memref<128x114xbf16, #tpu.memory_space<vmem>>, vector<128x114xbf16>
    %dot_general3A_279 = arith.constant dense<0.000000e+00> : vector<800x114xf32>
    %dot_general3A_280 = tpu.matmul %convert_element_type3A_5, %get3A_278, %dot_general3A_279 {dimension_numbers = #tpu.dot_dimension_numbers<[1], [0], [0], [1], [0, 0, 1, 1], [], []>, transpose_lhs_hint = false} : vector<800x128xbf16>, vector<128x114xbf16>, vector<800x114xf32> -> vector<800x114xf32>
    %add3A_281 = arith.addf %dot_general3A_275, %dot_general3A_280 : vector<800x114xf32>
    %get3A_282 = arith.constant 0 : index
    %get3A_283 = arith.constant 0 : index
    %get3A_284 = vector.load %arg35[%get3A_282, %get3A_283] : memref<100x114xbf16, #tpu.memory_space<vmem>>, vector<100x114xbf16>
    %dot_general3A_285 = arith.constant dense<0.000000e+00> : vector<800x114xf32>
    %dot_general3A_286 = tpu.matmul %convert_element_type3A_58, %get3A_284, %dot_general3A_285 {dimension_numbers = #tpu.dot_dimension_numbers<[1], [0], [0], [1], [0, 0, 1, 1], [], []>, transpose_lhs_hint = false} : vector<800x100xbf16>, vector<100x114xbf16>, vector<800x114xf32> -> vector<800x114xf32>
    %add3A_287 = arith.addf %add3A_281, %dot_general3A_286 : vector<800x114xf32>
    %get3A_288 = arith.constant 0 : index
    %get3A_289 = arith.constant 0 : index
    %get3A_290 = vector.load %arg36[%get3A_288, %get3A_289] : memref<100x114xf32, #tpu.memory_space<vmem>>, vector<100x114xf32>
    %dot_general3A_291 = arith.constant dense<0.000000e+00> : vector<800x114xf32>
    %dot_general3A_292 = tpu.matmul %add3A_95, %get3A_290, %dot_general3A_291 {dimension_numbers = #tpu.dot_dimension_numbers<[1], [0], [0], [1], [0, 0, 1, 1], [], []>, transpose_lhs_hint = false} : vector<800x100xf32>, vector<100x114xf32>, vector<800x114xf32> -> vector<800x114xf32>
    %add3A_293 = arith.addf %add3A_287, %dot_general3A_292 : vector<800x114xf32>
    %dot_general3A_294 = arith.constant dense<0.000000e+00> : vector<40x800xf32>
    %dot_general3A_295 = tpu.matmul %add3A_247, %add3A_270, %dot_general3A_294 {dimension_numbers = #tpu.dot_dimension_numbers<[1], [1], [0], [0], [0, 0, 1, 0], [], []>, transpose_lhs_hint = false} : vector<40x114xf32>, vector<800x114xf32>, vector<40x800xf32> -> vector<40x800xf32>
    %mul3A_296 = arith.mulf %dot_general3A_295, %get3A_141 : vector<40x800xf32>
    %dot_general3A_297 = arith.constant dense<0.000000e+00> : vector<40x20xf32>
    %dot_general3A_298 = tpu.matmul %mul3A_296, %get3A_144, %dot_general3A_297 {dimension_numbers = #tpu.dot_dimension_numbers<[1], [0], [0], [1], [0, 0, 1, 1], [], []>, transpose_lhs_hint = false} : vector<40x800xf32>, vector<800x20xf32>, vector<40x20xf32> -> vector<40x20xf32>
    %mul3A_299 = arith.constant 0.0936585814 : f32
    %mul3A_300 = vector.broadcast %mul3A_299 : f32 to vector<40x20xf32>
    %mul3A_301 = arith.mulf %dot_general3A_298, %mul3A_300 : vector<40x20xf32>
    %jit3A_302 = arith.constant -1.000000e+09 : f32
    %broadcast_in_dim3A_303 = vector.broadcast %jit3A_302 : f32 to vector<40x20xf32>
    %select_n3A_304 = arith.select %eq3A_153, %broadcast_in_dim3A_303, %mul3A_301 : vector<40x20xi1>, vector<40x20xf32>
    %reduce_max3A_305 = arith.constant dense<0xFF800000> : vector<40xf32>
    %reduce_max3A_306 = vector.multi_reduction <maximumf>, %select_n3A_304, %reduce_max3A_305 [1] : vector<40x20xf32> to vector<40xf32>
    %broadcast_in_dim3A_307 = vector.shape_cast %reduce_max3A_306 : vector<40xf32> to vector<40x1xf32>
    %sub3A_308 = vector.broadcast %broadcast_in_dim3A_307 : vector<40x1xf32> to vector<40x20xf32>
    %sub3A_309 = arith.subf %select_n3A_304, %sub3A_308 : vector<40x20xf32>
    %exp3A_310 = math.exp %sub3A_309 : vector<40x20xf32>
    %reduce_sum3A_311 = arith.constant dense<0.000000e+00> : vector<40xf32>
    %reduce_sum3A_312 = vector.multi_reduction <add>, %exp3A_310, %reduce_sum3A_311 [1] : vector<40x20xf32> to vector<40xf32>
    %broadcast_in_dim3A_313 = vector.shape_cast %reduce_sum3A_312 : vector<40xf32> to vector<40x1xf32>
    %div3A_314 = vector.broadcast %broadcast_in_dim3A_313 : vector<40x1xf32> to vector<40x20xf32>
    %div3A_315 = arith.divf %exp3A_310, %div3A_314 : vector<40x20xf32>
    %dot_general3A_316 = arith.constant dense<0.000000e+00> : vector<40x800xf32>
    %dot_general3A_317 = tpu.matmul %div3A_315, %get3A_147, %dot_general3A_316 {dimension_numbers = #tpu.dot_dimension_numbers<[1], [0], [0], [1], [0, 0, 1, 1], [], []>, transpose_lhs_hint = false} : vector<40x20xf32>, vector<20x800xf32>, vector<40x800xf32> -> vector<40x800xf32>
    %mul3A_318 = arith.mulf %dot_general3A_317, %get3A_141 : vector<40x800xf32>
    %dot_general3A_319 = arith.constant dense<0.000000e+00> : vector<40x114xf32>
    %dot_general3A_320 = tpu.matmul %mul3A_318, %add3A_293, %dot_general3A_319 {dimension_numbers = #tpu.dot_dimension_numbers<[1], [0], [0], [1], [0, 0, 1, 1], [], []>, transpose_lhs_hint = false} : vector<40x800xf32>, vector<800x114xf32>, vector<40x114xf32> -> vector<40x114xf32>
    %get3A_321 = arith.constant 0 : index
    %get3A_322 = arith.constant 0 : index
    %get3A_323 = vector.load %arg37[%get3A_321, %get3A_322] : memref<114x128xf32, #tpu.memory_space<vmem>>, vector<114x128xf32>
    %dot_general3A_324 = arith.constant dense<0.000000e+00> : vector<40x128xf32>
    %dot_general3A_325 = tpu.matmul %dot_general3A_235, %get3A_323, %dot_general3A_324 {dimension_numbers = #tpu.dot_dimension_numbers<[1], [0], [0], [1], [0, 0, 1, 1], [], []>, transpose_lhs_hint = false} : vector<40x114xf32>, vector<114x128xf32>, vector<40x128xf32> -> vector<40x128xf32>
    %get3A_326 = arith.constant 0 : index
    %get3A_327 = arith.constant 0 : index
    %get3A_328 = vector.load %arg38[%get3A_326, %get3A_327] : memref<114x128xf32, #tpu.memory_space<vmem>>, vector<114x128xf32>
    %dot_general3A_329 = arith.constant dense<0.000000e+00> : vector<40x128xf32>
    %dot_general3A_330 = tpu.matmul %dot_general3A_320, %get3A_328, %dot_general3A_329 {dimension_numbers = #tpu.dot_dimension_numbers<[1], [0], [0], [1], [0, 0, 1, 1], [], []>, transpose_lhs_hint = false} : vector<40x114xf32>, vector<114x128xf32>, vector<40x128xf32> -> vector<40x128xf32>
    %add3A_331 = arith.addf %dot_general3A_325, %dot_general3A_330 : vector<40x128xf32>
    %add3A_332 = arith.addf %add3A_331, %get3A_8 : vector<40x128xf32>
    %swap3A = arith.constant 0 : index
    %swap3A_333 = arith.constant 0 : index
    %swap3A_334 = vector.load %arg39[%swap3A, %swap3A_333] : memref<40x128xf32, #tpu.memory_space<vmem>>, vector<40x128xf32>
    tpu.vector_store %arg39[%swap3A, %swap3A_333], %add3A_332 {strides = array<i32>} : memref<40x128xf32, #tpu.memory_space<vmem>>, vector<40x128xf32>,
    return
  }
  func.func @transform_0(%arg0: i32) -> (i32, i32) {
    %c0_i32 = arith.constant 0 : i32
    %c0_i32_0 = arith.constant 0 : i32
    return %arg0, %c0_i32 : i32, i32
  }
  func.func @transform_1(%arg0: i32) -> (i32, i32) {
    %c0_i32 = arith.constant 0 : i32
    %c0_i32_0 = arith.constant 0 : i32
    return %arg0, %c0_i32 : i32, i32
  }
  func.func @transform_2(%arg0: i32) -> (i32, i32) {
    %c0_i32 = arith.constant 0 : i32
    %c0_i32_0 = arith.constant 0 : i32
    return %arg0, %c0_i32 : i32, i32
  }
  func.func @transform_3(%arg0: i32) -> (i32, i32) {
    %c0_i32 = arith.constant 0 : i32
    %c0_i32_0 = arith.constant 0 : i32
    return %arg0, %c0_i32 : i32, i32
  }
  func.func @transform_4(%arg0: i32) -> (i32, i32) {
    %c0_i32 = arith.constant 0 : i32
    %c0_i32_0 = arith.constant 0 : i32
    return %arg0, %c0_i32 : i32, i32
  }
  func.func @transform_5(%arg0: i32) -> (i32, i32) {
    %c0_i32 = arith.constant 0 : i32
    %c0_i32_0 = arith.constant 0 : i32
    return %arg0, %c0_i32 : i32, i32
  }
  func.func @transform_6(%arg0: i32) -> (i32, i32) {
    %c0_i32 = arith.constant 0 : i32
    %c0_i32_0 = arith.constant 0 : i32
    return %arg0, %c0_i32 : i32, i32
  }
  func.func @transform_7(%arg0: i32) -> (i32, i32) {
    %c0_i32 = arith.constant 0 : i32
    %c0_i32_0 = arith.constant 0 : i32
    %c0_i32_1 = arith.constant 0 : i32
    return %c0_i32, %c0_i32_0 : i32, i32
  }
  func.func @transform_8(%arg0: i32) -> (i32, i32) {
    %c0_i32 = arith.constant 0 : i32
    %c0_i32_0 = arith.constant 0 : i32
    %c0_i32_1 = arith.constant 0 : i32
    return %c0_i32, %c0_i32_0 : i32, i32
  }
  func.func @transform_9(%arg0: i32) -> (i32, i32) {
    %c0_i32 = arith.constant 0 : i32
    %c0_i32_0 = arith.constant 0 : i32
    %c0_i32_1 = arith.constant 0 : i32
    return %c0_i32, %c0_i32_0 : i32, i32
  }
  func.func @transform_10(%arg0: i32) -> (i32, i32) {
    %c0_i32 = arith.constant 0 : i32
    %c0_i32_0 = arith.constant 0 : i32
    %c0_i32_1 = arith.constant 0 : i32
    return %c0_i32, %c0_i32_0 : i32, i32
  }
  func.func @transform_11(%arg0: i32) -> (i32, i32) {
    %c0_i32 = arith.constant 0 : i32
    %c0_i32_0 = arith.constant 0 : i32
    %c0_i32_1 = arith.constant 0 : i32
    return %c0_i32, %c0_i32_0 : i32, i32
  }
  func.func @transform_12(%arg0: i32) -> (i32, i32) {
    %c0_i32 = arith.constant 0 : i32
    %c0_i32_0 = arith.constant 0 : i32
    %c0_i32_1 = arith.constant 0 : i32
    return %c0_i32, %c0_i32_0 : i32, i32
  }
  func.func @transform_13(%arg0: i32) -> (i32, i32) {
    %c0_i32 = arith.constant 0 : i32
    %c0_i32_0 = arith.constant 0 : i32
    %c0_i32_1 = arith.constant 0 : i32
    return %c0_i32, %c0_i32_0 : i32, i32
  }
  func.func @transform_14(%arg0: i32) -> (i32, i32) {
    %c0_i32 = arith.constant 0 : i32
    %c0_i32_0 = arith.constant 0 : i32
    %c0_i32_1 = arith.constant 0 : i32
    return %c0_i32, %c0_i32_0 : i32, i32
  }
  func.func @transform_15(%arg0: i32) -> (i32, i32) {
    %c0_i32 = arith.constant 0 : i32
    %c0_i32_0 = arith.constant 0 : i32
    %c0_i32_1 = arith.constant 0 : i32
    return %c0_i32, %c0_i32_0 : i32, i32
  }
  func.func @transform_16(%arg0: i32) -> (i32, i32) {
    %c0_i32 = arith.constant 0 : i32
    %c0_i32_0 = arith.constant 0 : i32
    %c0_i32_1 = arith.constant 0 : i32
    return %c0_i32, %c0_i32_0 : i32, i32
  }
  func.func @transform_17(%arg0: i32) -> (i32, i32) {
    %c0_i32 = arith.constant 0 : i32
    %c0_i32_0 = arith.constant 0 : i32
    %c0_i32_1 = arith.constant 0 : i32
    return %c0_i32, %c0_i32_0 : i32, i32
  }
  func.func @transform_18(%arg0: i32) -> (i32, i32) {
    %c0_i32 = arith.constant 0 : i32
    %c0_i32_0 = arith.constant 0 : i32
    %c0_i32_1 = arith.constant 0 : i32
    return %c0_i32, %c0_i32_0 : i32, i32
  }
  func.func @transform_19(%arg0: i32) -> (i32, i32) {
    %c0_i32 = arith.constant 0 : i32
    %c0_i32_0 = arith.constant 0 : i32
    %c0_i32_1 = arith.constant 0 : i32
    return %c0_i32, %c0_i32_0 : i32, i32
  }
  func.func @transform_20(%arg0: i32) -> (i32, i32) {
    %c0_i32 = arith.constant 0 : i32
    %c0_i32_0 = arith.constant 0 : i32
    %c0_i32_1 = arith.constant 0 : i32
    return %c0_i32, %c0_i32_0 : i32, i32
  }
  func.func @transform_21(%arg0: i32) -> (i32, i32) {
    %c0_i32 = arith.constant 0 : i32
    %c0_i32_0 = arith.constant 0 : i32
    %c0_i32_1 = arith.constant 0 : i32
    return %c0_i32, %c0_i32_0 : i32, i32
  }
  func.func @transform_22(%arg0: i32) -> (i32, i32) {
    %c0_i32 = arith.constant 0 : i32
    %c0_i32_0 = arith.constant 0 : i32
    %c0_i32_1 = arith.constant 0 : i32
    return %c0_i32, %c0_i32_0 : i32, i32
  }
  func.func @transform_23(%arg0: i32) -> (i32, i32) {
    %c0_i32 = arith.constant 0 : i32
    %c0_i32_0 = arith.constant 0 : i32
    %c0_i32_1 = arith.constant 0 : i32
    return %c0_i32, %c0_i32_0 : i32, i32
  }
  func.func @transform_24(%arg0: i32) -> (i32, i32) {
    %c0_i32 = arith.constant 0 : i32
    %c0_i32_0 = arith.constant 0 : i32
    %c0_i32_1 = arith.constant 0 : i32
    return %c0_i32, %c0_i32_0 : i32, i32
  }
  func.func @transform_25(%arg0: i32) -> (i32, i32) {
    %c0_i32 = arith.constant 0 : i32
    %c0_i32_0 = arith.constant 0 : i32
    %c0_i32_1 = arith.constant 0 : i32
    return %c0_i32, %c0_i32_0 : i32, i32
  }
  func.func @transform_26(%arg0: i32) -> (i32, i32) {
    %c0_i32 = arith.constant 0 : i32
    %c0_i32_0 = arith.constant 0 : i32
    %c0_i32_1 = arith.constant 0 : i32
    return %c0_i32, %c0_i32_0 : i32, i32
  }
  func.func @transform_27(%arg0: i32) -> (i32, i32) {
    %c0_i32 = arith.constant 0 : i32
    %c0_i32_0 = arith.constant 0 : i32
    %c0_i32_1 = arith.constant 0 : i32
    return %c0_i32, %c0_i32_0 : i32, i32
  }
  func.func @transform_28(%arg0: i32) -> (i32, i32) {
    %c0_i32 = arith.constant 0 : i32
    %c0_i32_0 = arith.constant 0 : i32
    %c0_i32_1 = arith.constant 0 : i32
    return %c0_i32, %c0_i32_0 : i32, i32
  }
  func.func @transform_29(%arg0: i32) -> (i32, i32) {
    %c0_i32 = arith.constant 0 : i32
    %c0_i32_0 = arith.constant 0 : i32
    %c0_i32_1 = arith.constant 0 : i32
    return %c0_i32, %c0_i32_0 : i32, i32
  }
  func.func @transform_30(%arg0: i32) -> (i32, i32) {
    %c0_i32 = arith.constant 0 : i32
    %c0_i32_0 = arith.constant 0 : i32
    %c0_i32_1 = arith.constant 0 : i32
    return %c0_i32, %c0_i32_0 : i32, i32
  }
  func.func @transform_31(%arg0: i32) -> (i32, i32) {
    %c0_i32 = arith.constant 0 : i32
    %c0_i32_0 = arith.constant 0 : i32
    %c0_i32_1 = arith.constant 0 : i32
    return %c0_i32, %c0_i32_0 : i32, i32
  }
  func.func @transform_32(%arg0: i32) -> (i32, i32) {
    %c0_i32 = arith.constant 0 : i32
    %c0_i32_0 = arith.constant 0 : i32
    %c0_i32_1 = arith.constant 0 : i32
    return %c0_i32, %c0_i32_0 : i32, i32
  }
  func.func @transform_33(%arg0: i32) -> (i32, i32) {
    %c0_i32 = arith.constant 0 : i32
    %c0_i32_0 = arith.constant 0 : i32
    %c0_i32_1 = arith.constant 0 : i32
    return %c0_i32, %c0_i32_0 : i32, i32
  }
  func.func @transform_34(%arg0: i32) -> (i32, i32) {
    %c0_i32 = arith.constant 0 : i32
    %c0_i32_0 = arith.constant 0 : i32
    %c0_i32_1 = arith.constant 0 : i32
    return %c0_i32, %c0_i32_0 : i32, i32
  }
  func.func @transform_35(%arg0: i32) -> (i32, i32) {
    %c0_i32 = arith.constant 0 : i32
    %c0_i32_0 = arith.constant 0 : i32
    %c0_i32_1 = arith.constant 0 : i32
    return %c0_i32, %c0_i32_0 : i32, i32
  }
  func.func @transform_36(%arg0: i32) -> (i32, i32) {
    %c0_i32 = arith.constant 0 : i32
    %c0_i32_0 = arith.constant 0 : i32
    %c0_i32_1 = arith.constant 0 : i32
    return %c0_i32, %c0_i32_0 : i32, i32
  }
  func.func @transform_37(%arg0: i32) -> (i32, i32) {
    %c0_i32 = arith.constant 0 : i32
    %c0_i32_0 = arith.constant 0 : i32
    %c0_i32_1 = arith.constant 0 : i32
    return %c0_i32, %c0_i32_0 : i32, i32
  }
  func.func @transform_38(%arg0: i32) -> (i32, i32) {
    %c0_i32 = arith.constant 0 : i32
    %c0_i32_0 = arith.constant 0 : i32
    return %arg0, %c0_i32 : i32, i32
  }
}

</mosaic_0001>

<sc_bundles>
// kernel: kernel.6.cloned.1.call-start
scs
__scs_entry_jumppad:
0x0: {  	(pc) =	sbr.rel $0x88, $3  }
0x1: {  	(tag) =	ssettag $0x0;
	lr =	simm.s32 $0x1  }
0x2: {  	[smem:$0x3F8E] =	sst lr;
	_ =	strace $0xD0000000  }
0x3: {  	_ = 	snop  }
0x4: {  	_ = 	snop  }
0x5: {  	_ = 	snop  }
0x6: {  	_ = 	snop  }
0x7: {  	_ = 	snop  }
__scs_overlays_trampoline_lowered:
0x8: {  	[smem:$0x3F9D] =	sst s0  }
0x9: {  	[smem:$0x3F9E] =	sst s1  }
0xa: {  	[smem:$0x3F9F] =	sst s2  }
0xb: {  	[smem:$0x3FA0] =	sst s3  }
0xc: {  	[smem:$0x3FA1] =	sst s4  }
0xd: {  	[smem:$0x3FA2] =	sst s5  }
0xe: {  	[smem:$0x3FA3] =	sst s6  }
0xf: {  	[smem:$0x3FA4] =	sst s7  }
0x10: {  	[smem:$0x3FA5] =	sst s8  }
0x11: {  	[smem:$0x3FA6] =	sst s9;
	s0 =	simm.s32 @!p0 $0x0  }
0x12: {  	s1 =	sld [smem:$0x3F8C];
	s0 =	simm.s32 @p0 $0x1  }
0x13: {  	[smem:$0x3FA7] =	sst s0;
	s0 =	simm.s32 @!p1 $0x0  }
0x14: {  	s2 =	sld [smem:$0x3F8B];
	s0 =	simm.s32 @p1 $0x1  }
0x15: {  	[smem:$0x3FA8] =	sst s0;
	s0 =	simm.s32 @!p2 $0x0  }
0x16: {  	s3 =	sld [smem:$0x3FDB];
	s0 =	simm.s32 @p2 $0x1  }
0x17: {  	s4 =	simm.s32 $0x1BF5;
	[smem:$0x3FAA] =	sst s0  }
0x18: {  	s0 =	sld [smem:$0x3F8D];
	_ =	swait.ge [sflag:s4], $0x0  }
0x19: {  	s7 =	sld [smem:$0x3F8E]  }
0x1a: {  	s8 =	sadd.s32 $0xFFFFE003, lr  }
0x1b: {  	s9 =	sadd.s32 $0xFFFFFEF7, lr;
	s5 =	simm.s32 $0xFFFFFFFF;
	p2 =	slt.u32 s8, $0xFFFFF086  }
0x1c: {  	p1 =	slt.u32 s9, $0xF7A;
	s5 =	simm.s32 @!p2 $0x0  }
0x1d: {  	s5 =	simm.s32 @p1 $0x1;
	p0 =	seq.s32 s7, s2  }
0x1e: {  	s7 =	smul.u32 @!p0 $0xF7A, s2;
	p2 =	seq.s32 @!p0 s5, $0x0  }
0x1f: {  	s9 =	smul.u32 $0xF7A, s1;
	s8 =	simm.s32 @!p0 $0x1BF5;
	p2 =	por !p2, p0  }
0x20: {  	[sflag:s8] =	ssyncset.s32 @!p0 $0xFFFFF086;
	s6 =	sadd.s32 @!p0 s3, s7;
	s7 =	simm.s32 @!p0 $0x108  }
0x21: {  	s3 =	sadd.s32 s3, s9;
	s6 =	sadd.s32 @!p0 $0x88, s6;
	s7 =	simm.s32 @p2 $0x1082  }
0x22: {  	[simem:s7], [sflag:s8] =	dma.local @!p0 [hbm:s6], $0xF7A  }
0x23: {  	s9 =	sor.u32 $0xD0000000, s2;
	s6 =	simm.s32 $0x108;
	_ =	swait.ge @!p0 [sflag:s8], $0x0  }
0x24: {  	s3 =	sadd.s32 $0x88, s3;
	s6 =	simm.s32 @!p1 $0x1082;
	[sflag:s4] =	ssyncset.s32 $0xFFFFF086  }
0x25: {  	[simem:s6], [sflag:s4] =	dma.local [hbm:s3], $0xF7A  }
0x26: {  	[smem:$0x3F8E] =	sst s1;
	(tag) =	ssettag s2;
	_ =	strace s9  }
0x27: {  	s1 =	sld [smem:$0x3F9E]  }
0x28: {  	s2 =	sld [smem:$0x3F9F]  }
0x29: {  	s4 =	sld [smem:$0x3FA1]  }
0x2a: {  	p0 =	seq.s32 s5, $0x0;
	s5 =	sld [smem:$0x3FA2]  }
0x2b: {  	s6 =	sld [smem:$0x3FA3]  }
0x2c: {  	s7 =	sld [smem:$0x3FA4]  }
0x2d: {  	s3 =	simm.s32 $0x108;
	s8 =	sld [smem:$0x3FA5]  }
0x2e: {  	s3 =	simm.s32 @!p0 $0x1082;
	s9 =	sld [smem:$0x3FA6]  }
0x2f: {  	lr =	sadd.s32 s0, s3;
	s0 =	sld [smem:$0x3F9D]  }
0x30: {  	s3 =	sld [smem:$0x3FA0]  }
0x31: {  	[smem:$0x3FA9] =	sst s10  }
0x32: {  	s10 =	sld [smem:$0x3FA7];
	_ =	sdelay $0x3  }
0x33: {  	p0 =	seq.s32 s10, $0x1;
	s10 =	sld [smem:$0x3FA9];
	_ =	sdelay $0x3  }
0x34: {  	[smem:$0x3FA9] =	sst s10  }
0x35: {  	s10 =	sld [smem:$0x3FA8];
	_ =	sdelay $0x3  }
0x36: {  	p1 =	seq.s32 s10, $0x1;
	s10 =	sld [smem:$0x3FA9];
	_ =	sdelay $0x3  }
0x37: {  	[smem:$0x3FA9] =	sst s10  }
0x38: {  	s10 =	sld [smem:$0x3FAA]  }
0x39: {  	_ = 	snop;
	(pc) =	sbr.ind lr, $3  }
0x3a: {  	_ = 	snop  }
0x3b: {  	_ = 	snop  }
0x3c: {  	p2 =	seq.s32 s10, $0x1;
	s10 =	sld [smem:$0x3FA9]  }
0x3d: {  	_ =	shalt  }
0x3e: {  	_ =	shalt  }
0x3f: {  	_ =	shalt  }
0x40: {  	_ =	shalt  }
0x41: {  	_ =	shalt  }
0x42: {  	_ =	shalt  }
0x43: {  	_ =	shalt  }
0x44: {  	_ =	shalt  }
0x45: {  	_ =	shalt  }
0x46: {  	_ =	shalt  }
0x47: {  	_ =	shalt  }
0x48: {  	_ =	shalt  }
0x49: {  	_ =	shalt  }
0x4a: {  	_ =	shalt  }
0x4b: {  	_ =	shalt  }
0x4c: {  	_ =	shalt  }
0x4d: {  	_ =	shalt  }
0x4e: {  	_ =	shalt  }
0x4f: {  	_ =	shalt  }
0x50: {  	_ =	shalt  }
0x51: {  	_ =	shalt  }
0x52: {  	_ =	shalt  }
0x53: {  	_ =	shalt  }
0x54: {  	_ =	shalt  }
0x55: {  	_ =	shalt  }
0x56: {  	_ =	shalt  }
0x57: {  	_ =	shalt  }
0x58: {  	_ =	shalt  }
0x59: {  	_ =	shalt  }
0x5a: {  	_ =	shalt  }
0x5b: {  	_ =	shalt  }
0x5c: {  	_ =	shalt  }
0x5d: {  	_ =	shalt  }
0x5e: {  	_ =	shalt  }
0x5f: {  	_ =	shalt  }
0x60: {  	_ =	shalt  }
0x61: {  	_ =	shalt  }
0x62: {  	_ =	shalt  }
0x63: {  	_ =	shalt  }
0x64: {  	_ =	shalt  }
0x65: {  	_ =	shalt  }
0x66: {  	_ =	shalt  }
0x67: {  	_ =	shalt  }
0x68: {  	_ =	shalt  }
0x69: {  	_ =	shalt  }
0x6a: {  	_ =	shalt  }
0x6b: {  	_ =	shalt  }
0x6c: {  	_ =	shalt  }
0x6d: {  	_ =	shalt  }
0x6e: {  	_ =	shalt  }
0x6f: {  	_ =	shalt  }
0x70: {  	_ =	shalt  }
0x71: {  	_ =	shalt  }
0x72: {  	_ =	shalt  }
0x73: {  	_ =	shalt  }
0x74: {  	_ =	shalt  }
0x75: {  	_ =	shalt  }
0x76: {  	_ =	shalt  }
0x77: {  	_ =	shalt  }
0x78: {  	_ =	shalt  }
0x79: {  	_ =	shalt  }
0x7a: {  	_ =	shalt  }
0x7b: {  	_ =	shalt  }
0x7c: {  	_ =	shalt  }
0x7d: {  	_ =	shalt  }
0x7e: {  	_ =	shalt  }
0x7f: {  	_ =	shalt  }
0x80: {  	_ =	shalt  }
0x81: {  	_ =	shalt  }
0x82: {  	_ =	shalt  }
0x83: {  	_ =	shalt  }
0x84: {  	_ =	shalt  }
0x85: {  	_ =	shalt  }
0x86: {  	_ =	shalt  }
0x87: {  	_ =	shalt  }
.Lfunc_end0:
.L_simem_size_0:
called_computation_lowered:
.L_overlay_start_0:
0x88: {  	s2 =	sld [smem:$0x3FD9]  }
0x89: {  	s3 =	sld [smem:$0x3FFE];
	_ =	sdelay $0x1  }
0x8a: {  	s1 =	srdreg.scid  }
0x8b: {  	s0 =	sand.u32 $0x1, s1  }
0x8c: {  	s17 =	sshll.u32 s0, $0xA;
	s2 =	sadd.s32 s3, s2  }
0x8d: {  	s2 =	sadd.s32 s2, s17  }
0x8e: {  	[smem:$0x3FB5] =	sst s2  }
0x8f: {  	_ = 	snop  }
0x90: {  	s2 =	sld [smem:$0x3FC2]  }
0x91: {  	s18 =	sld [smem:$0x3FC1];
	(tm) =	ssettm $0x1  }
0x92: {  	s4 =	sld [smem:$0x3FFB];
	_ =	sdelay $0x3  }
0x93: {  	_ =	strace s4  }
0x94: {  	s4 =	sld [smem:$0x3FFC];
	_ =	sdelay $0x3  }
0x95: {  	_ =	strace s4  }
0x96: {  	s4 =	sld [smem:$0x3FFD];
	_ =	sdelay $0x3  }
0x97: {  	_ =	strace s4  }
0x98: {  	_ =	strace $0x8FFFFFFF  }
0x99: {  	s19 =	sld [smem:$0x3FDB];
	_ =	sdelay $0x1  }
0x9a: {  	s5 =	simm.s32 $_scs_section_size  }
0x9b: {  	s6 =	simm.s32 $_size__tile_overlayer_lowered;
	s7 =	simm.s32 $_tile_overlayer_lowered  }
0x9c: {  	s22 =	simm.s32 $0x1BFF;
	s21 =	sshll.u32 s7, $0x1;
	s4 =	sadd.s32 s5, s19  }
0x9d: {  	s8 =	simm.s32 $0x0;
	s20 =	sshll.u32 s6, $0x1;
	s6 =	sadd.s32 s21, s4  }
0x9e: {  	[timem:s8], [sflag:s22] =	dma.local [hbm:s6], s20  }
0x9f: {  	_ =	swait.ge [sflag:s22], s20  }
0xa0: {  	s5 =	ssub.s32 $0x0, s20;
	[sflag:s22] =	ssyncset.done $0x0  }
0xa1: {  	[sflag:s22] =	ssyncadd.s32 s5;
	_ =	sdelay $0x1  }
0xa2: {  	s23 =	simm.s32 $0x1B8B  }
0xa3: {  	_ =	swait.ge [sflag:s23], $0x1  }
0xa4: {  	[sflag:s23] =	ssyncset.done $0x0  }
0xa5: {  	s25 =	simm.s32 $0x1B8E;
	s24 =	sld [smem:$0x3FFE];
	[sflag:s23] =	ssyncadd.s32 $0xFFFFFFFF  }
0xa6: {  	s26 =	simm.s32 $execute0_lowered;
	[smem:$0x3FD2] =	sst s25  }
0xa7: {  	s6 =	sshll.u32 s26, $0x1;
	_ =	strace $0x80000046;
	[dreg:$0x1] =	wrdreg $0xFFFFFFFF  }
0xa8: {  	s28 =	simm.s32 $_size_execute0_lowered;
	s4 =	sadd.s32 s4, s6;
	[dreg:$0x0] =	wrdreg $0x0  }
0xa9: {  	s6 =	sshll.u32 s28, $0x1;
	[dreg:$0x2] =	wrdreg s4  }
0xaa: {  	[dreg:$0x3] =	wrdreg s6  }
0xab: {  	[dreg:$0x4] =	wrdreg $0xC0  }
0xac: {  	_ =	task [dreg:s8], $0x5FFFF  }
0xad: {  	[dreg:$0x1] =	wrdreg $0xFFFFFFFF  }
0xae: {  	[dreg:$0x0] =	wrdreg $0x60  }
0xaf: {  	[dreg:$0x2] =	wrdreg s2  }
0xb0: {  	[dreg:$0x3] =	wrdreg s18  }
0xb1: {  	[dreg:$0x4] =	wrdreg s24  }
0xb2: {  	[dreg:$0x5] =	wrdreg $0x9  }
0xb3: {  	_ =	task.clear_ibuf [dreg:s8], $0x6FFFF;
	_ =	strace $0x90000046  }
0xb4: {  	s29 =	simm.s32 $0x9;
	_ =	strace $0x80000048  }
0xb5: {  	_ =	swait.ge [sflag:s29], $0x1  }
0xb6: {  	[sflag:s29] =	ssyncadd.s32 $0xFFFFFFFF  }
0xb7: {  	_ =	strace $0x90000048  }
0xb8: {  	_ =	sfence  }
0xb9: {  	s30 =	sld [smem:$0x0];
	_ =	sdelay $0x2  }
0xba: {  	s31 =	sshll.u32 s1, $0xD;
	s1 =	sshrl.u32 s1, $0x2  }
0xbb: {  	s3 =	sand.u32 $0x4000, s31;
	s1 =	sadd.s32 s1, s30  }
0xbc: {  	s0 =	sor.u32 s3, s0;
	s1 =	sshll.u32 s1, $0x11  }
0xbd: {  	s0 =	sor.u32 s1, s0  }
0xbe: {  	s0 =	sadd.s32 $0x8F2B, s0  }
0xbf: {  	[sflag:s0] =	ssyncadd.remote.s32 $0x1  }
0xc0: {  	_ =	sfence.sel $0xFFFF  }
0xc1: {  	[dreg:$0x0] =	wrdreg $0xFFFFFFFF;
	(pc) =	sbr.abs _section_cstart, $3  }
0xc2: {  	[dreg:$0x1] =	wrdreg $0xFFFFFFFF  }
0xc3: {  	_ =	task.clear_ibuf [dreg:s8], $0x2FFFF;
	_ =	strace $0x9FFFFFFF  }
0xc4: {  	(tm) =	ssettm $0x7FFFFFFF  }
0xc5: {  	_ =	shalt  }
tec
execute0_lowered:
.L_overlay_start_1:
0x0: {  	(tag) =	ssettag $0x1  }
0x1: {  	s1 =	rddreg [dreg:$0x0]  }
0x2: {  	s3 =	rddreg [dreg:$0x1];
	s0 =	srdreg.scid  }
0x3: {  	s13 =	stileid.u32;
	s2 =	rddreg [dreg:$0x2]  }
0x4: {  	s4 =	simm.s32 $0x0;
	s28 =	simm.s32 $0x9;
	s9 =	smul.u32 $0x19000, s13  }
0x5: {  	s29 =	simm.s32 $0xA0;
	s0 =	sand.u32 $0x1, s0;
	s23 =	smul.u32 $0x1900, s13  }
0x6: {  	s30 =	simm.s32 $0x400;
	s5 =	sshll.u32 s13, $0x1;
	s15 =	smul.u32 $0xC80, s0  }
0x7: {  	s7 =	sor.u32 s0, s5;
	s11 =	ssub.s32 $0x2, s0;
	s0 =	smul.u32 $0xC800, s0  }
0x8: {  	s31 =	simm.s32 $0x100;
	[smem:$0x7FF] =	sst s4;
	s8 =	smul.u32 $0x14, s7  }
0x9: {  	s6 =	sadd.s32 $0x20400, s2;
	_ =	strace $0x80000047;
	s10 =	smul.u32 $0xC80, s7  }
0xa: {  	s5 =	sadd.s32 $0x1D200, s2;
	s7 =	smul.u32 $0xA00, s7;
	s12 =	sshrl.u32 s11, $0x1  }
0xb: {  	s9 =	sadd.s32 s9, s2;
	s19 =	ssub.s32 s11, s12;
	s13 =	sadd.s32 s15, s23  }
0xc: {  	s0 =	sadd.s32 s0, s9;
	s9 =	simm.s32 $0xF400;
	s10 =	sshrl.u32 s10, $0x3  }
0xd: {  	s8 =	sadd.s32 s8, s2;
	s17 =	smax.u32 s19, $0x1;
	s20 =	sadd.s32 $0x14, s10  }
0xe: {  	s21 =	sadd.s32 s5, s10;
	s24 =	sadd.s32 $0x28, s10;
	[dreg:$0xe] =	wrdreg s17  }
0xf: {  	s14 =	sadd.s32 $0x3C, s10;
	s10 =	sadd.s32 s6, s10;
	[dreg:$0x4] =	wrdreg s21  }
0x10: {  	s2 =	sadd.s32 s7, s2;
	s8 =	sadd.s32 $0x23600, s8;
	[dreg:$0x8] =	wrdreg s10  }
0x11: {  	s12 =	simm.s32 $0x3;
	s2 =	sadd.s32 $0x23A00, s2;
	[dreg:$0xc] =	wrdreg s8  }
0x12: {  	s19 =	sadd.s32 $0x3C0, s13;
	s22 =	sadd.s32 s5, s20;
	[dreg:$0xd] =	wrdreg s2  }
0x13: {  	s7 =	sshrl.u32 s19, $0x3;
	s16 =	sadd.s32 s5, s24;
	[dreg:$0x5] =	wrdreg s22  }
0x14: {  	s17 =	simm.s32 $0x8;
	s25 =	sadd.s32 s5, s14;
	[dreg:$0x6] =	wrdreg s16  }
0x15: {  	s19 =	simm.s32 $0x0;
	s26 =	sadd.s32 s6, s20;
	[dreg:$0x7] =	wrdreg s25  }
0x16: {  	s11 =	sadd.s32 s6, s24;
	s15 =	sadd.s32 s6, s14;
	[dreg:$0x9] =	wrdreg s26  }
0x17: {  	s20 =	sadd.s32 $0x320, s13;
	s24 =	sadd.s32 $0x280, s13;
	[dreg:$0xa] =	wrdreg s11  }
0x18: {  	s10 =	simm.s32 $0x1;
	s14 =	simm.s32 $0x5;
	[dreg:$0xb] =	wrdreg s15  }
0x19: {  	s16 =	sadd.s32 $0x460, s13;
	s8 =	sshrl.u32 s20, $0x3;
	s22 =	sadd.s32 s7, s5  }
0x1a: {  	[dreg:$0x12] =	wrdreg s24;
	s25 =	sadd.s32 s7, s6;
	s7 =	simm.s32 $0xA400  }
0x1b: {  	s11 =	simm.s32 $0x2;
	s13 =	simm.s32 $0x4;
	s15 =	simm.s32 $0x6  }
0x1c: {  	s18 =	sshrl.u32 s16, $0x3;
	[dreg:$0x10] =	wrdreg s22;
	s23 =	sadd.s32 s8, s5  }
.Ltmp0:
0x1d: {  	[dreg:$0x14] =	wrdreg s25;
	s26 =	sadd.s32 s8, s6;
	(pc) =	sbr.rel .LBB2_1-.Ltmp0, $4  }
0x1e: {  	s25 =	sadd.s32 $0x37A00, s0;
	s8 =	simm.s32 $0x300;
	[dreg:$0x11] =	wrdreg s23  }
0x1f: {  	s16 =	simm.s32 $0x7;
	s21 =	sadd.s32 s18, s5;
	[dreg:$0x15] =	wrdreg s26  }
0x20: {  	s2 =	sadd.s32 s18, s6;
	s26 =	sadd.s32 $0x1C7A00, s0;
	[dreg:$0xf] =	wrdreg s21  }
0x21: {  	s0 =	simm.s32 $0x200;
	[dreg:$0x13] =	wrdreg s2;
	s2 =	simm.s32 $0x5400  }
.LBB2_7:
0x22: {  	_ =	swait.ge [sflag:s15], $0x5000  }
0x23: {  	[sflag:s15] =	ssyncset.done $0x0  }
0x24: {  	[sflag:s15] =	ssyncadd.s32 $0xFFFFB000  }
0x25: {  	_ =	swait.ge [sflag:s16], $0x5000  }
0x26: {  	[sflag:s16] =	ssyncset.done $0x0  }
0x27: {  	[sflag:s16] =	ssyncadd.s32 $0xFFFFB000  }
0x28: {  	_ =	swait.ge [sflag:s17], $0x5000  }
0x29: {  	[sflag:s17] =	ssyncset.done $0x0  }
0x2a: {  	s18 =	rddreg [dreg:$0xc];
	[sflag:s17] =	ssyncadd.s32 $0xFFFFB000  }
0x2b: {  	[tilespmem:s4], [sflag:$0x9] =	stream.linear.gather [hbm4b:s18+s4], $0xA0, $0x38;
	[tilespmem:$0x14400] =	vst v63  }
0x2c: {  	_ =	swait.ge [sflag:s28], $0xA0  }
0x2d: {  	[sflag:s28] =	ssyncset.done $0x0  }
0x2e: {  	[sflag:s28] =	ssyncadd.s32 $0xFFFFFF60  }
0x2f: {  	[tilespmem:s30], [sflag:$0x1] =	stream.indirect.gather [hbm4b:s1+s29], $0x80, s4, s29, $0xb8;
	[tilespmem:$0x14400] =	vst v63  }
0x30: {  	_ =	swait.ge [sflag:s10], $0x5000  }
0x31: {  	[sflag:s10] =	ssyncset.done $0x0  }
0x32: {  	s23 =	rddreg [dreg:$0xd];
	[sflag:s10] =	ssyncadd.s32 $0xFFFFB000  }
0x33: {  	[hbm4b:s23+s4] =	stream.linear.scatter [tilespmem:s30], [sflag:$0x9], $0x5000, $0x38;
	[tilespmem:$0x14400] =	vst v63  }
0x34: {  	_ =	swait.ge [sflag:s28], $0x5000  }
0x35: {  	s19 =	rddreg [dreg:$0x16]  }
0x36: {  	s24 =	rddreg [dreg:$0xe];
	s19 =	sadd.s32 $0x1, s19  }
0x37: {  	p0 =	sne.s32 s19, s24  }
.Ltmp1:
0x38: {  	_ = 	snop;
	(pc) =	sbr.rel @!p0 .LBB2_8-.Ltmp1, $3  }
0x39: {  	_ =	sdelay $0x1  }
0x3a: {  	[sflag:s28] =	ssyncset.done $0x0  }
0x3b: {  	[sflag:s28] =	ssyncadd.s32 $0xFFFFB000  }
.LBB2_1:
0x3c: {  	[dreg:$0x16] =	wrdreg s19  }
0x3d: {  	s18 =	rddreg [dreg:$0x4]  }
0x3e: {  	[tilespmem:s4], [sflag:$0x9] =	stream.linear.gather [hbm4b:s18+s4], $0xA0, $0x38;
	[tilespmem:$0x14400] =	vst v63  }
0x3f: {  	_ =	swait.ge [sflag:s28], $0xA0  }
0x40: {  	[sflag:s28] =	ssyncset.done $0x0  }
0x41: {  	[sflag:s28] =	ssyncadd.s32 $0xFFFFFF60  }
0x42: {  	[tilespmem:s30], [sflag:$0x1] =	stream.indirect.gather [hbm4b:s1+s29], $0x80, s4, s29, $0xb8;
	[tilespmem:$0x14400] =	vst v63  }
0x43: {  	s22 =	rddreg [dreg:$0x5]  }
0x44: {  	[tilespmem:s31], [sflag:$0x9] =	stream.linear.gather [hbm4b:s22+s4], $0xA0, $0x38;
	[tilespmem:$0x14400] =	vst v63  }
0x45: {  	_ =	swait.ge [sflag:s28], $0xA0  }
0x46: {  	[sflag:s28] =	ssyncset.done $0x0  }
0x47: {  	[sflag:s28] =	ssyncadd.s32 $0xFFFFFF60  }
0x48: {  	[tilespmem:s2], [sflag:$0x2] =	stream.indirect.gather [hbm4b:s1+s29], $0x80, s31, s29, $0xb8;
	[tilespmem:$0x14400] =	vst v63  }
0x49: {  	s23 =	rddreg [dreg:$0x6]  }
0x4a: {  	[tilespmem:s0], [sflag:$0x9] =	stream.linear.gather [hbm4b:s23+s4], $0xA0, $0x38;
	[tilespmem:$0x14400] =	vst v63  }
0x4b: {  	_ =	swait.ge [sflag:s28], $0xA0  }
0x4c: {  	[sflag:s28] =	ssyncset.done $0x0  }
0x4d: {  	[sflag:s28] =	ssyncadd.s32 $0xFFFFFF60  }
0x4e: {  	[tilespmem:s7], [sflag:$0x3] =	stream.indirect.gather [hbm4b:s1+s29], $0x80, s0, s29, $0xb8;
	[tilespmem:$0x14400] =	vst v63  }
0x4f: {  	s24 =	rddreg [dreg:$0x7]  }
0x50: {  	[tilespmem:s8], [sflag:$0x9] =	stream.linear.gather [hbm4b:s24+s4], $0xA0, $0x38;
	[tilespmem:$0x14400] =	vst v63  }
0x51: {  	_ =	swait.ge [sflag:s28], $0xA0  }
0x52: {  	s21 =	rddreg [dreg:$0x12]  }
0x53: {  	s22 =	rddreg [dreg:$0x11]  }
0x54: {  	[sflag:s28] =	ssyncset.done $0x0;
	s23 =	rddreg [dreg:$0x10]  }
0x55: {  	s19 =	simm.s32 $0x0;
	s24 =	rddreg [dreg:$0xf];
	[sflag:s28] =	ssyncadd.s32 $0xFFFFFF60  }
0x56: {  	[tilespmem:s9], [sflag:$0x4] =	stream.indirect.gather [hbm4b:s1+s29], $0x80, s8, s29, $0xb8;
	[tilespmem:$0x14400] =	vst v63  }
.LBB2_2:
0x57: {  	_ =	swait.ge [sflag:s10], $0x5000  }
0x58: {  	[sflag:s10] =	ssyncset.done $0x0  }
0x59: {  	s20 =	sadd.s32 s19, s25;
	[sflag:s10] =	ssyncadd.s32 $0xFFFFB000  }
0x5a: {  	[hbm4b:s20+s4] =	stream.linear.scatter [tilespmem:s30], [sflag:$0x5], $0x5000, $0x38;
	[tilespmem:$0x14400] =	vst v63  }
0x5b: {  	_ =	swait.ge [sflag:s11], $0x5000  }
0x5c: {  	[sflag:s11] =	ssyncset.done $0x0  }
0x5d: {  	s18 =	sadd.s32 $0xA00, s20;
	[sflag:s11] =	ssyncadd.s32 $0xFFFFB000  }
0x5e: {  	[hbm4b:s18+s4] =	stream.linear.scatter [tilespmem:s2], [sflag:$0x6], $0x5000, $0x38;
	[tilespmem:$0x14400] =	vst v63  }
0x5f: {  	_ =	swait.ge [sflag:s12], $0x5000  }
0x60: {  	[sflag:s12] =	ssyncset.done $0x0  }
0x61: {  	s18 =	sadd.s32 $0x1400, s20;
	[sflag:s12] =	ssyncadd.s32 $0xFFFFB000  }
0x62: {  	[hbm4b:s18+s4] =	stream.linear.scatter [tilespmem:s7], [sflag:$0x7], $0x5000, $0x38;
	[tilespmem:$0x14400] =	vst v63  }
0x63: {  	_ =	swait.ge [sflag:s13], $0x5000  }
0x64: {  	p0 =	seq.s32 s19, $0xA000;
	[sflag:s13] =	ssyncset.done $0x0  }
.Ltmp2:
0x65: {  	s20 =	sadd.s32 $0x1E00, s20;
	[sflag:s13] =	ssyncadd.s32 $0xFFFFB000;
	(pc) =	sbr.rel @p0 .LBB2_4-.Ltmp2, $4  }
0x66: {  	[hbm4b:s20+s4] =	stream.linear.scatter [tilespmem:s9], [sflag:$0x8], $0x5000, $0x38;
	[tilespmem:$0x14400] =	vst v63  }
0x67: {  	_ =	swait.ge [sflag:s14], $0x5000  }
0x68: {  	[sflag:s14] =	ssyncset.done $0x0  }
0x69: {  	[sflag:s14] =	ssyncadd.s32 $0xFFFFB000  }
0x6a: {  	s18 =	sshrl.u32 s21, $0x3  }
0x6b: {  	s18 =	sadd.s32 s5, s18  }
0x6c: {  	[tilespmem:s4], [sflag:$0x9] =	stream.linear.gather [hbm4b:s18+s4], $0xA0, $0x38;
	[tilespmem:$0x14400] =	vst v63  }
0x6d: {  	_ =	swait.ge [sflag:s28], $0xA0  }
0x6e: {  	[sflag:s28] =	ssyncset.done $0x0  }
0x6f: {  	[sflag:s28] =	ssyncadd.s32 $0xFFFFFF60  }
0x70: {  	[tilespmem:s30], [sflag:$0x1] =	stream.indirect.gather [hbm4b:s1+s29], $0x80, s4, s29, $0xb8;
	[tilespmem:$0x14400] =	vst v63  }
0x71: {  	_ =	swait.ge [sflag:s15], $0x5000  }
0x72: {  	[sflag:s15] =	ssyncset.done $0x0  }
0x73: {  	[sflag:s15] =	ssyncadd.s32 $0xFFFFB000  }
0x74: {  	[tilespmem:s31], [sflag:$0x9] =	stream.linear.gather [hbm4b:s22+s4], $0xA0, $0x38;
	[tilespmem:$0x14400] =	vst v63  }
0x75: {  	_ =	swait.ge [sflag:s28], $0xA0  }
0x76: {  	[sflag:s28] =	ssyncset.done $0x0  }
0x77: {  	[sflag:s28] =	ssyncadd.s32 $0xFFFFFF60  }
0x78: {  	[tilespmem:s2], [sflag:$0x2] =	stream.indirect.gather [hbm4b:s1+s29], $0x80, s31, s29, $0xb8;
	[tilespmem:$0x14400] =	vst v63  }
0x79: {  	_ =	swait.ge [sflag:s16], $0x5000  }
0x7a: {  	[sflag:s16] =	ssyncset.done $0x0  }
0x7b: {  	[sflag:s16] =	ssyncadd.s32 $0xFFFFB000  }
0x7c: {  	[tilespmem:s0], [sflag:$0x9] =	stream.linear.gather [hbm4b:s23+s4], $0xA0, $0x38;
	[tilespmem:$0x14400] =	vst v63  }
0x7d: {  	_ =	swait.ge [sflag:s28], $0xA0  }
0x7e: {  	[sflag:s28] =	ssyncset.done $0x0  }
0x7f: {  	[sflag:s28] =	ssyncadd.s32 $0xFFFFFF60  }
0x80: {  	[tilespmem:s7], [sflag:$0x3] =	stream.indirect.gather [hbm4b:s1+s29], $0x80, s0, s29, $0xb8;
	[tilespmem:$0x14400] =	vst v63  }
0x81: {  	_ =	swait.ge [sflag:s17], $0x5000  }
0x82: {  	[sflag:s17] =	ssyncset.done $0x0  }
0x83: {  	[sflag:s17] =	ssyncadd.s32 $0xFFFFB000  }
0x84: {  	[tilespmem:s8], [sflag:$0x9] =	stream.linear.gather [hbm4b:s24+s4], $0xA0, $0x38;
	[tilespmem:$0x14400] =	vst v63  }
.Ltmp3:
0x85: {  	_ = 	snop;
	(pc) =	sbr.rel .LBB2_2-.Ltmp3, $4  }
0x86: {  	s21 =	sadd.s32 $0x280, s21;
	_ =	swait.ge [sflag:s28], $0xA0  }
0x87: {  	s19 =	sadd.s32 $0x2800, s19;
	s22 =	sadd.s32 $0x50, s22;
	[sflag:s28] =	ssyncset.done $0x0  }
0x88: {  	s23 =	sadd.s32 $0x50, s23;
	s24 =	sadd.s32 $0x50, s24;
	[sflag:s28] =	ssyncadd.s32 $0xFFFFFF60  }
0x89: {  	[tilespmem:s9], [sflag:$0x4] =	stream.indirect.gather [hbm4b:s1+s29], $0x80, s8, s29, $0xb8;
	[tilespmem:$0x14400] =	vst v63  }
.LBB2_4:
0x8a: {  	_ =	swait.ge [sflag:s15], $0x5000  }
0x8b: {  	[sflag:s15] =	ssyncset.done $0x0  }
0x8c: {  	[sflag:s15] =	ssyncadd.s32 $0xFFFFB000  }
0x8d: {  	_ =	swait.ge [sflag:s16], $0x5000  }
0x8e: {  	[sflag:s16] =	ssyncset.done $0x0  }
0x8f: {  	[sflag:s16] =	ssyncadd.s32 $0xFFFFB000  }
0x90: {  	_ =	swait.ge [sflag:s17], $0x5000  }
0x91: {  	[sflag:s17] =	ssyncset.done $0x0  }
0x92: {  	s19 =	simm.s32 $0x0;
	s18 =	rddreg [dreg:$0x8];
	[sflag:s17] =	ssyncadd.s32 $0xFFFFB000  }
0x93: {  	[tilespmem:s19], [sflag:$0x9] =	stream.linear.gather [hbm4b:s18+s19], $0xA0, $0x38;
	[tilespmem:$0x14400] =	vst v63  }
0x94: {  	_ =	swait.ge [sflag:s28], $0xA0  }
0x95: {  	[sflag:s28] =	ssyncset.done $0x0  }
0x96: {  	[sflag:s28] =	ssyncadd.s32 $0xFFFFFF60  }
0x97: {  	[tilespmem:s30], [sflag:$0x1] =	stream.indirect.gather [hbm4b:s3+s29], $0x80, s19, s29, $0xb8;
	[tilespmem:$0x14400] =	vst v63  }
0x98: {  	s22 =	rddreg [dreg:$0x9]  }
0x99: {  	[tilespmem:s31], [sflag:$0x9] =	stream.linear.gather [hbm4b:s22+s19], $0xA0, $0x38;
	[tilespmem:$0x14400] =	vst v63  }
0x9a: {  	_ =	swait.ge [sflag:s28], $0xA0  }
0x9b: {  	[sflag:s28] =	ssyncset.done $0x0  }
0x9c: {  	[sflag:s28] =	ssyncadd.s32 $0xFFFFFF60  }
0x9d: {  	[tilespmem:s2], [sflag:$0x2] =	stream.indirect.gather [hbm4b:s3+s29], $0x80, s31, s29, $0xb8;
	[tilespmem:$0x14400] =	vst v63  }
0x9e: {  	s23 =	rddreg [dreg:$0xa]  }
0x9f: {  	[tilespmem:s0], [sflag:$0x9] =	stream.linear.gather [hbm4b:s23+s19], $0xA0, $0x38;
	[tilespmem:$0x14400] =	vst v63  }
0xa0: {  	_ =	swait.ge [sflag:s28], $0xA0  }
0xa1: {  	[sflag:s28] =	ssyncset.done $0x0  }
0xa2: {  	[sflag:s28] =	ssyncadd.s32 $0xFFFFFF60  }
0xa3: {  	[tilespmem:s7], [sflag:$0x3] =	stream.indirect.gather [hbm4b:s3+s29], $0x80, s0, s29, $0xb8;
	[tilespmem:$0x14400] =	vst v63  }
0xa4: {  	s24 =	rddreg [dreg:$0xb]  }
0xa5: {  	[tilespmem:s8], [sflag:$0x9] =	stream.linear.gather [hbm4b:s24+s19], $0xA0, $0x38;
	[tilespmem:$0x14400] =	vst v63  }
0xa6: {  	_ =	swait.ge [sflag:s28], $0xA0  }
0xa7: {  	s21 =	rddreg [dreg:$0x12]  }
0xa8: {  	s22 =	rddreg [dreg:$0x15]  }
0xa9: {  	[sflag:s28] =	ssyncset.done $0x0;
	s23 =	rddreg [dreg:$0x14]  }
0xaa: {  	s24 =	rddreg [dreg:$0x13];
	[sflag:s28] =	ssyncadd.s32 $0xFFFFFF60  }
0xab: {  	[tilespmem:s9], [sflag:$0x4] =	stream.indirect.gather [hbm4b:s3+s29], $0x80, s8, s29, $0xb8;
	[tilespmem:$0x14400] =	vst v63  }
.LBB2_5:
0xac: {  	_ =	swait.ge [sflag:s10], $0x5000  }
0xad: {  	[sflag:s10] =	ssyncset.done $0x0  }
0xae: {  	s18 =	sadd.s32 s19, s26;
	[sflag:s10] =	ssyncadd.s32 $0xFFFFB000  }
0xaf: {  	[hbm4b:s18+s4] =	stream.linear.scatter [tilespmem:s30], [sflag:$0x5], $0x5000, $0x38;
	[tilespmem:$0x14400] =	vst v63  }
0xb0: {  	_ =	swait.ge [sflag:s11], $0x5000  }
0xb1: {  	[sflag:s11] =	ssyncset.done $0x0  }
0xb2: {  	s20 =	sadd.s32 $0xA00, s18;
	[sflag:s11] =	ssyncadd.s32 $0xFFFFB000  }
0xb3: {  	[hbm4b:s20+s4] =	stream.linear.scatter [tilespmem:s2], [sflag:$0x6], $0x5000, $0x38;
	[tilespmem:$0x14400] =	vst v63  }
0xb4: {  	_ =	swait.ge [sflag:s12], $0x5000  }
0xb5: {  	[sflag:s12] =	ssyncset.done $0x0  }
0xb6: {  	s20 =	sadd.s32 $0x1400, s18;
	[sflag:s12] =	ssyncadd.s32 $0xFFFFB000  }
0xb7: {  	[hbm4b:s20+s4] =	stream.linear.scatter [tilespmem:s7], [sflag:$0x7], $0x5000, $0x38;
	[tilespmem:$0x14400] =	vst v63  }
0xb8: {  	_ =	swait.ge [sflag:s13], $0x5000  }
0xb9: {  	p0 =	seq.s32 s19, $0xA000;
	[sflag:s13] =	ssyncset.done $0x0  }
.Ltmp4:
0xba: {  	s18 =	sadd.s32 $0x1E00, s18;
	[sflag:s13] =	ssyncadd.s32 $0xFFFFB000;
	(pc) =	sbr.rel @p0 .LBB2_7-.Ltmp4, $4  }
0xbb: {  	[hbm4b:s18+s4] =	stream.linear.scatter [tilespmem:s9], [sflag:$0x8], $0x5000, $0x38;
	[tilespmem:$0x14400] =	vst v63  }
0xbc: {  	_ =	swait.ge [sflag:s14], $0x5000  }
0xbd: {  	[sflag:s14] =	ssyncset.done $0x0  }
0xbe: {  	[sflag:s14] =	ssyncadd.s32 $0xFFFFB000  }
0xbf: {  	s18 =	sshrl.u32 s21, $0x3  }
0xc0: {  	s18 =	sadd.s32 s6, s18  }
0xc1: {  	[tilespmem:s4], [sflag:$0x9] =	stream.linear.gather [hbm4b:s18+s4], $0xA0, $0x38;
	[tilespmem:$0x14400] =	vst v63  }
0xc2: {  	_ =	swait.ge [sflag:s28], $0xA0  }
0xc3: {  	[sflag:s28] =	ssyncset.done $0x0  }
0xc4: {  	[sflag:s28] =	ssyncadd.s32 $0xFFFFFF60  }
0xc5: {  	[tilespmem:s30], [sflag:$0x1] =	stream.indirect.gather [hbm4b:s3+s29], $0x80, s4, s29, $0xb8;
	[tilespmem:$0x14400] =	vst v63  }
0xc6: {  	_ =	swait.ge [sflag:s15], $0x5000  }
0xc7: {  	[sflag:s15] =	ssyncset.done $0x0  }
0xc8: {  	[sflag:s15] =	ssyncadd.s32 $0xFFFFB000  }
0xc9: {  	[tilespmem:s31], [sflag:$0x9] =	stream.linear.gather [hbm4b:s22+s4], $0xA0, $0x38;
	[tilespmem:$0x14400] =	vst v63  }
0xca: {  	_ =	swait.ge [sflag:s28], $0xA0  }
0xcb: {  	[sflag:s28] =	ssyncset.done $0x0  }
0xcc: {  	[sflag:s28] =	ssyncadd.s32 $0xFFFFFF60  }
0xcd: {  	[tilespmem:s2], [sflag:$0x2] =	stream.indirect.gather [hbm4b:s3+s29], $0x80, s31, s29, $0xb8;
	[tilespmem:$0x14400] =	vst v63  }
0xce: {  	_ =	swait.ge [sflag:s16], $0x5000  }
0xcf: {  	[sflag:s16] =	ssyncset.done $0x0  }
0xd0: {  	[sflag:s16] =	ssyncadd.s32 $0xFFFFB000  }
0xd1: {  	[tilespmem:s0], [sflag:$0x9] =	stream.linear.gather [hbm4b:s23+s4], $0xA0, $0x38;
	[tilespmem:$0x14400] =	vst v63  }
0xd2: {  	_ =	swait.ge [sflag:s28], $0xA0  }
0xd3: {  	[sflag:s28] =	ssyncset.done $0x0  }
0xd4: {  	[sflag:s28] =	ssyncadd.s32 $0xFFFFFF60  }
0xd5: {  	[tilespmem:s7], [sflag:$0x3] =	stream.indirect.gather [hbm4b:s3+s29], $0x80, s0, s29, $0xb8;
	[tilespmem:$0x14400] =	vst v63  }
0xd6: {  	_ =	swait.ge [sflag:s17], $0x5000  }
0xd7: {  	[sflag:s17] =	ssyncset.done $0x0  }
0xd8: {  	[sflag:s17] =	ssyncadd.s32 $0xFFFFB000  }
0xd9: {  	[tilespmem:s8], [sflag:$0x9] =	stream.linear.gather [hbm4b:s24+s4], $0xA0, $0x38;
	[tilespmem:$0x14400] =	vst v63  }
.Ltmp5:
0xda: {  	_ = 	snop;
	(pc) =	sbr.rel .LBB2_5-.Ltmp5, $4  }
0xdb: {  	s21 =	sadd.s32 $0x280, s21;
	_ =	swait.ge [sflag:s28], $0xA0  }
0xdc: {  	s19 =	sadd.s32 $0x2800, s19;
	s22 =	sadd.s32 $0x50, s22;
	[sflag:s28] =	ssyncset.done $0x0  }
0xdd: {  	s23 =	sadd.s32 $0x50, s23;
	s24 =	sadd.s32 $0x50, s24;
	[sflag:s28] =	ssyncadd.s32 $0xFFFFFF60  }
0xde: {  	[tilespmem:s9], [sflag:$0x4] =	stream.indirect.gather [hbm4b:s3+s29], $0x80, s8, s29, $0xb8;
	[tilespmem:$0x14400] =	vst v63  }
.LBB2_8:
0xdf: {  	_ =	sfence.sel $0x180000  }
0xe0: {  	[bflag:$0x0] =	sbarrier.arrive $0xFFFF  }
0xe1: {  	_ =	strace $0x90000047  }
0xe2: {  	s0 =	stileid.u32;
	[bflag:$0x2] =	sbarrier.arrive $0xFFFF  }
0xe3: {  	p0 =	sne.s32 s0, $0x0;
	s0 =	rddreg [dreg:$0x3]  }
0xe4: {  	s0 =	sadd.s32 @!p0 $0x100000, s0  }
0xe5: {  	[sflag:s0] =	ssyncadd.tile.s32 @!p0 $0x1;
	_ =	shalt  }
.Lfunc_end2:
_tile_overlayer_lowered:
.L_overlay_start_2:
0xe6: {  	(tag) =	ssettag $0x2  }
0xe7: {  	s0 =	rddreg [dreg:$0x0];
	s2 =	stileid.u32  }
0xe8: {  	s1 =	rddreg [dreg:$0x1];
	p0 =	sne.s32 s2, $0x0  }
0xe9: {  	s3 =	rddreg [dreg:$0x2];
	[bflag:$0x3] =	sbarrier.arrive $0xFFFF;
	s2 =	simm.s32 @!p0 $0x1C09  }
0xea: {  	[timem:s3], [sflag:s2] =	dma.local @!p0 [hbm:s0], s1  }
0xeb: {  	s0 =	simm.s32 @!p0 $0x9  }
0xec: {  	_ =	swait.ge @!p0 [sflag:s0], s1  }
0xed: {  	s1 =	ssub.s32 @!p0 $0x0, s1;
	[sflag:s0] =	ssyncset.done @!p0 $0x0  }
0xee: {  	[sflag:s0] =	ssyncadd.s32 @!p0 s1  }
0xef: {  	[bflag:$0x3] =	sbarrier.arrive $0xFFFF  }
0xf0: {  	_ =	shalt  }

// kernel: kernel.9.cloned.1.call-start
scs
__scs_entry_jumppad:
0x0: {  	(pc) =	sbr.rel $0x88, $3  }
0x1: {  	(tag) =	ssettag $0x0;
	lr =	simm.s32 $0x1  }
0x2: {  	[smem:$0x3F8E] =	sst lr;
	_ =	strace $0xD0000000  }
0x3: {  	_ = 	snop  }
0x4: {  	_ = 	snop  }
0x5: {  	_ = 	snop  }
0x6: {  	_ = 	snop  }
0x7: {  	_ = 	snop  }
__scs_overlays_trampoline_lowered:
0x8: {  	[smem:$0x3F9D] =	sst s0  }
0x9: {  	[smem:$0x3F9E] =	sst s1  }
0xa: {  	[smem:$0x3F9F] =	sst s2  }
0xb: {  	[smem:$0x3FA0] =	sst s3  }
0xc: {  	[smem:$0x3FA1] =	sst s4  }
0xd: {  	[smem:$0x3FA2] =	sst s5  }
0xe: {  	[smem:$0x3FA3] =	sst s6  }
0xf: {  	[smem:$0x3FA4] =	sst s7  }
0x10: {  	[smem:$0x3FA5] =	sst s8  }
0x11: {  	[smem:$0x3FA6] =	sst s9;
	s0 =	simm.s32 @!p0 $0x0  }
0x12: {  	s1 =	sld [smem:$0x3F8C];
	s0 =	simm.s32 @p0 $0x1  }
0x13: {  	[smem:$0x3FA7] =	sst s0;
	s0 =	simm.s32 @!p1 $0x0  }
0x14: {  	s2 =	sld [smem:$0x3F8B];
	s0 =	simm.s32 @p1 $0x1  }
0x15: {  	[smem:$0x3FA8] =	sst s0;
	s0 =	simm.s32 @!p2 $0x0  }
0x16: {  	s3 =	sld [smem:$0x3FDB];
	s0 =	simm.s32 @p2 $0x1  }
0x17: {  	s4 =	simm.s32 $0x1BF5;
	[smem:$0x3FAA] =	sst s0  }
0x18: {  	s0 =	sld [smem:$0x3F8D];
	_ =	swait.ge [sflag:s4], $0x0  }
0x19: {  	s7 =	sld [smem:$0x3F8E]  }
0x1a: {  	s8 =	sadd.s32 $0xFFFFE003, lr  }
0x1b: {  	s9 =	sadd.s32 $0xFFFFFEF7, lr;
	s5 =	simm.s32 $0xFFFFFFFF;
	p2 =	slt.u32 s8, $0xFFFFF086  }
0x1c: {  	p1 =	slt.u32 s9, $0xF7A;
	s5 =	simm.s32 @!p2 $0x0  }
0x1d: {  	s5 =	simm.s32 @p1 $0x1;
	p0 =	seq.s32 s7, s2  }
0x1e: {  	s7 =	smul.u32 @!p0 $0xF7A, s2;
	p2 =	seq.s32 @!p0 s5, $0x0  }
0x1f: {  	s9 =	smul.u32 $0xF7A, s1;
	s8 =	simm.s32 @!p0 $0x1BF5;
	p2 =	por !p2, p0  }
0x20: {  	[sflag:s8] =	ssyncset.s32 @!p0 $0xFFFFF086;
	s6 =	sadd.s32 @!p0 s3, s7;
	s7 =	simm.s32 @!p0 $0x108  }
0x21: {  	s3 =	sadd.s32 s3, s9;
	s6 =	sadd.s32 @!p0 $0x88, s6;
	s7 =	simm.s32 @p2 $0x1082  }
0x22: {  	[simem:s7], [sflag:s8] =	dma.local @!p0 [hbm:s6], $0xF7A  }
0x23: {  	s9 =	sor.u32 $0xD0000000, s2;
	s6 =	simm.s32 $0x108;
	_ =	swait.ge @!p0 [sflag:s8], $0x0  }
0x24: {  	s3 =	sadd.s32 $0x88, s3;
	s6 =	simm.s32 @!p1 $0x1082;
	[sflag:s4] =	ssyncset.s32 $0xFFFFF086  }
0x25: {  	[simem:s6], [sflag:s4] =	dma.local [hbm:s3], $0xF7A  }
0x26: {  	[smem:$0x3F8E] =	sst s1;
	(tag) =	ssettag s2;
	_ =	strace s9  }
0x27: {  	s1 =	sld [smem:$0x3F9E]  }
0x28: {  	s2 =	sld [smem:$0x3F9F]  }
0x29: {  	s4 =	sld [smem:$0x3FA1]  }
0x2a: {  	p0 =	seq.s32 s5, $0x0;
	s5 =	sld [smem:$0x3FA2]  }
0x2b: {  	s6 =	sld [smem:$0x3FA3]  }
0x2c: {  	s7 =	sld [smem:$0x3FA4]  }
0x2d: {  	s3 =	simm.s32 $0x108;
	s8 =	sld [smem:$0x3FA5]  }
0x2e: {  	s3 =	simm.s32 @!p0 $0x1082;
	s9 =	sld [smem:$0x3FA6]  }
0x2f: {  	lr =	sadd.s32 s0, s3;
	s0 =	sld [smem:$0x3F9D]  }
0x30: {  	s3 =	sld [smem:$0x3FA0]  }
0x31: {  	[smem:$0x3FA9] =	sst s10  }
0x32: {  	s10 =	sld [smem:$0x3FA7];
	_ =	sdelay $0x3  }
0x33: {  	p0 =	seq.s32 s10, $0x1;
	s10 =	sld [smem:$0x3FA9];
	_ =	sdelay $0x3  }
0x34: {  	[smem:$0x3FA9] =	sst s10  }
0x35: {  	s10 =	sld [smem:$0x3FA8];
	_ =	sdelay $0x3  }
0x36: {  	p1 =	seq.s32 s10, $0x1;
	s10 =	sld [smem:$0x3FA9];
	_ =	sdelay $0x3  }
0x37: {  	[smem:$0x3FA9] =	sst s10  }
0x38: {  	s10 =	sld [smem:$0x3FAA]  }
0x39: {  	_ = 	snop;
	(pc) =	sbr.ind lr, $3  }
0x3a: {  	_ = 	snop  }
0x3b: {  	_ = 	snop  }
0x3c: {  	p2 =	seq.s32 s10, $0x1;
	s10 =	sld [smem:$0x3FA9]  }
0x3d: {  	_ =	shalt  }
0x3e: {  	_ =	shalt  }
0x3f: {  	_ =	shalt  }
0x40: {  	_ =	shalt  }
0x41: {  	_ =	shalt  }
0x42: {  	_ =	shalt  }
0x43: {  	_ =	shalt  }
0x44: {  	_ =	shalt  }
0x45: {  	_ =	shalt  }
0x46: {  	_ =	shalt  }
0x47: {  	_ =	shalt  }
0x48: {  	_ =	shalt  }
0x49: {  	_ =	shalt  }
0x4a: {  	_ =	shalt  }
0x4b: {  	_ =	shalt  }
0x4c: {  	_ =	shalt  }
0x4d: {  	_ =	shalt  }
0x4e: {  	_ =	shalt  }
0x4f: {  	_ =	shalt  }
0x50: {  	_ =	shalt  }
0x51: {  	_ =	shalt  }
0x52: {  	_ =	shalt  }
0x53: {  	_ =	shalt  }
0x54: {  	_ =	shalt  }
0x55: {  	_ =	shalt  }
0x56: {  	_ =	shalt  }
0x57: {  	_ =	shalt  }
0x58: {  	_ =	shalt  }
0x59: {  	_ =	shalt  }
0x5a: {  	_ =	shalt  }
0x5b: {  	_ =	shalt  }
0x5c: {  	_ =	shalt  }
0x5d: {  	_ =	shalt  }
0x5e: {  	_ =	shalt  }
0x5f: {  	_ =	shalt  }
0x60: {  	_ =	shalt  }
0x61: {  	_ =	shalt  }
0x62: {  	_ =	shalt  }
0x63: {  	_ =	shalt  }
0x64: {  	_ =	shalt  }
0x65: {  	_ =	shalt  }
0x66: {  	_ =	shalt  }
0x67: {  	_ =	shalt  }
0x68: {  	_ =	shalt  }
0x69: {  	_ =	shalt  }
0x6a: {  	_ =	shalt  }
0x6b: {  	_ =	shalt  }
0x6c: {  	_ =	shalt  }
0x6d: {  	_ =	shalt  }
0x6e: {  	_ =	shalt  }
0x6f: {  	_ =	shalt  }
0x70: {  	_ =	shalt  }
0x71: {  	_ =	shalt  }
0x72: {  	_ =	shalt  }
0x73: {  	_ =	shalt  }
0x74: {  	_ =	shalt  }
0x75: {  	_ =	shalt  }
0x76: {  	_ =	shalt  }
0x77: {  	_ =	shalt  }
0x78: {  	_ =	shalt  }
0x79: {  	_ =	shalt  }
0x7a: {  	_ =	shalt  }
0x7b: {  	_ =	shalt  }
0x7c: {  	_ =	shalt  }
0x7d: {  	_ =	shalt  }
0x7e: {  	_ =	shalt  }
0x7f: {  	_ =	shalt  }
0x80: {  	_ =	shalt  }
0x81: {  	_ =	shalt  }
0x82: {  	_ =	shalt  }
0x83: {  	_ =	shalt  }
0x84: {  	_ =	shalt  }
0x85: {  	_ =	shalt  }
0x86: {  	_ =	shalt  }
0x87: {  	_ =	shalt  }
.Lfunc_end0:
.L_simem_size_0:
called_computation.1_lowered:
.L_overlay_start_0:
0x88: {  	s2 =	sld [smem:$0x3FD9]  }
0x89: {  	s3 =	sld [smem:$0x3FFE];
	_ =	sdelay $0x1  }
0x8a: {  	s1 =	srdreg.scid  }
0x8b: {  	s0 =	sand.u32 $0x1, s1  }
0x8c: {  	s17 =	sshll.u32 s0, $0xA;
	s2 =	sadd.s32 s3, s2  }
0x8d: {  	s2 =	sadd.s32 s2, s17  }
0x8e: {  	[smem:$0x3FB5] =	sst s2  }
0x8f: {  	_ = 	snop  }
0x90: {  	s4 =	sld [smem:$0x3FC2]  }
0x91: {  	s5 =	sld [smem:$0x3FC1]  }
0x92: {  	s18 =	sld [smem:$0x3FD0];
	(tm) =	ssettm $0x1  }
0x93: {  	s19 =	sld [smem:$0x3FFB];
	_ =	sdelay $0x3  }
0x94: {  	_ =	strace s19  }
0x95: {  	s2 =	sld [smem:$0x3FFC];
	_ =	sdelay $0x3  }
0x96: {  	_ =	strace s2  }
0x97: {  	s2 =	sld [smem:$0x3FFD];
	_ =	sdelay $0x3  }
0x98: {  	_ =	strace s2  }
0x99: {  	_ =	strace $0x8FFFFFFF  }
0x9a: {  	s20 =	sld [smem:$0x3FDB];
	_ =	sdelay $0x1  }
0x9b: {  	s6 =	simm.s32 $_scs_section_size  }
0x9c: {  	s7 =	simm.s32 $_size__tile_overlayer_lowered;
	s8 =	simm.s32 $_tile_overlayer_lowered  }
0x9d: {  	s9 =	simm.s32 $0x1BFF;
	s21 =	sshll.u32 s8, $0x1;
	s6 =	sadd.s32 s6, s20  }
0x9e: {  	s22 =	simm.s32 $0x0;
	s7 =	sshll.u32 s7, $0x1;
	s8 =	sadd.s32 s21, s6  }
0x9f: {  	[timem:s22], [sflag:s9] =	dma.local [hbm:s8], s7  }
0xa0: {  	_ =	swait.ge [sflag:s9], s7  }
0xa1: {  	s7 =	ssub.s32 $0x0, s7;
	[sflag:s9] =	ssyncset.done $0x0  }
0xa2: {  	[sflag:s9] =	ssyncadd.s32 s7;
	_ =	sdelay $0x1  }
0xa3: {  	s23 =	simm.s32 $0x1B8B  }
0xa4: {  	_ =	swait.ge [sflag:s23], $0x1  }
0xa5: {  	[sflag:s23] =	ssyncset.done $0x0  }
0xa6: {  	[sflag:s23] =	ssyncadd.s32 $0xFFFFFFFF  }
0xa7: {  	s7 =	sld [smem:$0x0]  }
0xa8: {  	s8 =	sand.u32 $0xFFFFFFFE, s1  }
0xa9: {  	p0 =	sne.s32 s1, s8  }
0xaa: {  	s8 =	sshll.u32 @p0 s8, $0xE  }
0xab: {  	s8 =	sadd.s32 @p0 $0x11B8D, s8;
	s9 =	sshll.u32 @p0 s7, $0x11  }
0xac: {  	s8 =	sor.u32 @p0 s9, s8  }
0xad: {  	[sflag:s8] =	ssyncadd.remote.s32 @p0 $0x1;
	_ =	sdelay $0x1  }
0xae: {  	s8 =	simm.s32 @p0 $0x1B8D  }
0xaf: {  	_ =	swait.eq @p0 [sflag:s8], $0x1  }
0xb0: {  	[sflag:s8] =	ssyncadd.s32 @p0 $0xFFFFFFFF  }
0xb1: {  	s9 =	sshll.u32 @!p0 s1, $0xE  }
0xb2: {  	s9 =	sor.u32 @!p0 $0x4000, s9;
	s8 =	simm.s32 @!p0 $0x1B8D  }
0xb3: {  	s7 =	sshll.u32 @!p0 s7, $0x11;
	s9 =	sadd.s32 @!p0 $0x11B8D, s9;
	_ =	swait.eq @!p0 [sflag:s8], $0x1  }
0xb4: {  	s7 =	sor.u32 @!p0 s7, s9;
	[sflag:s8] =	ssyncadd.s32 @!p0 $0xFFFFFFFF  }
0xb5: {  	s25 =	simm.s32 $0x1B8E;
	s24 =	sld [smem:$0x3FFE];
	[sflag:s7] =	ssyncadd.remote.s32 @!p0 $0x1  }
0xb6: {  	s26 =	simm.s32 $execute0_lowered;
	[smem:$0x3FD2] =	sst s25  }
0xb7: {  	s8 =	sshll.u32 s26, $0x1;
	_ =	strace $0x80000049;
	[dreg:$0x1] =	wrdreg $0xFFFFFFFF  }
0xb8: {  	s28 =	simm.s32 $_size_execute0_lowered;
	s6 =	sadd.s32 s6, s8;
	[dreg:$0x0] =	wrdreg $0x0  }
0xb9: {  	s8 =	sshll.u32 s28, $0x1;
	[dreg:$0x2] =	wrdreg s6  }
0xba: {  	[dreg:$0x3] =	wrdreg s8  }
0xbb: {  	[dreg:$0x4] =	wrdreg $0xC0  }
0xbc: {  	_ =	task [dreg:s22], $0x5FFFF  }
0xbd: {  	[dreg:$0x1] =	wrdreg $0xFFFFFFFF  }
0xbe: {  	[dreg:$0x0] =	wrdreg $0x60  }
0xbf: {  	[dreg:$0x2] =	wrdreg s4  }
0xc0: {  	[dreg:$0x3] =	wrdreg s5  }
0xc1: {  	[dreg:$0x4] =	wrdreg s24  }
0xc2: {  	[dreg:$0x5] =	wrdreg s18  }
0xc3: {  	[dreg:$0x6] =	wrdreg $0xA  }
0xc4: {  	_ =	task.clear_ibuf [dreg:s22], $0x7FFFF;
	_ =	strace $0x90000049  }
0xc5: {  	s29 =	simm.s32 $0xA;
	_ =	strace $0x8000004B  }
0xc6: {  	_ =	swait.ge [sflag:s29], $0x1  }
0xc7: {  	[sflag:s29] =	ssyncadd.s32 $0xFFFFFFFF  }
0xc8: {  	_ =	strace $0x9000004B  }
0xc9: {  	_ =	sfence  }
0xca: {  	s30 =	sld [smem:$0x0];
	_ =	sdelay $0x2  }
0xcb: {  	s31 =	sshll.u32 s1, $0xD;
	s1 =	sshrl.u32 s1, $0x2  }
0xcc: {  	s4 =	sand.u32 $0x4000, s31;
	s1 =	sadd.s32 s1, s30  }
0xcd: {  	s0 =	sor.u32 s4, s0;
	s1 =	sshll.u32 s1, $0x11  }
0xce: {  	s0 =	sor.u32 s1, s0  }
0xcf: {  	s0 =	sadd.s32 $0x8F2B, s0  }
0xd0: {  	[sflag:s0] =	ssyncadd.remote.s32 $0x1  }
0xd1: {  	_ =	sfence.sel $0xFFFF  }
0xd2: {  	[dreg:$0x0] =	wrdreg $0xFFFFFFFF;
	(pc) =	sbr.abs _section_cstart, $3  }
0xd3: {  	[dreg:$0x1] =	wrdreg $0xFFFFFFFF  }
0xd4: {  	_ =	task.clear_ibuf [dreg:s22], $0x2FFFF;
	_ =	strace $0x9FFFFFFF  }
0xd5: {  	(tm) =	ssettm $0x7FFFFFFF  }
tec
execute0_lowered:
.L_overlay_start_1:
0x0: {  	(tag) =	ssettag $0x1  }
0x1: {  	s1 =	rddreg [dreg:$0x0]  }
0x2: {  	s2 =	rddreg [dreg:$0x1]  }
0x3: {  	s0 =	rddreg [dreg:$0x2]  }
0x4: {  	s3 =	srdreg.scid;
	s14 =	stileid.u32  }
0x5: {  	s7 =	rddreg [dreg:$0x3];
	s4 =	simm.s32 $0x0;
	s28 =	simm.s32 $0x9  }
0x6: {  	s3 =	sand.u32 $0x1, s3;
	s5 =	sshll.u32 s14, $0x1;
	s10 =	smul.u32 $0x19000, s14  }
0x7: {  	s29 =	simm.s32 $0xA0;
	s14 =	smul.u32 $0x1900, s14;
	s8 =	sor.u32 s3, s5  }
0x8: {  	s30 =	simm.s32 $0x400;
	[smem:$0x7FF] =	sst s4;
	s9 =	smul.u32 $0x14, s8  }
0x9: {  	s31 =	simm.s32 $0x100;
	_ =	strace $0x8000004A;
	s11 =	smul.u32 $0xC80, s8  }
0xa: {  	s6 =	sadd.s32 $0x19600, s0;
	s5 =	sadd.s32 $0x36B400, s0;
	s8 =	smul.u32 $0xA00, s8  }
0xb: {  	s12 =	ssub.s32 $0x2, s3;
	s16 =	smul.u32 $0xC80, s3;
	s11 =	sshrl.u32 s11, $0x3  }
0xc: {  	s9 =	sadd.s32 s9, s0;
	s7 =	sadd.s32 s7, s8;
	s22 =	sadd.s32 s5, s11  }
0xd: {  	s23 =	sadd.s32 $0x14, s11;
	s24 =	sadd.s32 $0x28, s11;
	[dreg:$0xe] =	wrdreg s7  }
0xe: {  	s25 =	sadd.s32 $0x3C, s11;
	s11 =	sadd.s32 s6, s11;
	[dreg:$0x5] =	wrdreg s22  }
0xf: {  	s3 =	smul.u32 $0xC800, s3;
	s9 =	sadd.s32 $0x1C800, s9;
	[dreg:$0x9] =	wrdreg s11  }
0x10: {  	s21 =	sshrl.u32 s12, $0x1;
	s13 =	sadd.s32 s5, s23;
	[dreg:$0xd] =	wrdreg s9  }
0x11: {  	s0 =	sadd.s32 s10, s0;
	s15 =	sadd.s32 s5, s24;
	[dreg:$0x6] =	wrdreg s13  }
0x12: {  	s10 =	ssub.s32 s12, s21;
	s17 =	sadd.s32 s5, s25;
	[dreg:$0x7] =	wrdreg s15  }
0x13: {  	s0 =	sadd.s32 s3, s0;
	s26 =	sadd.s32 s6, s23;
	[dreg:$0x8] =	wrdreg s17  }
0x14: {  	s3 =	simm.s32 $0x5400;
	s12 =	sadd.s32 s6, s24;
	[dreg:$0xa] =	wrdreg s26  }
0x15: {  	s7 =	simm.s32 $0xA400;
	s11 =	simm.s32 $0x2;
	[dreg:$0xb] =	wrdreg s12  }
0x16: {  	s13 =	sadd.s32 s16, s14;
	s14 =	sadd.s32 s6, s25;
	s16 =	smax.u32 s10, $0x1  }
0x17: {  	s10 =	simm.s32 $0x1;
	s12 =	simm.s32 $0x3;
	[dreg:$0xc] =	wrdreg s14  }
0x18: {  	s15 =	sadd.s32 $0x460, s13;
	[dreg:$0xf] =	wrdreg s16;
	s18 =	sadd.s32 $0x3C0, s13  }
0x19: {  	s19 =	sadd.s32 $0x320, s13;
	s23 =	sadd.s32 $0x280, s13;
	s13 =	simm.s32 $0x4  }
0x1a: {  	s14 =	simm.s32 $0x5;
	s16 =	simm.s32 $0x7;
	s17 =	sshrl.u32 s15, $0x3  }
0x1b: {  	s8 =	sshrl.u32 s18, $0x3;
	s9 =	sshrl.u32 s19, $0x3;
	[dreg:$0x13] =	wrdreg s23  }
0x1c: {  	s15 =	simm.s32 $0x6;
	s19 =	simm.s32 $0x0;
	s20 =	sadd.s32 s17, s5  }
0x1d: {  	s21 =	sadd.s32 s8, s5;
	s22 =	sadd.s32 s9, s5;
	[dreg:$0x10] =	wrdreg s20  }
.Ltmp0:
0x1e: {  	s24 =	sadd.s32 s17, s6;
	[dreg:$0x11] =	wrdreg s21;
	(pc) =	sbr.rel .LBB2_1-.Ltmp0, $4  }
0x1f: {  	s25 =	sadd.s32 s8, s6;
	s26 =	sadd.s32 s9, s6;
	[dreg:$0x12] =	wrdreg s22  }
0x20: {  	s8 =	simm.s32 $0x300;
	s9 =	simm.s32 $0xF400;
	[dreg:$0x14] =	wrdreg s24  }
0x21: {  	s17 =	simm.s32 $0x8;
	[dreg:$0x15] =	wrdreg s25;
	s25 =	sadd.s32 $0x36E600, s0  }
0x22: {  	[dreg:$0x16] =	wrdreg s26;
	s26 =	sadd.s32 $0x4FE600, s0;
	s0 =	simm.s32 $0x200  }
.LBB2_7:
0x23: {  	_ =	swait.ge [sflag:s15], $0x5000  }
0x24: {  	[sflag:s15] =	ssyncset.done $0x0  }
0x25: {  	[sflag:s15] =	ssyncadd.s32 $0xFFFFB000  }
0x26: {  	_ =	swait.ge [sflag:s16], $0x5000  }
0x27: {  	[sflag:s16] =	ssyncset.done $0x0  }
0x28: {  	[sflag:s16] =	ssyncadd.s32 $0xFFFFB000  }
0x29: {  	_ =	swait.ge [sflag:s17], $0x5000  }
0x2a: {  	[sflag:s17] =	ssyncset.done $0x0  }
0x2b: {  	s18 =	rddreg [dreg:$0xd];
	[sflag:s17] =	ssyncadd.s32 $0xFFFFB000  }
0x2c: {  	[tilespmem:s4], [sflag:$0x9] =	stream.linear.gather [hbm4b:s18+s4], $0xA0, $0x38;
	[tilespmem:$0x14400] =	vst v63  }
0x2d: {  	_ =	swait.ge [sflag:s28], $0xA0  }
0x2e: {  	[sflag:s28] =	ssyncset.done $0x0  }
0x2f: {  	[sflag:s28] =	ssyncadd.s32 $0xFFFFFF60  }
0x30: {  	[tilespmem:s30], [sflag:$0x1] =	stream.indirect.gather [hbm4b:s1+s29], $0x80, s4, s29, $0xb8;
	[tilespmem:$0x14400] =	vst v63  }
0x31: {  	_ =	swait.ge [sflag:s10], $0x5000  }
0x32: {  	[sflag:s10] =	ssyncset.done $0x0  }
0x33: {  	s23 =	rddreg [dreg:$0xe];
	[sflag:s10] =	ssyncadd.s32 $0xFFFFB000  }
0x34: {  	[hbm4b:s23+s4] =	stream.linear.scatter [tilespmem:s30], [sflag:$0x9], $0x5000, $0x38;
	[tilespmem:$0x14400] =	vst v63  }
0x35: {  	_ =	swait.ge [sflag:s28], $0x5000  }
0x36: {  	s19 =	rddreg [dreg:$0x17]  }
0x37: {  	s24 =	rddreg [dreg:$0xf];
	s19 =	sadd.s32 $0x1, s19  }
0x38: {  	p0 =	sne.s32 s19, s24  }
.Ltmp1:
0x39: {  	_ = 	snop;
	(pc) =	sbr.rel @!p0 .LBB2_8-.Ltmp1, $3  }
0x3a: {  	_ =	sdelay $0x1  }
0x3b: {  	[sflag:s28] =	ssyncset.done $0x0  }
0x3c: {  	[sflag:s28] =	ssyncadd.s32 $0xFFFFB000  }
.LBB2_1:
0x3d: {  	[dreg:$0x17] =	wrdreg s19  }
0x3e: {  	s18 =	rddreg [dreg:$0x5]  }
0x3f: {  	[tilespmem:s4], [sflag:$0x9] =	stream.linear.gather [hbm4b:s18+s4], $0xA0, $0x38;
	[tilespmem:$0x14400] =	vst v63  }
0x40: {  	_ =	swait.ge [sflag:s28], $0xA0  }
0x41: {  	[sflag:s28] =	ssyncset.done $0x0  }
0x42: {  	[sflag:s28] =	ssyncadd.s32 $0xFFFFFF60  }
0x43: {  	[tilespmem:s30], [sflag:$0x1] =	stream.indirect.gather [hbm4b:s1+s29], $0x80, s4, s29, $0xb8;
	[tilespmem:$0x14400] =	vst v63  }
0x44: {  	s22 =	rddreg [dreg:$0x6]  }
0x45: {  	[tilespmem:s31], [sflag:$0x9] =	stream.linear.gather [hbm4b:s22+s4], $0xA0, $0x38;
	[tilespmem:$0x14400] =	vst v63  }
0x46: {  	_ =	swait.ge [sflag:s28], $0xA0  }
0x47: {  	[sflag:s28] =	ssyncset.done $0x0  }
0x48: {  	[sflag:s28] =	ssyncadd.s32 $0xFFFFFF60  }
0x49: {  	[tilespmem:s3], [sflag:$0x2] =	stream.indirect.gather [hbm4b:s1+s29], $0x80, s31, s29, $0xb8;
	[tilespmem:$0x14400] =	vst v63  }
0x4a: {  	s23 =	rddreg [dreg:$0x7]  }
0x4b: {  	[tilespmem:s0], [sflag:$0x9] =	stream.linear.gather [hbm4b:s23+s4], $0xA0, $0x38;
	[tilespmem:$0x14400] =	vst v63  }
0x4c: {  	_ =	swait.ge [sflag:s28], $0xA0  }
0x4d: {  	[sflag:s28] =	ssyncset.done $0x0  }
0x4e: {  	[sflag:s28] =	ssyncadd.s32 $0xFFFFFF60  }
0x4f: {  	[tilespmem:s7], [sflag:$0x3] =	stream.indirect.gather [hbm4b:s1+s29], $0x80, s0, s29, $0xb8;
	[tilespmem:$0x14400] =	vst v63  }
0x50: {  	s24 =	rddreg [dreg:$0x8]  }
0x51: {  	[tilespmem:s8], [sflag:$0x9] =	stream.linear.gather [hbm4b:s24+s4], $0xA0, $0x38;
	[tilespmem:$0x14400] =	vst v63  }
0x52: {  	_ =	swait.ge [sflag:s28], $0xA0  }
0x53: {  	s21 =	rddreg [dreg:$0x13]  }
0x54: {  	s22 =	rddreg [dreg:$0x12]  }
0x55: {  	[sflag:s28] =	ssyncset.done $0x0;
	s23 =	rddreg [dreg:$0x11]  }
0x56: {  	s19 =	simm.s32 $0x0;
	s24 =	rddreg [dreg:$0x10];
	[sflag:s28] =	ssyncadd.s32 $0xFFFFFF60  }
0x57: {  	[tilespmem:s9], [sflag:$0x4] =	stream.indirect.gather [hbm4b:s1+s29], $0x80, s8, s29, $0xb8;
	[tilespmem:$0x14400] =	vst v63  }
.LBB2_2:
0x58: {  	_ =	swait.ge [sflag:s10], $0x5000  }
0x59: {  	[sflag:s10] =	ssyncset.done $0x0  }
0x5a: {  	s20 =	sadd.s32 s19, s25;
	[sflag:s10] =	ssyncadd.s32 $0xFFFFB000  }
0x5b: {  	[hbm4b:s20+s4] =	stream.linear.scatter [tilespmem:s30], [sflag:$0x5], $0x5000, $0x38;
	[tilespmem:$0x14400] =	vst v63  }
0x5c: {  	_ =	swait.ge [sflag:s11], $0x5000  }
0x5d: {  	[sflag:s11] =	ssyncset.done $0x0  }
0x5e: {  	s18 =	sadd.s32 $0xA00, s20;
	[sflag:s11] =	ssyncadd.s32 $0xFFFFB000  }
0x5f: {  	[hbm4b:s18+s4] =	stream.linear.scatter [tilespmem:s3], [sflag:$0x6], $0x5000, $0x38;
	[tilespmem:$0x14400] =	vst v63  }
0x60: {  	_ =	swait.ge [sflag:s12], $0x5000  }
0x61: {  	[sflag:s12] =	ssyncset.done $0x0  }
0x62: {  	s18 =	sadd.s32 $0x1400, s20;
	[sflag:s12] =	ssyncadd.s32 $0xFFFFB000  }
0x63: {  	[hbm4b:s18+s4] =	stream.linear.scatter [tilespmem:s7], [sflag:$0x7], $0x5000, $0x38;
	[tilespmem:$0x14400] =	vst v63  }
0x64: {  	_ =	swait.ge [sflag:s13], $0x5000  }
0x65: {  	p0 =	seq.s32 s19, $0xA000;
	[sflag:s13] =	ssyncset.done $0x0  }
.Ltmp2:
0x66: {  	s20 =	sadd.s32 $0x1E00, s20;
	[sflag:s13] =	ssyncadd.s32 $0xFFFFB000;
	(pc) =	sbr.rel @p0 .LBB2_4-.Ltmp2, $4  }
0x67: {  	[hbm4b:s20+s4] =	stream.linear.scatter [tilespmem:s9], [sflag:$0x8], $0x5000, $0x38;
	[tilespmem:$0x14400] =	vst v63  }
0x68: {  	_ =	swait.ge [sflag:s14], $0x5000  }
0x69: {  	[sflag:s14] =	ssyncset.done $0x0  }
0x6a: {  	[sflag:s14] =	ssyncadd.s32 $0xFFFFB000  }
0x6b: {  	s18 =	sshrl.u32 s21, $0x3  }
0x6c: {  	s18 =	sadd.s32 s5, s18  }
0x6d: {  	[tilespmem:s4], [sflag:$0x9] =	stream.linear.gather [hbm4b:s18+s4], $0xA0, $0x38;
	[tilespmem:$0x14400] =	vst v63  }
0x6e: {  	_ =	swait.ge [sflag:s28], $0xA0  }
0x6f: {  	[sflag:s28] =	ssyncset.done $0x0  }
0x70: {  	[sflag:s28] =	ssyncadd.s32 $0xFFFFFF60  }
0x71: {  	[tilespmem:s30], [sflag:$0x1] =	stream.indirect.gather [hbm4b:s1+s29], $0x80, s4, s29, $0xb8;
	[tilespmem:$0x14400] =	vst v63  }
0x72: {  	_ =	swait.ge [sflag:s15], $0x5000  }
0x73: {  	[sflag:s15] =	ssyncset.done $0x0  }
0x74: {  	[sflag:s15] =	ssyncadd.s32 $0xFFFFB000  }
0x75: {  	[tilespmem:s31], [sflag:$0x9] =	stream.linear.gather [hbm4b:s22+s4], $0xA0, $0x38;
	[tilespmem:$0x14400] =	vst v63  }
0x76: {  	_ =	swait.ge [sflag:s28], $0xA0  }
0x77: {  	[sflag:s28] =	ssyncset.done $0x0  }
0x78: {  	[sflag:s28] =	ssyncadd.s32 $0xFFFFFF60  }
0x79: {  	[tilespmem:s3], [sflag:$0x2] =	stream.indirect.gather [hbm4b:s1+s29], $0x80, s31, s29, $0xb8;
	[tilespmem:$0x14400] =	vst v63  }
0x7a: {  	_ =	swait.ge [sflag:s16], $0x5000  }
0x7b: {  	[sflag:s16] =	ssyncset.done $0x0  }
0x7c: {  	[sflag:s16] =	ssyncadd.s32 $0xFFFFB000  }
0x7d: {  	[tilespmem:s0], [sflag:$0x9] =	stream.linear.gather [hbm4b:s23+s4], $0xA0, $0x38;
	[tilespmem:$0x14400] =	vst v63  }
0x7e: {  	_ =	swait.ge [sflag:s28], $0xA0  }
0x7f: {  	[sflag:s28] =	ssyncset.done $0x0  }
0x80: {  	[sflag:s28] =	ssyncadd.s32 $0xFFFFFF60  }
0x81: {  	[tilespmem:s7], [sflag:$0x3] =	stream.indirect.gather [hbm4b:s1+s29], $0x80, s0, s29, $0xb8;
	[tilespmem:$0x14400] =	vst v63  }
0x82: {  	_ =	swait.ge [sflag:s17], $0x5000  }
0x83: {  	[sflag:s17] =	ssyncset.done $0x0  }
0x84: {  	[sflag:s17] =	ssyncadd.s32 $0xFFFFB000  }
0x85: {  	[tilespmem:s8], [sflag:$0x9] =	stream.linear.gather [hbm4b:s24+s4], $0xA0, $0x38;
	[tilespmem:$0x14400] =	vst v63  }
.Ltmp3:
0x86: {  	_ = 	snop;
	(pc) =	sbr.rel .LBB2_2-.Ltmp3, $4  }
0x87: {  	s21 =	sadd.s32 $0x280, s21;
	_ =	swait.ge [sflag:s28], $0xA0  }
0x88: {  	s19 =	sadd.s32 $0x2800, s19;
	s22 =	sadd.s32 $0x50, s22;
	[sflag:s28] =	ssyncset.done $0x0  }
0x89: {  	s23 =	sadd.s32 $0x50, s23;
	s24 =	sadd.s32 $0x50, s24;
	[sflag:s28] =	ssyncadd.s32 $0xFFFFFF60  }
0x8a: {  	[tilespmem:s9], [sflag:$0x4] =	stream.indirect.gather [hbm4b:s1+s29], $0x80, s8, s29, $0xb8;
	[tilespmem:$0x14400] =	vst v63  }
.LBB2_4:
0x8b: {  	_ =	swait.ge [sflag:s15], $0x5000  }
0x8c: {  	[sflag:s15] =	ssyncset.done $0x0  }
0x8d: {  	[sflag:s15] =	ssyncadd.s32 $0xFFFFB000  }
0x8e: {  	_ =	swait.ge [sflag:s16], $0x5000  }
0x8f: {  	[sflag:s16] =	ssyncset.done $0x0  }
0x90: {  	[sflag:s16] =	ssyncadd.s32 $0xFFFFB000  }
0x91: {  	_ =	swait.ge [sflag:s17], $0x5000  }
0x92: {  	[sflag:s17] =	ssyncset.done $0x0  }
0x93: {  	s19 =	simm.s32 $0x0;
	s18 =	rddreg [dreg:$0x9];
	[sflag:s17] =	ssyncadd.s32 $0xFFFFB000  }
0x94: {  	[tilespmem:s19], [sflag:$0x9] =	stream.linear.gather [hbm4b:s18+s19], $0xA0, $0x38;
	[tilespmem:$0x14400] =	vst v63  }
0x95: {  	_ =	swait.ge [sflag:s28], $0xA0  }
0x96: {  	[sflag:s28] =	ssyncset.done $0x0  }
0x97: {  	[sflag:s28] =	ssyncadd.s32 $0xFFFFFF60  }
0x98: {  	[tilespmem:s30], [sflag:$0x1] =	stream.indirect.gather [hbm4b:s2+s29], $0x80, s19, s29, $0xb8;
	[tilespmem:$0x14400] =	vst v63  }
0x99: {  	s22 =	rddreg [dreg:$0xa]  }
0x9a: {  	[tilespmem:s31], [sflag:$0x9] =	stream.linear.gather [hbm4b:s22+s19], $0xA0, $0x38;
	[tilespmem:$0x14400] =	vst v63  }
0x9b: {  	_ =	swait.ge [sflag:s28], $0xA0  }
0x9c: {  	[sflag:s28] =	ssyncset.done $0x0  }
0x9d: {  	[sflag:s28] =	ssyncadd.s32 $0xFFFFFF60  }
0x9e: {  	[tilespmem:s3], [sflag:$0x2] =	stream.indirect.gather [hbm4b:s2+s29], $0x80, s31, s29, $0xb8;
	[tilespmem:$0x14400] =	vst v63  }
0x9f: {  	s23 =	rddreg [dreg:$0xb]  }
0xa0: {  	[tilespmem:s0], [sflag:$0x9] =	stream.linear.gather [hbm4b:s23+s19], $0xA0, $0x38;
	[tilespmem:$0x14400] =	vst v63  }
0xa1: {  	_ =	swait.ge [sflag:s28], $0xA0  }
0xa2: {  	[sflag:s28] =	ssyncset.done $0x0  }
0xa3: {  	[sflag:s28] =	ssyncadd.s32 $0xFFFFFF60  }
0xa4: {  	[tilespmem:s7], [sflag:$0x3] =	stream.indirect.gather [hbm4b:s2+s29], $0x80, s0, s29, $0xb8;
	[tilespmem:$0x14400] =	vst v63  }
0xa5: {  	s24 =	rddreg [dreg:$0xc]  }
0xa6: {  	[tilespmem:s8], [sflag:$0x9] =	stream.linear.gather [hbm4b:s24+s19], $0xA0, $0x38;
	[tilespmem:$0x14400] =	vst v63  }
0xa7: {  	_ =	swait.ge [sflag:s28], $0xA0  }
0xa8: {  	s21 =	rddreg [dreg:$0x13]  }
0xa9: {  	s22 =	rddreg [dreg:$0x16]  }
0xaa: {  	[sflag:s28] =	ssyncset.done $0x0;
	s23 =	rddreg [dreg:$0x15]  }
0xab: {  	s24 =	rddreg [dreg:$0x14];
	[sflag:s28] =	ssyncadd.s32 $0xFFFFFF60  }
0xac: {  	[tilespmem:s9], [sflag:$0x4] =	stream.indirect.gather [hbm4b:s2+s29], $0x80, s8, s29, $0xb8;
	[tilespmem:$0x14400] =	vst v63  }
.LBB2_5:
0xad: {  	_ =	swait.ge [sflag:s10], $0x5000  }
0xae: {  	[sflag:s10] =	ssyncset.done $0x0  }
0xaf: {  	s18 =	sadd.s32 s19, s26;
	[sflag:s10] =	ssyncadd.s32 $0xFFFFB000  }
0xb0: {  	[hbm4b:s18+s4] =	stream.linear.scatter [tilespmem:s30], [sflag:$0x5], $0x5000, $0x38;
	[tilespmem:$0x14400] =	vst v63  }
0xb1: {  	_ =	swait.ge [sflag:s11], $0x5000  }
0xb2: {  	[sflag:s11] =	ssyncset.done $0x0  }
0xb3: {  	s20 =	sadd.s32 $0xA00, s18;
	[sflag:s11] =	ssyncadd.s32 $0xFFFFB000  }
0xb4: {  	[hbm4b:s20+s4] =	stream.linear.scatter [tilespmem:s3], [sflag:$0x6], $0x5000, $0x38;
	[tilespmem:$0x14400] =	vst v63  }
0xb5: {  	_ =	swait.ge [sflag:s12], $0x5000  }
0xb6: {  	[sflag:s12] =	ssyncset.done $0x0  }
0xb7: {  	s20 =	sadd.s32 $0x1400, s18;
	[sflag:s12] =	ssyncadd.s32 $0xFFFFB000  }
0xb8: {  	[hbm4b:s20+s4] =	stream.linear.scatter [tilespmem:s7], [sflag:$0x7], $0x5000, $0x38;
	[tilespmem:$0x14400] =	vst v63  }
0xb9: {  	_ =	swait.ge [sflag:s13], $0x5000  }
0xba: {  	p0 =	seq.s32 s19, $0xA000;
	[sflag:s13] =	ssyncset.done $0x0  }
.Ltmp4:
0xbb: {  	s18 =	sadd.s32 $0x1E00, s18;
	[sflag:s13] =	ssyncadd.s32 $0xFFFFB000;
	(pc) =	sbr.rel @p0 .LBB2_7-.Ltmp4, $4  }
0xbc: {  	[hbm4b:s18+s4] =	stream.linear.scatter [tilespmem:s9], [sflag:$0x8], $0x5000, $0x38;
	[tilespmem:$0x14400] =	vst v63  }
0xbd: {  	_ =	swait.ge [sflag:s14], $0x5000  }
0xbe: {  	[sflag:s14] =	ssyncset.done $0x0  }
0xbf: {  	[sflag:s14] =	ssyncadd.s32 $0xFFFFB000  }
0xc0: {  	s18 =	sshrl.u32 s21, $0x3  }
0xc1: {  	s18 =	sadd.s32 s6, s18  }
0xc2: {  	[tilespmem:s4], [sflag:$0x9] =	stream.linear.gather [hbm4b:s18+s4], $0xA0, $0x38;
	[tilespmem:$0x14400] =	vst v63  }
0xc3: {  	_ =	swait.ge [sflag:s28], $0xA0  }
0xc4: {  	[sflag:s28] =	ssyncset.done $0x0  }
0xc5: {  	[sflag:s28] =	ssyncadd.s32 $0xFFFFFF60  }
0xc6: {  	[tilespmem:s30], [sflag:$0x1] =	stream.indirect.gather [hbm4b:s2+s29], $0x80, s4, s29, $0xb8;
	[tilespmem:$0x14400] =	vst v63  }
0xc7: {  	_ =	swait.ge [sflag:s15], $0x5000  }
0xc8: {  	[sflag:s15] =	ssyncset.done $0x0  }
0xc9: {  	[sflag:s15] =	ssyncadd.s32 $0xFFFFB000  }
0xca: {  	[tilespmem:s31], [sflag:$0x9] =	stream.linear.gather [hbm4b:s22+s4], $0xA0, $0x38;
	[tilespmem:$0x14400] =	vst v63  }
0xcb: {  	_ =	swait.ge [sflag:s28], $0xA0  }
0xcc: {  	[sflag:s28] =	ssyncset.done $0x0  }
0xcd: {  	[sflag:s28] =	ssyncadd.s32 $0xFFFFFF60  }
0xce: {  	[tilespmem:s3], [sflag:$0x2] =	stream.indirect.gather [hbm4b:s2+s29], $0x80, s31, s29, $0xb8;
	[tilespmem:$0x14400] =	vst v63  }
0xcf: {  	_ =	swait.ge [sflag:s16], $0x5000  }
0xd0: {  	[sflag:s16] =	ssyncset.done $0x0  }
0xd1: {  	[sflag:s16] =	ssyncadd.s32 $0xFFFFB000  }
0xd2: {  	[tilespmem:s0], [sflag:$0x9] =	stream.linear.gather [hbm4b:s23+s4], $0xA0, $0x38;
	[tilespmem:$0x14400] =	vst v63  }
0xd3: {  	_ =	swait.ge [sflag:s28], $0xA0  }
0xd4: {  	[sflag:s28] =	ssyncset.done $0x0  }
0xd5: {  	[sflag:s28] =	ssyncadd.s32 $0xFFFFFF60  }
0xd6: {  	[tilespmem:s7], [sflag:$0x3] =	stream.indirect.gather [hbm4b:s2+s29], $0x80, s0, s29, $0xb8;
	[tilespmem:$0x14400] =	vst v63  }
0xd7: {  	_ =	swait.ge [sflag:s17], $0x5000  }
0xd8: {  	[sflag:s17] =	ssyncset.done $0x0  }
0xd9: {  	[sflag:s17] =	ssyncadd.s32 $0xFFFFB000  }
0xda: {  	[tilespmem:s8], [sflag:$0x9] =	stream.linear.gather [hbm4b:s24+s4], $0xA0, $0x38;
	[tilespmem:$0x14400] =	vst v63  }
.Ltmp5:
0xdb: {  	_ = 	snop;
	(pc) =	sbr.rel .LBB2_5-.Ltmp5, $4  }
0xdc: {  	s21 =	sadd.s32 $0x280, s21;
	_ =	swait.ge [sflag:s28], $0xA0  }
0xdd: {  	s19 =	sadd.s32 $0x2800, s19;
	s22 =	sadd.s32 $0x50, s22;
	[sflag:s28] =	ssyncset.done $0x0  }
0xde: {  	s23 =	sadd.s32 $0x50, s23;
	s24 =	sadd.s32 $0x50, s24;
	[sflag:s28] =	ssyncadd.s32 $0xFFFFFF60  }
0xdf: {  	[tilespmem:s9], [sflag:$0x4] =	stream.indirect.gather [hbm4b:s2+s29], $0x80, s8, s29, $0xb8;
	[tilespmem:$0x14400] =	vst v63  }
.LBB2_8:
0xe0: {  	_ =	sfence.sel $0x180000  }
0xe1: {  	[bflag:$0x0] =	sbarrier.arrive $0xFFFF  }
0xe2: {  	_ =	strace $0x9000004A  }
0xe3: {  	s0 =	stileid.u32;
	[bflag:$0x2] =	sbarrier.arrive $0xFFFF  }
0xe4: {  	p0 =	sne.s32 s0, $0x0;
	s0 =	rddreg [dreg:$0x4]  }
0xe5: {  	s0 =	sadd.s32 @!p0 $0x100000, s0  }
0xe6: {  	[sflag:s0] =	ssyncadd.tile.s32 @!p0 $0x1;
	_ =	shalt  }
.Lfunc_end2:
_tile_overlayer_lowered:
.L_overlay_start_2:
0xe7: {  	(tag) =	ssettag $0x2  }
0xe8: {  	s0 =	rddreg [dreg:$0x0];
	s2 =	stileid.u32  }
0xe9: {  	s1 =	rddreg [dreg:$0x1];
	p0 =	sne.s32 s2, $0x0  }
0xea: {  	s3 =	rddreg [dreg:$0x2];
	[bflag:$0x3] =	sbarrier.arrive $0xFFFF;
	s2 =	simm.s32 @!p0 $0x1C09  }
0xeb: {  	[timem:s3], [sflag:s2] =	dma.local @!p0 [hbm:s0], s1  }
0xec: {  	s0 =	simm.s32 @!p0 $0x9  }
0xed: {  	_ =	swait.ge @!p0 [sflag:s0], s1  }
0xee: {  	s1 =	ssub.s32 @!p0 $0x0, s1;
	[sflag:s0] =	ssyncset.done @!p0 $0x0  }
0xef: {  	[sflag:s0] =	ssyncadd.s32 @!p0 s1  }
0xf0: {  	[bflag:$0x3] =	sbarrier.arrive $0xFFFF  }
0xf1: {  	_ =	shalt  }

</sc_bundles>
